<compile_context>
chip_gen: v7x
topology: tpu7x:2x2x1
jax: 0.10.2.dev20260603
libtpu: 0.0.44.dev20260713+nightly
codegen_flags: <defaults>
</compile_context>

<pallas_src>
import functools

import jax
import jax.numpy as jnp
from jax import lax
from jax.experimental import pallas as pl
from jax.experimental.pallas import tpu as pltpu
from jax.experimental.pallas import tpu_sc as plsc

NC = 2
NS = 16
NW = NC * NS
K = 128
KG = 64


def _cdiv(a, b):
    return (a + b - 1) // b


def _stage_blocks(rpt, blk=K):
    return [(r * blk, min(blk, rpt - r * blk)) for r in range(_cdiv(rpt, blk))]


SLOW_FRAC = 0.34


@functools.lru_cache(maxsize=None)
def _sc_aggregate(N, D, EP, NP):
    CH = EP // (NW * KG)
    CH1 = 2 * int(round(CH * SLOW_FRAC / 2))
    CH0 = 2 * CH - CH1
    RPT = NP // NS

    mesh = plsc.VectorSubcoreMesh(core_axis_name="c", subcore_axis_name="s")

    @functools.partial(
        pl.kernel,
        mesh=mesh,
        out_type=jax.ShapeDtypeStruct((NC * NP, D), jnp.float32),
        scratch_types=[
            pltpu.VMEM((2 * KG,), jnp.int32),
            pltpu.VMEM((2 * KG,), jnp.int32),
            pltpu.VMEM((KG,), jnp.int32),
            pltpu.VMEM((KG,), jnp.int32),
            pltpu.VMEM((KG,), jnp.int32),
            pltpu.VMEM((KG,), jnp.int32),
            pltpu.VMEM((KG, D), jnp.float32),
            pltpu.VMEM((KG, D), jnp.float32),
            pltpu.VMEM_SHARED((NP, D), jnp.float32),
            pltpu.SemaphoreType.DMA,
            pltpu.SemaphoreType.DMA,
            pltpu.SemaphoreType.DMA,
            pltpu.SemaphoreType.DMA,
            pltpu.SemaphoreType.DMA,
            pltpu.SemaphoreType.DMA,
        ],
    )
    def agg(x_hbm, pairs_hbm, zn_hbm, nei_out,
            p0, p1, s0, s1, d0, d1, r0, r1, acc,
            ps0, ps1, gs0, gs1, ss0, ss1):
        cid = lax.axis_index("c")
        sid = lax.axis_index("s")
        wid = cid * NS + sid
        pairs = (p0, p1)
        srcs = (s0, s1)
        dsts = (d0, d1)
        rows = (r0, r1)
        psems = (ps0, ps1)
        gsems = (gs0, gs1)
        ssems = (ss0, ss1)

        rows0 = sid * RPT
        pltpu.sync_copy(zn_hbm, r0)
        for off, sz in _stage_blocks(RPT, KG):
            pltpu.sync_copy(r0.at[pl.ds(0, sz)],
                            acc.at[pl.ds(rows0 + off, sz)])
        plsc.subcore_barrier()

        chT = jnp.where(cid == 0, CH0, CH1)
        prow0 = jnp.where(cid == 0, sid * CH0, NS * CH0 + sid * CH1)
        pltpu.async_copy(pairs_hbm.at[prow0], p0, ps0)
        pltpu.async_copy(pairs_hbm.at[prow0 + 1], p1, ps1)

        def pair_iter(g2, carry):
            for b in (0, 1):
                g = g2 * 2 + b
                nb = 1 - b
                pb, sb, db, rb = pairs[b], srcs[b], dsts[b], rows[b]

                pltpu.make_async_copy(pairs_hbm.at[prow0], pb,
                                      psems[b]).wait()

                @pl.when(g >= 2)
                def _wait_prev_scatter():
                    pltpu.make_async_copy(rb, acc.at[db], ssems[b]).wait()

                for i in range(KG // 16):
                    sb[pl.ds(i * 16, 16)] = pb[pl.ds(i * 16, 16)]
                    db[pl.ds(i * 16, 16)] = pb[pl.ds(KG + i * 16, 16)]

                @pl.when(g + 2 < chT)
                def _prefetch_pair():
                    pltpu.async_copy(pairs_hbm.at[prow0 + g + 2], pb,
                                     psems[b])

                pltpu.async_copy(x_hbm.at[sb], rb, gsems[b])

                @pl.when(g >= 1)
                def _scatter_prev():
                    pltpu.make_async_copy(x_hbm.at[srcs[nb]], rows[nb],
                                          gsems[nb]).wait()
                    pltpu.async_copy(rows[nb], acc.at[dsts[nb]],
                                     ssems[nb], add=True)
            return carry

        lax.fori_loop(0, chT // 2, pair_iter, 0)
        pltpu.make_async_copy(x_hbm.at[s1], r1, gs1).wait()
        pltpu.async_copy(r1, acc.at[d1], ss1, add=True)
        pltpu.make_async_copy(r0, acc.at[d0], ss0).wait()
        pltpu.make_async_copy(r1, acc.at[d1], ss1).wait()
        plsc.subcore_barrier()

        out0 = cid * NP + rows0
        for off, sz in _stage_blocks(RPT, KG):
            buf = rows[(off // KG) % 2]
            pltpu.sync_copy(acc.at[pl.ds(rows0 + off, sz)],
                            buf.at[pl.ds(0, sz)])
            pltpu.sync_copy(buf.at[pl.ds(0, sz)],
                            nei_out.at[pl.ds(out0 + off, sz)])

    return agg


@functools.lru_cache(maxsize=None)
def _sc_degree(D, EP, NP):
    CH = EP // (NW * K)
    RPT = NP // NS

    mesh = plsc.VectorSubcoreMesh(core_axis_name="c", subcore_axis_name="s")

    @functools.partial(
        pl.kernel,
        mesh=mesh,
        out_type=jax.ShapeDtypeStruct((NC * NP, D), jnp.float32),
        scratch_types=[
            pltpu.VMEM((K,), jnp.int32),
            pltpu.VMEM((K, D), jnp.float32),
            pltpu.VMEM_SHARED((NP, D), jnp.float32),
        ],
    )
    def deg(dstp_hbm, zn_hbm, ones_hbm, deg_out,
            dst_v, st_v, dacc):
        cid = lax.axis_index("c")
        sid = lax.axis_index("s")
        wid = cid * NS + sid

        rows0 = sid * RPT
        pltpu.sync_copy(zn_hbm, st_v)
        for off, sz in _stage_blocks(RPT):
            pltpu.sync_copy(st_v.at[pl.ds(0, sz)],
                            dacc.at[pl.ds(rows0 + off, sz)])
        pltpu.sync_copy(ones_hbm, st_v)
        plsc.subcore_barrier()

        def chunk(g, carry):
            base = (wid * CH + g) * K
            pltpu.sync_copy(dstp_hbm.at[pl.ds(base, K)], dst_v)
            pltpu.sync_copy(st_v, dacc.at[dst_v], add=True)
            return carry

        lax.fori_loop(0, CH, chunk, 0)
        plsc.subcore_barrier()

        out0 = cid * NP + rows0
        for off, sz in _stage_blocks(RPT):
            pltpu.sync_copy(dacc.at[pl.ds(rows0 + off, sz)],
                            st_v.at[pl.ds(0, sz)])
            pltpu.sync_copy(st_v.at[pl.ds(0, sz)],
                            deg_out.at[pl.ds(out0 + off, sz)])

    return deg


def _finalize_body(x_ref, nei_ref, deg_ref, w_ref, b_ref, o_ref, *, D):
    nei = nei_ref[0] + nei_ref[1]
    deg = deg_ref[0, :, 0:1] + deg_ref[1, :, 0:1]
    mean = nei / jnp.maximum(deg, 1.0)
    o_ref[...] = (
        jnp.dot(x_ref[...], w_ref[0:D, :], preferred_element_type=jnp.float32)
        + jnp.dot(mean, w_ref[D:, :], preferred_element_type=jnp.float32)
        + b_ref[...]
    )


def kernel(x, edge_index, weight, bias):
    N, D = x.shape
    E = edge_index.shape[1]
    OUT = weight.shape[1]

    CH = _cdiv(E, NW * K)
    EP = NW * K * CH
    NP = _cdiv(N + 1, 128) * 128

    src = edge_index[0]
    dst = edge_index[1]
    pad = EP - E
    srcp = jnp.concatenate([src, jnp.zeros((pad,), jnp.int32)])
    dstp = jnp.concatenate([dst, jnp.full((pad,), N, jnp.int32)])
    pairs = jnp.concatenate(
        [srcp.reshape(-1, KG), dstp.reshape(-1, KG)], axis=1)
    zn = jnp.zeros((K, D), jnp.float32)
    zn_g = jnp.zeros((KG, D), jnp.float32)
    ones_k = jnp.ones((K, D), jnp.float32)

    nei_flat = _sc_aggregate(N, D, EP, NP)(x, pairs, zn_g)
    deg_flat = _sc_degree(D, EP, NP)(dstp, zn, ones_k)
    nei_p = nei_flat.reshape(NC, NP, D)
    deg_p = deg_flat.reshape(NC, NP, D)

    BR = 2000
    out = pl.pallas_call(
        functools.partial(_finalize_body, D=D),
        grid=(N // BR,),
        in_specs=[
            pl.BlockSpec((BR, D), lambda i: (i, 0)),
            pl.BlockSpec((NC, BR, D), lambda i: (0, i, 0)),
            pl.BlockSpec((NC, BR, D), lambda i: (0, i, 0)),
            pl.BlockSpec((2 * D, OUT), lambda i: (0, 0)),
            pl.BlockSpec((1, OUT), lambda i: (0, 0)),
        ],
        out_specs=pl.BlockSpec((BR, OUT), lambda i: (i, 0)),
        out_shape=jax.ShapeDtypeStruct((N, OUT), jnp.float32),
    )(x, nei_p, deg_p, weight, bias.reshape(1, OUT))
    return out

# --- scband reference (transcript-rebuilt; emitter-appended) ---
"""Pipeline reference for scband-graph-sageconvolution-64132451664570 (READ-ONLY COPY).

The authoritative reference and input builder live on the scoring server;
editing this copy changes nothing except your own understanding.
"""

import jax, jax.numpy as jnp
import numpy as np

N = 10000
E = 320000
D = 128
OUT = 128


def setup_inputs(seed: int = 0) -> dict:
    key = jax.random.key(seed)
    k1, k2, k3, k4 = jax.random.split(key, 4)
    x = jax.random.normal(k1, (N, D), dtype=jnp.float32)
    edge_index = jax.random.randint(k2, (2, E), 0, N, dtype=jnp.int32)
    stdv = 1.0 / np.sqrt(OUT)
    # aggregator='mean' -> weight shape [2*in_features, out_features] so that
    # cat([input, mean_aggregated_neighbors], dim=1) @ weight is well-formed
    weight = jax.random.uniform(k3, (2 * D, OUT), dtype=jnp.float32, minval=-stdv, maxval=stdv)
    bias = jax.random.uniform(k4, (OUT,), dtype=jnp.float32, minval=-stdv, maxval=stdv)
    return {"x": x, "edge_index": edge_index, "weight": weight, "bias": bias}


def reference(x, edge_index, weight, bias):
    # adj is the (row-normalized) sparse adjacency; torch.sparse.mm(adj, input)
    # with mean aggregation == per-dst mean of gathered src features.
    src = edge_index[0]
    dst = edge_index[1]
    msgs = jnp.take(x, src, axis=0)                         # gather [E, D]
    nei_sum = jax.ops.segment_sum(msgs, dst, num_segments=N)  # scatter-add [N, D]
    deg = jax.ops.segment_sum(jnp.ones((E,), dtype=x.dtype), dst, num_segments=N)
    nei_mean = nei_sum / jnp.clip(deg, 1.0)[:, None]
    h = jnp.concatenate([x, nei_mean], axis=1)              # [N, 2D]
    out = h @ weight + bias                                  # [N, OUT]
    return out

if __name__ == "__main__":
    import jax
    _d = setup_inputs()
    print(jax.jit(kernel)(*tuple(_d.values())))

</pallas_src>

<mosaic_0001>
#map = affine_map<(d0, d1) -> (0, 0)>
module attributes {stable_mosaic.version = 14 : i64} {
  func.func @agg(%arg0: i32, %arg1: i32, %arg2: memref<10000x128xf32, #tpu.memory_space<hbm>>, %arg3: memref<5056x128xi32, #tpu.memory_space<hbm>>, %arg4: memref<64x128xf32, #tpu.memory_space<hbm>>, %arg5: memref<20224x128xf32, #tpu.memory_space<hbm>>, %arg6: memref<128xi32, #tpu.memory_space<vmem>>, %arg7: memref<128xi32, #tpu.memory_space<vmem>>, %arg8: memref<64xi32, #tpu.memory_space<vmem>>, %arg9: memref<64xi32, #tpu.memory_space<vmem>>, %arg10: memref<64xi32, #tpu.memory_space<vmem>>, %arg11: memref<64xi32, #tpu.memory_space<vmem>>, %arg12: memref<64x128xf32, #tpu.memory_space<vmem>>, %arg13: memref<64x128xf32, #tpu.memory_space<vmem>>, %arg14: memref<10112x128xf32, #tpu.memory_space<vmem_shared>>, %arg15: memref<!tpu.dma_semaphore, #tpu.memory_space<semaphore_mem>>, %arg16: memref<!tpu.dma_semaphore, #tpu.memory_space<semaphore_mem>>, %arg17: memref<!tpu.dma_semaphore, #tpu.memory_space<semaphore_mem>>, %arg18: memref<!tpu.dma_semaphore, #tpu.memory_space<semaphore_mem>>, %arg19: memref<!tpu.dma_semaphore, #tpu.memory_space<semaphore_mem>>, %arg20: memref<!tpu.dma_semaphore, #tpu.memory_space<semaphore_mem>>) attributes {dimension_semantics = [#tpu.dimension_semantics<core_parallel>, #tpu.dimension_semantics<subcore_parallel>], iteration_bounds = array<i64: 2, 16>, scalar_prefetch = 0 : i64, scratch_operands = 15 : i64, tpu.core_type = #tpu.core_type<sc_vector_subcore>, window_params = [{transform_indices = #map}, {transform_indices = #map}, {transform_indices = #map}, {transform_indices = #map}]} {
    %mul3A = arith.constant 16 : i32
    %mul3A_0 = arith.muli %arg0, %mul3A : i32
    %add3A = arith.addi %mul3A_0, %arg1 : i32
    %mul3A_1 = arith.constant 632 : i32
    %mul3A_2 = arith.muli %arg1, %mul3A_1 : i32
    "tpu.region"() ({
      %run_scoped3A = tpu.sem_alloc : memref<!tpu.dma_semaphore, #tpu.memory_space<semaphore_mem>>
      tpu.enqueue_dma source(%arg4 : memref<64x128xf32, #tpu.memory_space<hbm>>) target(%arg12 : memref<64x128xf32, #tpu.memory_space<vmem>>) target_semaphore(%run_scoped3A : memref<!tpu.dma_semaphore, #tpu.memory_space<semaphore_mem>>)
      tpu.wait_dma2 semaphore(%run_scoped3A : memref<!tpu.dma_semaphore, #tpu.memory_space<semaphore_mem>>) src(%arg4 : memref<64x128xf32, #tpu.memory_space<hbm>>) dst(%arg12 : memref<64x128xf32, #tpu.memory_space<vmem>>)
      tpu.yield
    }) : () -> ()
    %add3A_3 = arith.constant 0 : i32
    %add3A_4 = arith.addi %mul3A_2, %add3A_3 : i32
    "tpu.region"() ({
      %run_scoped3A = tpu.sem_alloc : memref<!tpu.dma_semaphore, #tpu.memory_space<semaphore_mem>>
      %dma_start3A_129 = arith.constant 0 : i32
      %dma_start3A_130 = arith.constant 0 : i32
      %dma_start3A_131 = tpu.memref_slice %arg12[%dma_start3A_129, %dma_start3A_130] : memref<64x128xf32, #tpu.memory_space<vmem>> -> memref<64x128xf32, #tpu.memory_space<vmem>>
      %dma_start3A_132 = arith.constant 0 : i32
      %dma_start3A_133 = tpu.memref_slice %arg14[%add3A_4, %dma_start3A_132] : memref<10112x128xf32, #tpu.memory_space<vmem_shared>> -> memref<64x128xf32, #tpu.memory_space<vmem_shared>>
      %dma_start3A_134 = arith.constant 0 : i32
      %dma_start3A_135 = tpu.memref_slice %arg14[%add3A_4, %dma_start3A_134] : memref<10112x128xf32, #tpu.memory_space<vmem_shared>> -> memref<64x128xf32, #tpu.memory_space<vmem_shared>>
      %dma_start3A_136 = arith.constant 0 : i32
      %dma_start3A_137 = arith.constant 0 : i32
      %dma_start3A_138 = tpu.memref_slice %arg12[%dma_start3A_136, %dma_start3A_137] : memref<64x128xf32, #tpu.memory_space<vmem>> -> memref<64x128xf32, #tpu.memory_space<vmem>>
      tpu.enqueue_dma source(%dma_start3A_138 : memref<64x128xf32, #tpu.memory_space<vmem>>) target(%dma_start3A_135 : memref<64x128xf32, #tpu.memory_space<vmem_shared>>) target_semaphore(%run_scoped3A : memref<!tpu.dma_semaphore, #tpu.memory_space<semaphore_mem>>)
      %dma_wait3A_139 = arith.constant 0 : i32
      %dma_wait3A_140 = arith.constant 0 : i32
      %dma_wait3A_141 = tpu.memref_slice %arg12[%dma_wait3A_139, %dma_wait3A_140] : memref<64x128xf32, #tpu.memory_space<vmem>> -> memref<64x128xf32, #tpu.memory_space<vmem>>
      %dma_wait3A_142 = arith.constant 0 : i32
      %dma_wait3A_143 = tpu.memref_slice %arg14[%add3A_4, %dma_wait3A_142] : memref<10112x128xf32, #tpu.memory_space<vmem_shared>> -> memref<64x128xf32, #tpu.memory_space<vmem_shared>>
      %dma_wait3A_144 = arith.constant 0 : i32
      %dma_wait3A_145 = tpu.memref_slice %arg14[%add3A_4, %dma_wait3A_144] : memref<10112x128xf32, #tpu.memory_space<vmem_shared>> -> memref<64x128xf32, #tpu.memory_space<vmem_shared>>
      %dma_wait3A_146 = arith.constant 0 : i32
      %dma_wait3A_147 = arith.constant 0 : i32
      %dma_wait3A_148 = tpu.memref_slice %arg12[%dma_wait3A_146, %dma_wait3A_147] : memref<64x128xf32, #tpu.memory_space<vmem>> -> memref<64x128xf32, #tpu.memory_space<vmem>>
      tpu.wait_dma2 semaphore(%run_scoped3A : memref<!tpu.dma_semaphore, #tpu.memory_space<semaphore_mem>>) src(%dma_wait3A_148 : memref<64x128xf32, #tpu.memory_space<vmem>>) dst(%dma_wait3A_145 : memref<64x128xf32, #tpu.memory_space<vmem_shared>>)
      tpu.yield
    }) : () -> ()
    %add3A_5 = arith.constant 64 : i32
    %add3A_6 = arith.addi %mul3A_2, %add3A_5 : i32
    "tpu.region"() ({
      %run_scoped3A = tpu.sem_alloc : memref<!tpu.dma_semaphore, #tpu.memory_space<semaphore_mem>>
      %dma_start3A_129 = arith.constant 0 : i32
      %dma_start3A_130 = arith.constant 0 : i32
      %dma_start3A_131 = tpu.memref_slice %arg12[%dma_start3A_129, %dma_start3A_130] : memref<64x128xf32, #tpu.memory_space<vmem>> -> memref<64x128xf32, #tpu.memory_space<vmem>>
      %dma_start3A_132 = arith.constant 0 : i32
      %dma_start3A_133 = tpu.memref_slice %arg14[%add3A_6, %dma_start3A_132] : memref<10112x128xf32, #tpu.memory_space<vmem_shared>> -> memref<64x128xf32, #tpu.memory_space<vmem_shared>>
      %dma_start3A_134 = arith.constant 0 : i32
      %dma_start3A_135 = tpu.memref_slice %arg14[%add3A_6, %dma_start3A_134] : memref<10112x128xf32, #tpu.memory_space<vmem_shared>> -> memref<64x128xf32, #tpu.memory_space<vmem_shared>>
      %dma_start3A_136 = arith.constant 0 : i32
      %dma_start3A_137 = arith.constant 0 : i32
      %dma_start3A_138 = tpu.memref_slice %arg12[%dma_start3A_136, %dma_start3A_137] : memref<64x128xf32, #tpu.memory_space<vmem>> -> memref<64x128xf32, #tpu.memory_space<vmem>>
      tpu.enqueue_dma source(%dma_start3A_138 : memref<64x128xf32, #tpu.memory_space<vmem>>) target(%dma_start3A_135 : memref<64x128xf32, #tpu.memory_space<vmem_shared>>) target_semaphore(%run_scoped3A : memref<!tpu.dma_semaphore, #tpu.memory_space<semaphore_mem>>)
      %dma_wait3A_139 = arith.constant 0 : i32
      %dma_wait3A_140 = arith.constant 0 : i32
      %dma_wait3A_141 = tpu.memref_slice %arg12[%dma_wait3A_139, %dma_wait3A_140] : memref<64x128xf32, #tpu.memory_space<vmem>> -> memref<64x128xf32, #tpu.memory_space<vmem>>
      %dma_wait3A_142 = arith.constant 0 : i32
      %dma_wait3A_143 = tpu.memref_slice %arg14[%add3A_6, %dma_wait3A_142] : memref<10112x128xf32, #tpu.memory_space<vmem_shared>> -> memref<64x128xf32, #tpu.memory_space<vmem_shared>>
      %dma_wait3A_144 = arith.constant 0 : i32
      %dma_wait3A_145 = tpu.memref_slice %arg14[%add3A_6, %dma_wait3A_144] : memref<10112x128xf32, #tpu.memory_space<vmem_shared>> -> memref<64x128xf32, #tpu.memory_space<vmem_shared>>
      %dma_wait3A_146 = arith.constant 0 : i32
      %dma_wait3A_147 = arith.constant 0 : i32
      %dma_wait3A_148 = tpu.memref_slice %arg12[%dma_wait3A_146, %dma_wait3A_147] : memref<64x128xf32, #tpu.memory_space<vmem>> -> memref<64x128xf32, #tpu.memory_space<vmem>>
      tpu.wait_dma2 semaphore(%run_scoped3A : memref<!tpu.dma_semaphore, #tpu.memory_space<semaphore_mem>>) src(%dma_wait3A_148 : memref<64x128xf32, #tpu.memory_space<vmem>>) dst(%dma_wait3A_145 : memref<64x128xf32, #tpu.memory_space<vmem_shared>>)
      tpu.yield
    }) : () -> ()
    %add3A_7 = arith.constant 128 : i32
    %add3A_8 = arith.addi %mul3A_2, %add3A_7 : i32
    "tpu.region"() ({
      %run_scoped3A = tpu.sem_alloc : memref<!tpu.dma_semaphore, #tpu.memory_space<semaphore_mem>>
      %dma_start3A_129 = arith.constant 0 : i32
      %dma_start3A_130 = arith.constant 0 : i32
      %dma_start3A_131 = tpu.memref_slice %arg12[%dma_start3A_129, %dma_start3A_130] : memref<64x128xf32, #tpu.memory_space<vmem>> -> memref<64x128xf32, #tpu.memory_space<vmem>>
      %dma_start3A_132 = arith.constant 0 : i32
      %dma_start3A_133 = tpu.memref_slice %arg14[%add3A_8, %dma_start3A_132] : memref<10112x128xf32, #tpu.memory_space<vmem_shared>> -> memref<64x128xf32, #tpu.memory_space<vmem_shared>>
      %dma_start3A_134 = arith.constant 0 : i32
      %dma_start3A_135 = tpu.memref_slice %arg14[%add3A_8, %dma_start3A_134] : memref<10112x128xf32, #tpu.memory_space<vmem_shared>> -> memref<64x128xf32, #tpu.memory_space<vmem_shared>>
      %dma_start3A_136 = arith.constant 0 : i32
      %dma_start3A_137 = arith.constant 0 : i32
      %dma_start3A_138 = tpu.memref_slice %arg12[%dma_start3A_136, %dma_start3A_137] : memref<64x128xf32, #tpu.memory_space<vmem>> -> memref<64x128xf32, #tpu.memory_space<vmem>>
      tpu.enqueue_dma source(%dma_start3A_138 : memref<64x128xf32, #tpu.memory_space<vmem>>) target(%dma_start3A_135 : memref<64x128xf32, #tpu.memory_space<vmem_shared>>) target_semaphore(%run_scoped3A : memref<!tpu.dma_semaphore, #tpu.memory_space<semaphore_mem>>)
      %dma_wait3A_139 = arith.constant 0 : i32
      %dma_wait3A_140 = arith.constant 0 : i32
      %dma_wait3A_141 = tpu.memref_slice %arg12[%dma_wait3A_139, %dma_wait3A_140] : memref<64x128xf32, #tpu.memory_space<vmem>> -> memref<64x128xf32, #tpu.memory_space<vmem>>
      %dma_wait3A_142 = arith.constant 0 : i32
      %dma_wait3A_143 = tpu.memref_slice %arg14[%add3A_8, %dma_wait3A_142] : memref<10112x128xf32, #tpu.memory_space<vmem_shared>> -> memref<64x128xf32, #tpu.memory_space<vmem_shared>>
      %dma_wait3A_144 = arith.constant 0 : i32
      %dma_wait3A_145 = tpu.memref_slice %arg14[%add3A_8, %dma_wait3A_144] : memref<10112x128xf32, #tpu.memory_space<vmem_shared>> -> memref<64x128xf32, #tpu.memory_space<vmem_shared>>
      %dma_wait3A_146 = arith.constant 0 : i32
      %dma_wait3A_147 = arith.constant 0 : i32
      %dma_wait3A_148 = tpu.memref_slice %arg12[%dma_wait3A_146, %dma_wait3A_147] : memref<64x128xf32, #tpu.memory_space<vmem>> -> memref<64x128xf32, #tpu.memory_space<vmem>>
      tpu.wait_dma2 semaphore(%run_scoped3A : memref<!tpu.dma_semaphore, #tpu.memory_space<semaphore_mem>>) src(%dma_wait3A_148 : memref<64x128xf32, #tpu.memory_space<vmem>>) dst(%dma_wait3A_145 : memref<64x128xf32, #tpu.memory_space<vmem_shared>>)
      tpu.yield
    }) : () -> ()
    %add3A_9 = arith.constant 192 : i32
    %add3A_10 = arith.addi %mul3A_2, %add3A_9 : i32
    "tpu.region"() ({
      %run_scoped3A = tpu.sem_alloc : memref<!tpu.dma_semaphore, #tpu.memory_space<semaphore_mem>>
      %dma_start3A_129 = arith.constant 0 : i32
      %dma_start3A_130 = arith.constant 0 : i32
      %dma_start3A_131 = tpu.memref_slice %arg12[%dma_start3A_129, %dma_start3A_130] : memref<64x128xf32, #tpu.memory_space<vmem>> -> memref<64x128xf32, #tpu.memory_space<vmem>>
      %dma_start3A_132 = arith.constant 0 : i32
      %dma_start3A_133 = tpu.memref_slice %arg14[%add3A_10, %dma_start3A_132] : memref<10112x128xf32, #tpu.memory_space<vmem_shared>> -> memref<64x128xf32, #tpu.memory_space<vmem_shared>>
      %dma_start3A_134 = arith.constant 0 : i32
      %dma_start3A_135 = tpu.memref_slice %arg14[%add3A_10, %dma_start3A_134] : memref<10112x128xf32, #tpu.memory_space<vmem_shared>> -> memref<64x128xf32, #tpu.memory_space<vmem_shared>>
      %dma_start3A_136 = arith.constant 0 : i32
      %dma_start3A_137 = arith.constant 0 : i32
      %dma_start3A_138 = tpu.memref_slice %arg12[%dma_start3A_136, %dma_start3A_137] : memref<64x128xf32, #tpu.memory_space<vmem>> -> memref<64x128xf32, #tpu.memory_space<vmem>>
      tpu.enqueue_dma source(%dma_start3A_138 : memref<64x128xf32, #tpu.memory_space<vmem>>) target(%dma_start3A_135 : memref<64x128xf32, #tpu.memory_space<vmem_shared>>) target_semaphore(%run_scoped3A : memref<!tpu.dma_semaphore, #tpu.memory_space<semaphore_mem>>)
      %dma_wait3A_139 = arith.constant 0 : i32
      %dma_wait3A_140 = arith.constant 0 : i32
      %dma_wait3A_141 = tpu.memref_slice %arg12[%dma_wait3A_139, %dma_wait3A_140] : memref<64x128xf32, #tpu.memory_space<vmem>> -> memref<64x128xf32, #tpu.memory_space<vmem>>
      %dma_wait3A_142 = arith.constant 0 : i32
      %dma_wait3A_143 = tpu.memref_slice %arg14[%add3A_10, %dma_wait3A_142] : memref<10112x128xf32, #tpu.memory_space<vmem_shared>> -> memref<64x128xf32, #tpu.memory_space<vmem_shared>>
      %dma_wait3A_144 = arith.constant 0 : i32
      %dma_wait3A_145 = tpu.memref_slice %arg14[%add3A_10, %dma_wait3A_144] : memref<10112x128xf32, #tpu.memory_space<vmem_shared>> -> memref<64x128xf32, #tpu.memory_space<vmem_shared>>
      %dma_wait3A_146 = arith.constant 0 : i32
      %dma_wait3A_147 = arith.constant 0 : i32
      %dma_wait3A_148 = tpu.memref_slice %arg12[%dma_wait3A_146, %dma_wait3A_147] : memref<64x128xf32, #tpu.memory_space<vmem>> -> memref<64x128xf32, #tpu.memory_space<vmem>>
      tpu.wait_dma2 semaphore(%run_scoped3A : memref<!tpu.dma_semaphore, #tpu.memory_space<semaphore_mem>>) src(%dma_wait3A_148 : memref<64x128xf32, #tpu.memory_space<vmem>>) dst(%dma_wait3A_145 : memref<64x128xf32, #tpu.memory_space<vmem_shared>>)
      tpu.yield
    }) : () -> ()
    %add3A_11 = arith.constant 256 : i32
    %add3A_12 = arith.addi %mul3A_2, %add3A_11 : i32
    "tpu.region"() ({
      %run_scoped3A = tpu.sem_alloc : memref<!tpu.dma_semaphore, #tpu.memory_space<semaphore_mem>>
      %dma_start3A_129 = arith.constant 0 : i32
      %dma_start3A_130 = arith.constant 0 : i32
      %dma_start3A_131 = tpu.memref_slice %arg12[%dma_start3A_129, %dma_start3A_130] : memref<64x128xf32, #tpu.memory_space<vmem>> -> memref<64x128xf32, #tpu.memory_space<vmem>>
      %dma_start3A_132 = arith.constant 0 : i32
      %dma_start3A_133 = tpu.memref_slice %arg14[%add3A_12, %dma_start3A_132] : memref<10112x128xf32, #tpu.memory_space<vmem_shared>> -> memref<64x128xf32, #tpu.memory_space<vmem_shared>>
      %dma_start3A_134 = arith.constant 0 : i32
      %dma_start3A_135 = tpu.memref_slice %arg14[%add3A_12, %dma_start3A_134] : memref<10112x128xf32, #tpu.memory_space<vmem_shared>> -> memref<64x128xf32, #tpu.memory_space<vmem_shared>>
      %dma_start3A_136 = arith.constant 0 : i32
      %dma_start3A_137 = arith.constant 0 : i32
      %dma_start3A_138 = tpu.memref_slice %arg12[%dma_start3A_136, %dma_start3A_137] : memref<64x128xf32, #tpu.memory_space<vmem>> -> memref<64x128xf32, #tpu.memory_space<vmem>>
      tpu.enqueue_dma source(%dma_start3A_138 : memref<64x128xf32, #tpu.memory_space<vmem>>) target(%dma_start3A_135 : memref<64x128xf32, #tpu.memory_space<vmem_shared>>) target_semaphore(%run_scoped3A : memref<!tpu.dma_semaphore, #tpu.memory_space<semaphore_mem>>)
      %dma_wait3A_139 = arith.constant 0 : i32
      %dma_wait3A_140 = arith.constant 0 : i32
      %dma_wait3A_141 = tpu.memref_slice %arg12[%dma_wait3A_139, %dma_wait3A_140] : memref<64x128xf32, #tpu.memory_space<vmem>> -> memref<64x128xf32, #tpu.memory_space<vmem>>
      %dma_wait3A_142 = arith.constant 0 : i32
      %dma_wait3A_143 = tpu.memref_slice %arg14[%add3A_12, %dma_wait3A_142] : memref<10112x128xf32, #tpu.memory_space<vmem_shared>> -> memref<64x128xf32, #tpu.memory_space<vmem_shared>>
      %dma_wait3A_144 = arith.constant 0 : i32
      %dma_wait3A_145 = tpu.memref_slice %arg14[%add3A_12, %dma_wait3A_144] : memref<10112x128xf32, #tpu.memory_space<vmem_shared>> -> memref<64x128xf32, #tpu.memory_space<vmem_shared>>
      %dma_wait3A_146 = arith.constant 0 : i32
      %dma_wait3A_147 = arith.constant 0 : i32
      %dma_wait3A_148 = tpu.memref_slice %arg12[%dma_wait3A_146, %dma_wait3A_147] : memref<64x128xf32, #tpu.memory_space<vmem>> -> memref<64x128xf32, #tpu.memory_space<vmem>>
      tpu.wait_dma2 semaphore(%run_scoped3A : memref<!tpu.dma_semaphore, #tpu.memory_space<semaphore_mem>>) src(%dma_wait3A_148 : memref<64x128xf32, #tpu.memory_space<vmem>>) dst(%dma_wait3A_145 : memref<64x128xf32, #tpu.memory_space<vmem_shared>>)
      tpu.yield
    }) : () -> ()
    %add3A_13 = arith.constant 320 : i32
    %add3A_14 = arith.addi %mul3A_2, %add3A_13 : i32
    "tpu.region"() ({
      %run_scoped3A = tpu.sem_alloc : memref<!tpu.dma_semaphore, #tpu.memory_space<semaphore_mem>>
      %dma_start3A_129 = arith.constant 0 : i32
      %dma_start3A_130 = arith.constant 0 : i32
      %dma_start3A_131 = tpu.memref_slice %arg12[%dma_start3A_129, %dma_start3A_130] : memref<64x128xf32, #tpu.memory_space<vmem>> -> memref<64x128xf32, #tpu.memory_space<vmem>>
      %dma_start3A_132 = arith.constant 0 : i32
      %dma_start3A_133 = tpu.memref_slice %arg14[%add3A_14, %dma_start3A_132] : memref<10112x128xf32, #tpu.memory_space<vmem_shared>> -> memref<64x128xf32, #tpu.memory_space<vmem_shared>>
      %dma_start3A_134 = arith.constant 0 : i32
      %dma_start3A_135 = tpu.memref_slice %arg14[%add3A_14, %dma_start3A_134] : memref<10112x128xf32, #tpu.memory_space<vmem_shared>> -> memref<64x128xf32, #tpu.memory_space<vmem_shared>>
      %dma_start3A_136 = arith.constant 0 : i32
      %dma_start3A_137 = arith.constant 0 : i32
      %dma_start3A_138 = tpu.memref_slice %arg12[%dma_start3A_136, %dma_start3A_137] : memref<64x128xf32, #tpu.memory_space<vmem>> -> memref<64x128xf32, #tpu.memory_space<vmem>>
      tpu.enqueue_dma source(%dma_start3A_138 : memref<64x128xf32, #tpu.memory_space<vmem>>) target(%dma_start3A_135 : memref<64x128xf32, #tpu.memory_space<vmem_shared>>) target_semaphore(%run_scoped3A : memref<!tpu.dma_semaphore, #tpu.memory_space<semaphore_mem>>)
      %dma_wait3A_139 = arith.constant 0 : i32
      %dma_wait3A_140 = arith.constant 0 : i32
      %dma_wait3A_141 = tpu.memref_slice %arg12[%dma_wait3A_139, %dma_wait3A_140] : memref<64x128xf32, #tpu.memory_space<vmem>> -> memref<64x128xf32, #tpu.memory_space<vmem>>
      %dma_wait3A_142 = arith.constant 0 : i32
      %dma_wait3A_143 = tpu.memref_slice %arg14[%add3A_14, %dma_wait3A_142] : memref<10112x128xf32, #tpu.memory_space<vmem_shared>> -> memref<64x128xf32, #tpu.memory_space<vmem_shared>>
      %dma_wait3A_144 = arith.constant 0 : i32
      %dma_wait3A_145 = tpu.memref_slice %arg14[%add3A_14, %dma_wait3A_144] : memref<10112x128xf32, #tpu.memory_space<vmem_shared>> -> memref<64x128xf32, #tpu.memory_space<vmem_shared>>
      %dma_wait3A_146 = arith.constant 0 : i32
      %dma_wait3A_147 = arith.constant 0 : i32
      %dma_wait3A_148 = tpu.memref_slice %arg12[%dma_wait3A_146, %dma_wait3A_147] : memref<64x128xf32, #tpu.memory_space<vmem>> -> memref<64x128xf32, #tpu.memory_space<vmem>>
      tpu.wait_dma2 semaphore(%run_scoped3A : memref<!tpu.dma_semaphore, #tpu.memory_space<semaphore_mem>>) src(%dma_wait3A_148 : memref<64x128xf32, #tpu.memory_space<vmem>>) dst(%dma_wait3A_145 : memref<64x128xf32, #tpu.memory_space<vmem_shared>>)
      tpu.yield
    }) : () -> ()
    %add3A_15 = arith.constant 384 : i32
    %add3A_16 = arith.addi %mul3A_2, %add3A_15 : i32
    "tpu.region"() ({
      %run_scoped3A = tpu.sem_alloc : memref<!tpu.dma_semaphore, #tpu.memory_space<semaphore_mem>>
      %dma_start3A_129 = arith.constant 0 : i32
      %dma_start3A_130 = arith.constant 0 : i32
      %dma_start3A_131 = tpu.memref_slice %arg12[%dma_start3A_129, %dma_start3A_130] : memref<64x128xf32, #tpu.memory_space<vmem>> -> memref<64x128xf32, #tpu.memory_space<vmem>>
      %dma_start3A_132 = arith.constant 0 : i32
      %dma_start3A_133 = tpu.memref_slice %arg14[%add3A_16, %dma_start3A_132] : memref<10112x128xf32, #tpu.memory_space<vmem_shared>> -> memref<64x128xf32, #tpu.memory_space<vmem_shared>>
      %dma_start3A_134 = arith.constant 0 : i32
      %dma_start3A_135 = tpu.memref_slice %arg14[%add3A_16, %dma_start3A_134] : memref<10112x128xf32, #tpu.memory_space<vmem_shared>> -> memref<64x128xf32, #tpu.memory_space<vmem_shared>>
      %dma_start3A_136 = arith.constant 0 : i32
      %dma_start3A_137 = arith.constant 0 : i32
      %dma_start3A_138 = tpu.memref_slice %arg12[%dma_start3A_136, %dma_start3A_137] : memref<64x128xf32, #tpu.memory_space<vmem>> -> memref<64x128xf32, #tpu.memory_space<vmem>>
      tpu.enqueue_dma source(%dma_start3A_138 : memref<64x128xf32, #tpu.memory_space<vmem>>) target(%dma_start3A_135 : memref<64x128xf32, #tpu.memory_space<vmem_shared>>) target_semaphore(%run_scoped3A : memref<!tpu.dma_semaphore, #tpu.memory_space<semaphore_mem>>)
      %dma_wait3A_139 = arith.constant 0 : i32
      %dma_wait3A_140 = arith.constant 0 : i32
      %dma_wait3A_141 = tpu.memref_slice %arg12[%dma_wait3A_139, %dma_wait3A_140] : memref<64x128xf32, #tpu.memory_space<vmem>> -> memref<64x128xf32, #tpu.memory_space<vmem>>
      %dma_wait3A_142 = arith.constant 0 : i32
      %dma_wait3A_143 = tpu.memref_slice %arg14[%add3A_16, %dma_wait3A_142] : memref<10112x128xf32, #tpu.memory_space<vmem_shared>> -> memref<64x128xf32, #tpu.memory_space<vmem_shared>>
      %dma_wait3A_144 = arith.constant 0 : i32
      %dma_wait3A_145 = tpu.memref_slice %arg14[%add3A_16, %dma_wait3A_144] : memref<10112x128xf32, #tpu.memory_space<vmem_shared>> -> memref<64x128xf32, #tpu.memory_space<vmem_shared>>
      %dma_wait3A_146 = arith.constant 0 : i32
      %dma_wait3A_147 = arith.constant 0 : i32
      %dma_wait3A_148 = tpu.memref_slice %arg12[%dma_wait3A_146, %dma_wait3A_147] : memref<64x128xf32, #tpu.memory_space<vmem>> -> memref<64x128xf32, #tpu.memory_space<vmem>>
      tpu.wait_dma2 semaphore(%run_scoped3A : memref<!tpu.dma_semaphore, #tpu.memory_space<semaphore_mem>>) src(%dma_wait3A_148 : memref<64x128xf32, #tpu.memory_space<vmem>>) dst(%dma_wait3A_145 : memref<64x128xf32, #tpu.memory_space<vmem_shared>>)
      tpu.yield
    }) : () -> ()
    %add3A_17 = arith.constant 448 : i32
    %add3A_18 = arith.addi %mul3A_2, %add3A_17 : i32
    "tpu.region"() ({
      %run_scoped3A = tpu.sem_alloc : memref<!tpu.dma_semaphore, #tpu.memory_space<semaphore_mem>>
      %dma_start3A_129 = arith.constant 0 : i32
      %dma_start3A_130 = arith.constant 0 : i32
      %dma_start3A_131 = tpu.memref_slice %arg12[%dma_start3A_129, %dma_start3A_130] : memref<64x128xf32, #tpu.memory_space<vmem>> -> memref<64x128xf32, #tpu.memory_space<vmem>>
      %dma_start3A_132 = arith.constant 0 : i32
      %dma_start3A_133 = tpu.memref_slice %arg14[%add3A_18, %dma_start3A_132] : memref<10112x128xf32, #tpu.memory_space<vmem_shared>> -> memref<64x128xf32, #tpu.memory_space<vmem_shared>>
      %dma_start3A_134 = arith.constant 0 : i32
      %dma_start3A_135 = tpu.memref_slice %arg14[%add3A_18, %dma_start3A_134] : memref<10112x128xf32, #tpu.memory_space<vmem_shared>> -> memref<64x128xf32, #tpu.memory_space<vmem_shared>>
      %dma_start3A_136 = arith.constant 0 : i32
      %dma_start3A_137 = arith.constant 0 : i32
      %dma_start3A_138 = tpu.memref_slice %arg12[%dma_start3A_136, %dma_start3A_137] : memref<64x128xf32, #tpu.memory_space<vmem>> -> memref<64x128xf32, #tpu.memory_space<vmem>>
      tpu.enqueue_dma source(%dma_start3A_138 : memref<64x128xf32, #tpu.memory_space<vmem>>) target(%dma_start3A_135 : memref<64x128xf32, #tpu.memory_space<vmem_shared>>) target_semaphore(%run_scoped3A : memref<!tpu.dma_semaphore, #tpu.memory_space<semaphore_mem>>)
      %dma_wait3A_139 = arith.constant 0 : i32
      %dma_wait3A_140 = arith.constant 0 : i32
      %dma_wait3A_141 = tpu.memref_slice %arg12[%dma_wait3A_139, %dma_wait3A_140] : memref<64x128xf32, #tpu.memory_space<vmem>> -> memref<64x128xf32, #tpu.memory_space<vmem>>
      %dma_wait3A_142 = arith.constant 0 : i32
      %dma_wait3A_143 = tpu.memref_slice %arg14[%add3A_18, %dma_wait3A_142] : memref<10112x128xf32, #tpu.memory_space<vmem_shared>> -> memref<64x128xf32, #tpu.memory_space<vmem_shared>>
      %dma_wait3A_144 = arith.constant 0 : i32
      %dma_wait3A_145 = tpu.memref_slice %arg14[%add3A_18, %dma_wait3A_144] : memref<10112x128xf32, #tpu.memory_space<vmem_shared>> -> memref<64x128xf32, #tpu.memory_space<vmem_shared>>
      %dma_wait3A_146 = arith.constant 0 : i32
      %dma_wait3A_147 = arith.constant 0 : i32
      %dma_wait3A_148 = tpu.memref_slice %arg12[%dma_wait3A_146, %dma_wait3A_147] : memref<64x128xf32, #tpu.memory_space<vmem>> -> memref<64x128xf32, #tpu.memory_space<vmem>>
      tpu.wait_dma2 semaphore(%run_scoped3A : memref<!tpu.dma_semaphore, #tpu.memory_space<semaphore_mem>>) src(%dma_wait3A_148 : memref<64x128xf32, #tpu.memory_space<vmem>>) dst(%dma_wait3A_145 : memref<64x128xf32, #tpu.memory_space<vmem_shared>>)
      tpu.yield
    }) : () -> ()
    %add3A_19 = arith.constant 512 : i32
    %add3A_20 = arith.addi %mul3A_2, %add3A_19 : i32
    "tpu.region"() ({
      %run_scoped3A = tpu.sem_alloc : memref<!tpu.dma_semaphore, #tpu.memory_space<semaphore_mem>>
      %dma_start3A_129 = arith.constant 0 : i32
      %dma_start3A_130 = arith.constant 0 : i32
      %dma_start3A_131 = tpu.memref_slice %arg12[%dma_start3A_129, %dma_start3A_130] : memref<64x128xf32, #tpu.memory_space<vmem>> -> memref<64x128xf32, #tpu.memory_space<vmem>>
      %dma_start3A_132 = arith.constant 0 : i32
      %dma_start3A_133 = tpu.memref_slice %arg14[%add3A_20, %dma_start3A_132] : memref<10112x128xf32, #tpu.memory_space<vmem_shared>> -> memref<64x128xf32, #tpu.memory_space<vmem_shared>>
      %dma_start3A_134 = arith.constant 0 : i32
      %dma_start3A_135 = tpu.memref_slice %arg14[%add3A_20, %dma_start3A_134] : memref<10112x128xf32, #tpu.memory_space<vmem_shared>> -> memref<64x128xf32, #tpu.memory_space<vmem_shared>>
      %dma_start3A_136 = arith.constant 0 : i32
      %dma_start3A_137 = arith.constant 0 : i32
      %dma_start3A_138 = tpu.memref_slice %arg12[%dma_start3A_136, %dma_start3A_137] : memref<64x128xf32, #tpu.memory_space<vmem>> -> memref<64x128xf32, #tpu.memory_space<vmem>>
      tpu.enqueue_dma source(%dma_start3A_138 : memref<64x128xf32, #tpu.memory_space<vmem>>) target(%dma_start3A_135 : memref<64x128xf32, #tpu.memory_space<vmem_shared>>) target_semaphore(%run_scoped3A : memref<!tpu.dma_semaphore, #tpu.memory_space<semaphore_mem>>)
      %dma_wait3A_139 = arith.constant 0 : i32
      %dma_wait3A_140 = arith.constant 0 : i32
      %dma_wait3A_141 = tpu.memref_slice %arg12[%dma_wait3A_139, %dma_wait3A_140] : memref<64x128xf32, #tpu.memory_space<vmem>> -> memref<64x128xf32, #tpu.memory_space<vmem>>
      %dma_wait3A_142 = arith.constant 0 : i32
      %dma_wait3A_143 = tpu.memref_slice %arg14[%add3A_20, %dma_wait3A_142] : memref<10112x128xf32, #tpu.memory_space<vmem_shared>> -> memref<64x128xf32, #tpu.memory_space<vmem_shared>>
      %dma_wait3A_144 = arith.constant 0 : i32
      %dma_wait3A_145 = tpu.memref_slice %arg14[%add3A_20, %dma_wait3A_144] : memref<10112x128xf32, #tpu.memory_space<vmem_shared>> -> memref<64x128xf32, #tpu.memory_space<vmem_shared>>
      %dma_wait3A_146 = arith.constant 0 : i32
      %dma_wait3A_147 = arith.constant 0 : i32
      %dma_wait3A_148 = tpu.memref_slice %arg12[%dma_wait3A_146, %dma_wait3A_147] : memref<64x128xf32, #tpu.memory_space<vmem>> -> memref<64x128xf32, #tpu.memory_space<vmem>>
      tpu.wait_dma2 semaphore(%run_scoped3A : memref<!tpu.dma_semaphore, #tpu.memory_space<semaphore_mem>>) src(%dma_wait3A_148 : memref<64x128xf32, #tpu.memory_space<vmem>>) dst(%dma_wait3A_145 : memref<64x128xf32, #tpu.memory_space<vmem_shared>>)
      tpu.yield
    }) : () -> ()
    %add3A_21 = arith.constant 576 : i32
    %add3A_22 = arith.addi %mul3A_2, %add3A_21 : i32
    "tpu.region"() ({
      %run_scoped3A = tpu.sem_alloc : memref<!tpu.dma_semaphore, #tpu.memory_space<semaphore_mem>>
      %dma_start3A_129 = arith.constant 0 : i32
      %dma_start3A_130 = arith.constant 0 : i32
      %dma_start3A_131 = tpu.memref_slice %arg12[%dma_start3A_129, %dma_start3A_130] : memref<64x128xf32, #tpu.memory_space<vmem>> -> memref<56x128xf32, #tpu.memory_space<vmem>>
      %dma_start3A_132 = arith.constant 0 : i32
      %dma_start3A_133 = tpu.memref_slice %arg14[%add3A_22, %dma_start3A_132] : memref<10112x128xf32, #tpu.memory_space<vmem_shared>> -> memref<56x128xf32, #tpu.memory_space<vmem_shared>>
      %dma_start3A_134 = arith.constant 0 : i32
      %dma_start3A_135 = tpu.memref_slice %arg14[%add3A_22, %dma_start3A_134] : memref<10112x128xf32, #tpu.memory_space<vmem_shared>> -> memref<56x128xf32, #tpu.memory_space<vmem_shared>>
      %dma_start3A_136 = arith.constant 0 : i32
      %dma_start3A_137 = arith.constant 0 : i32
      %dma_start3A_138 = tpu.memref_slice %arg12[%dma_start3A_136, %dma_start3A_137] : memref<64x128xf32, #tpu.memory_space<vmem>> -> memref<56x128xf32, #tpu.memory_space<vmem>>
      tpu.enqueue_dma source(%dma_start3A_138 : memref<56x128xf32, #tpu.memory_space<vmem>>) target(%dma_start3A_135 : memref<56x128xf32, #tpu.memory_space<vmem_shared>>) target_semaphore(%run_scoped3A : memref<!tpu.dma_semaphore, #tpu.memory_space<semaphore_mem>>)
      %dma_wait3A_139 = arith.constant 0 : i32
      %dma_wait3A_140 = arith.constant 0 : i32
      %dma_wait3A_141 = tpu.memref_slice %arg12[%dma_wait3A_139, %dma_wait3A_140] : memref<64x128xf32, #tpu.memory_space<vmem>> -> memref<56x128xf32, #tpu.memory_space<vmem>>
      %dma_wait3A_142 = arith.constant 0 : i32
      %dma_wait3A_143 = tpu.memref_slice %arg14[%add3A_22, %dma_wait3A_142] : memref<10112x128xf32, #tpu.memory_space<vmem_shared>> -> memref<56x128xf32, #tpu.memory_space<vmem_shared>>
      %dma_wait3A_144 = arith.constant 0 : i32
      %dma_wait3A_145 = tpu.memref_slice %arg14[%add3A_22, %dma_wait3A_144] : memref<10112x128xf32, #tpu.memory_space<vmem_shared>> -> memref<56x128xf32, #tpu.memory_space<vmem_shared>>
      %dma_wait3A_146 = arith.constant 0 : i32
      %dma_wait3A_147 = arith.constant 0 : i32
      %dma_wait3A_148 = tpu.memref_slice %arg12[%dma_wait3A_146, %dma_wait3A_147] : memref<64x128xf32, #tpu.memory_space<vmem>> -> memref<56x128xf32, #tpu.memory_space<vmem>>
      tpu.wait_dma2 semaphore(%run_scoped3A : memref<!tpu.dma_semaphore, #tpu.memory_space<semaphore_mem>>) src(%dma_wait3A_148 : memref<56x128xf32, #tpu.memory_space<vmem>>) dst(%dma_wait3A_145 : memref<56x128xf32, #tpu.memory_space<vmem_shared>>)
      tpu.yield
    }) : () -> ()
    %barrier3A = arith.constant 0 : index
    tpu.barrier barrier_id(%barrier3A)
    %eq3A = arith.constant 0 : i32
    %eq3A_23 = arith.cmpi eq, %arg0, %eq3A : i32
    %jit3A = arith.constant 262 : i32
    %jit3A_24 = arith.constant 54 : i32
    %select_n3A = arith.select %eq3A_23, %jit3A, %jit3A_24 : i32
    %eq3A_25 = arith.constant 0 : i32
    %eq3A_26 = arith.cmpi eq, %arg0, %eq3A_25 : i32
    %mul3A_27 = arith.constant 262 : i32
    %mul3A_28 = arith.muli %arg1, %mul3A_27 : i32
    %mul3A_29 = arith.constant 54 : i32
    %mul3A_30 = arith.muli %arg1, %mul3A_29 : i32
    %add3A_31 = arith.constant 4192 : i32
    %add3A_32 = arith.addi %add3A_31, %mul3A_30 : i32
    %select_n3A_33 = arith.select %eq3A_26, %mul3A_28, %add3A_32 : i32
    %dma_start3A = arith.constant 0 : i32
    %dma_start3A_34 = tpu.memref_slice %arg3[%select_n3A_33, %dma_start3A] : memref<5056x128xi32, #tpu.memory_space<hbm>> -> memref<1x128xi32, #tpu.memory_space<hbm>>
    %dma_start3A_35 = tpu.memref_squeeze %dma_start3A_34 : memref<1x128xi32, #tpu.memory_space<hbm>> -> memref<128xi32, #tpu.memory_space<hbm>>
    %dma_start3A_36 = arith.constant 0 : i32
    %dma_start3A_37 = tpu.memref_slice %arg3[%select_n3A_33, %dma_start3A_36] : memref<5056x128xi32, #tpu.memory_space<hbm>> -> memref<1x128xi32, #tpu.memory_space<hbm>>
    %dma_start3A_38 = tpu.memref_squeeze %dma_start3A_37 : memref<1x128xi32, #tpu.memory_space<hbm>> -> memref<128xi32, #tpu.memory_space<hbm>>
    tpu.enqueue_dma source(%dma_start3A_38 : memref<128xi32, #tpu.memory_space<hbm>>) target(%arg6 : memref<128xi32, #tpu.memory_space<vmem>>) target_semaphore(%arg15 : memref<!tpu.dma_semaphore, #tpu.memory_space<semaphore_mem>>)
    %add3A_39 = arith.constant 1 : i32
    %add3A_40 = arith.addi %select_n3A_33, %add3A_39 : i32
    %dma_start3A_41 = arith.constant 0 : i32
    %dma_start3A_42 = tpu.memref_slice %arg3[%add3A_40, %dma_start3A_41] : memref<5056x128xi32, #tpu.memory_space<hbm>> -> memref<1x128xi32, #tpu.memory_space<hbm>>
    %dma_start3A_43 = tpu.memref_squeeze %dma_start3A_42 : memref<1x128xi32, #tpu.memory_space<hbm>> -> memref<128xi32, #tpu.memory_space<hbm>>
    %dma_start3A_44 = arith.constant 0 : i32
    %dma_start3A_45 = tpu.memref_slice %arg3[%add3A_40, %dma_start3A_44] : memref<5056x128xi32, #tpu.memory_space<hbm>> -> memref<1x128xi32, #tpu.memory_space<hbm>>
    %dma_start3A_46 = tpu.memref_squeeze %dma_start3A_45 : memref<1x128xi32, #tpu.memory_space<hbm>> -> memref<128xi32, #tpu.memory_space<hbm>>
    tpu.enqueue_dma source(%dma_start3A_46 : memref<128xi32, #tpu.memory_space<hbm>>) target(%arg7 : memref<128xi32, #tpu.memory_space<vmem>>) target_semaphore(%arg16 : memref<!tpu.dma_semaphore, #tpu.memory_space<semaphore_mem>>)
    %jit3A_47 = arith.constant 2 : i32
    %div3A = arith.divsi %select_n3A, %jit3A_47 : i32
    %sign3A = arith.constant 0 : i32
    %sign3A_48 = arith.cmpi sgt, %select_n3A, %sign3A : i32
    %sign3A_49 = arith.extui %sign3A_48 : i1 to i32
    %sign3A_50 = arith.constant 0 : i32
    %sign3A_51 = arith.cmpi slt, %select_n3A, %sign3A_50 : i32
    %sign3A_52 = arith.extui %sign3A_51 : i1 to i32
    %sign3A_53 = arith.subi %sign3A_49, %sign3A_52 : i32
    %sign3A_54 = arith.constant 0 : i32
    %sign3A_55 = arith.cmpi sgt, %jit3A_47, %sign3A_54 : i32
    %sign3A_56 = arith.extui %sign3A_55 : i1 to i32
    %sign3A_57 = arith.constant 0 : i32
    %sign3A_58 = arith.cmpi slt, %jit3A_47, %sign3A_57 : i32
    %sign3A_59 = arith.extui %sign3A_58 : i1 to i32
    %sign3A_60 = arith.subi %sign3A_56, %sign3A_59 : i32
    %ne3A = arith.cmpi ne, %sign3A_53, %sign3A_60 : i32
    %rem3A = arith.remsi %select_n3A, %jit3A_47 : i32
    %ne3A_61 = arith.constant 0 : i32
    %ne3A_62 = arith.cmpi ne, %rem3A, %ne3A_61 : i32
    %and3A = arith.andi %ne3A, %ne3A_62 : i1
    %sub3A = arith.constant 1 : i32
    %sub3A_63 = arith.subi %div3A, %sub3A : i32
    %select_n3A_64 = arith.select %and3A, %sub3A_63, %div3A : i32
    %while3A = arith.constant 0 : i32
    %while3A_65 = arith.constant 0 : i32
    %while3A_66 = arith.subi %select_n3A_64, %while3A_65 : i32
    %while3A_67 = arith.addi %while3A_65, %while3A_66 : i32
    %while3A_68 = arith.constant 1 : i32
    %while3A_69 = arith.divsi %while3A_66, %while3A_68 : i32
    %while3A_70 = arith.muli %while3A_69, %while3A_68 : i32
    %while3A_71 = arith.addi %while3A_65, %while3A_70 : i32
    %while3A_72 = arith.constant 1 : i32
    scf.for %while3A_129 = %while3A_65 to %while3A_71 step %while3A_72  : i32 {
      %mul3A_130 = arith.constant 2 : i32
      %mul3A_131 = arith.muli %while3A_129, %mul3A_130 : i32
      %add3A_132 = arith.constant 0 : i32
      %add3A_133 = arith.addi %mul3A_131, %add3A_132 : i32
      %dma_wait3A_134 = arith.constant 0 : i32
      %dma_wait3A_135 = tpu.memref_slice %arg3[%select_n3A_33, %dma_wait3A_134] : memref<5056x128xi32, #tpu.memory_space<hbm>> -> memref<1x128xi32, #tpu.memory_space<hbm>>
      %dma_wait3A_136 = tpu.memref_squeeze %dma_wait3A_135 : memref<1x128xi32, #tpu.memory_space<hbm>> -> memref<128xi32, #tpu.memory_space<hbm>>
      %dma_wait3A_137 = arith.constant 0 : i32
      %dma_wait3A_138 = tpu.memref_slice %arg3[%select_n3A_33, %dma_wait3A_137] : memref<5056x128xi32, #tpu.memory_space<hbm>> -> memref<1x128xi32, #tpu.memory_space<hbm>>
      %dma_wait3A_139 = tpu.memref_squeeze %dma_wait3A_138 : memref<1x128xi32, #tpu.memory_space<hbm>> -> memref<128xi32, #tpu.memory_space<hbm>>
      tpu.wait_dma2 semaphore(%arg15 : memref<!tpu.dma_semaphore, #tpu.memory_space<semaphore_mem>>) src(%dma_wait3A_139 : memref<128xi32, #tpu.memory_space<hbm>>) dst(%arg6 : memref<128xi32, #tpu.memory_space<vmem>>)
      %ge3A = arith.constant 2 : i32
      %ge3A_140 = arith.cmpi sge, %add3A_133, %ge3A : i32
      %convert_element_type3A = arith.extui %ge3A_140 : i1 to i32
      %cond3A = arith.constant 0 : i32
      %cond3A_141 = arith.cmpi ne, %convert_element_type3A, %cond3A : i32
      scf.if %cond3A_141 {
        %dma_wait3A_294 = arith.constant 0 : i32
        %dma_wait3A_295 = arith.constant 0 : i32
        %dma_wait3A_296 = tpu.memref_slice %arg14[%dma_wait3A_294, %dma_wait3A_295] : memref<10112x128xf32, #tpu.memory_space<vmem_shared>> -> memref<10112x128xf32, #tpu.memory_space<vmem_shared>>
        tpu.wait_indirect_dma semaphore(%arg19 : memref<!tpu.dma_semaphore, #tpu.memory_space<semaphore_mem>>) src(%arg12 : memref<64x128xf32, #tpu.memory_space<vmem>>) dst(%dma_wait3A_296 : memref<10112x128xf32, #tpu.memory_space<vmem_shared>>)
      } else {
      }
      %get3A = arith.constant 0 : index
      %get3A_142 = tpu.vector_load %arg6[%get3A] {strides = array<i32>} : memref<128xi32, #tpu.memory_space<vmem>>, vector<16xi32>,
      %get3A_143 = vector.shape_cast %get3A_142 : vector<16xi32> to vector<16xi32>
      %swap3A = arith.constant 0 : index
      %swap3A_144 = tpu.vector_load %arg8[%swap3A] {strides = array<i32>} : memref<64xi32, #tpu.memory_space<vmem>>, vector<16xi32>,
      %swap3A_145 = vector.shape_cast %swap3A_144 : vector<16xi32> to vector<16xi32>
      %swap3A_146 = vector.shape_cast %get3A_143 : vector<16xi32> to vector<16xi32>
      tpu.vector_store %arg8[%swap3A], %swap3A_146 {strides = array<i32>} : memref<64xi32, #tpu.memory_space<vmem>>, vector<16xi32>,
      %get3A_147 = arith.constant 64 : index
      %get3A_148 = tpu.vector_load %arg6[%get3A_147] {strides = array<i32>} : memref<128xi32, #tpu.memory_space<vmem>>, vector<16xi32>,
      %get3A_149 = vector.shape_cast %get3A_148 : vector<16xi32> to vector<16xi32>
      %swap3A_150 = arith.constant 0 : index
      %swap3A_151 = tpu.vector_load %arg10[%swap3A_150] {strides = array<i32>} : memref<64xi32, #tpu.memory_space<vmem>>, vector<16xi32>,
      %swap3A_152 = vector.shape_cast %swap3A_151 : vector<16xi32> to vector<16xi32>
      %swap3A_153 = vector.shape_cast %get3A_149 : vector<16xi32> to vector<16xi32>
      tpu.vector_store %arg10[%swap3A_150], %swap3A_153 {strides = array<i32>} : memref<64xi32, #tpu.memory_space<vmem>>, vector<16xi32>,
      %get3A_154 = arith.constant 16 : index
      %get3A_155 = tpu.vector_load %arg6[%get3A_154] {strides = array<i32>} : memref<128xi32, #tpu.memory_space<vmem>>, vector<16xi32>,
      %get3A_156 = vector.shape_cast %get3A_155 : vector<16xi32> to vector<16xi32>
      %swap3A_157 = arith.constant 16 : index
      %swap3A_158 = tpu.vector_load %arg8[%swap3A_157] {strides = array<i32>} : memref<64xi32, #tpu.memory_space<vmem>>, vector<16xi32>,
      %swap3A_159 = vector.shape_cast %swap3A_158 : vector<16xi32> to vector<16xi32>
      %swap3A_160 = vector.shape_cast %get3A_156 : vector<16xi32> to vector<16xi32>
      tpu.vector_store %arg8[%swap3A_157], %swap3A_160 {strides = array<i32>} : memref<64xi32, #tpu.memory_space<vmem>>, vector<16xi32>,
      %get3A_161 = arith.constant 80 : index
      %get3A_162 = tpu.vector_load %arg6[%get3A_161] {strides = array<i32>} : memref<128xi32, #tpu.memory_space<vmem>>, vector<16xi32>,
      %get3A_163 = vector.shape_cast %get3A_162 : vector<16xi32> to vector<16xi32>
      %swap3A_164 = arith.constant 16 : index
      %swap3A_165 = tpu.vector_load %arg10[%swap3A_164] {strides = array<i32>} : memref<64xi32, #tpu.memory_space<vmem>>, vector<16xi32>,
      %swap3A_166 = vector.shape_cast %swap3A_165 : vector<16xi32> to vector<16xi32>
      %swap3A_167 = vector.shape_cast %get3A_163 : vector<16xi32> to vector<16xi32>
      tpu.vector_store %arg10[%swap3A_164], %swap3A_167 {strides = array<i32>} : memref<64xi32, #tpu.memory_space<vmem>>, vector<16xi32>,
      %get3A_168 = arith.constant 32 : index
      %get3A_169 = tpu.vector_load %arg6[%get3A_168] {strides = array<i32>} : memref<128xi32, #tpu.memory_space<vmem>>, vector<16xi32>,
      %get3A_170 = vector.shape_cast %get3A_169 : vector<16xi32> to vector<16xi32>
      %swap3A_171 = arith.constant 32 : index
      %swap3A_172 = tpu.vector_load %arg8[%swap3A_171] {strides = array<i32>} : memref<64xi32, #tpu.memory_space<vmem>>, vector<16xi32>,
      %swap3A_173 = vector.shape_cast %swap3A_172 : vector<16xi32> to vector<16xi32>
      %swap3A_174 = vector.shape_cast %get3A_170 : vector<16xi32> to vector<16xi32>
      tpu.vector_store %arg8[%swap3A_171], %swap3A_174 {strides = array<i32>} : memref<64xi32, #tpu.memory_space<vmem>>, vector<16xi32>,
      %get3A_175 = arith.constant 96 : index
      %get3A_176 = tpu.vector_load %arg6[%get3A_175] {strides = array<i32>} : memref<128xi32, #tpu.memory_space<vmem>>, vector<16xi32>,
      %get3A_177 = vector.shape_cast %get3A_176 : vector<16xi32> to vector<16xi32>
      %swap3A_178 = arith.constant 32 : index
      %swap3A_179 = tpu.vector_load %arg10[%swap3A_178] {strides = array<i32>} : memref<64xi32, #tpu.memory_space<vmem>>, vector<16xi32>,
      %swap3A_180 = vector.shape_cast %swap3A_179 : vector<16xi32> to vector<16xi32>
      %swap3A_181 = vector.shape_cast %get3A_177 : vector<16xi32> to vector<16xi32>
      tpu.vector_store %arg10[%swap3A_178], %swap3A_181 {strides = array<i32>} : memref<64xi32, #tpu.memory_space<vmem>>, vector<16xi32>,
      %get3A_182 = arith.constant 48 : index
      %get3A_183 = tpu.vector_load %arg6[%get3A_182] {strides = array<i32>} : memref<128xi32, #tpu.memory_space<vmem>>, vector<16xi32>,
      %get3A_184 = vector.shape_cast %get3A_183 : vector<16xi32> to vector<16xi32>
      %swap3A_185 = arith.constant 48 : index
      %swap3A_186 = tpu.vector_load %arg8[%swap3A_185] {strides = array<i32>} : memref<64xi32, #tpu.memory_space<vmem>>, vector<16xi32>,
      %swap3A_187 = vector.shape_cast %swap3A_186 : vector<16xi32> to vector<16xi32>
      %swap3A_188 = vector.shape_cast %get3A_184 : vector<16xi32> to vector<16xi32>
      tpu.vector_store %arg8[%swap3A_185], %swap3A_188 {strides = array<i32>} : memref<64xi32, #tpu.memory_space<vmem>>, vector<16xi32>,
      %get3A_189 = arith.constant 112 : index
      %get3A_190 = tpu.vector_load %arg6[%get3A_189] {strides = array<i32>} : memref<128xi32, #tpu.memory_space<vmem>>, vector<16xi32>,
      %get3A_191 = vector.shape_cast %get3A_190 : vector<16xi32> to vector<16xi32>
      %swap3A_192 = arith.constant 48 : index
      %swap3A_193 = tpu.vector_load %arg10[%swap3A_192] {strides = array<i32>} : memref<64xi32, #tpu.memory_space<vmem>>, vector<16xi32>,
      %swap3A_194 = vector.shape_cast %swap3A_193 : vector<16xi32> to vector<16xi32>
      %swap3A_195 = vector.shape_cast %get3A_191 : vector<16xi32> to vector<16xi32>
      tpu.vector_store %arg10[%swap3A_192], %swap3A_195 {strides = array<i32>} : memref<64xi32, #tpu.memory_space<vmem>>, vector<16xi32>,
      %add3A_196 = arith.constant 2 : i32
      %add3A_197 = arith.addi %add3A_133, %add3A_196 : i32
      %lt3A = arith.cmpi slt, %add3A_197, %select_n3A : i32
      %convert_element_type3A_198 = arith.extui %lt3A : i1 to i32
      %cond3A_199 = arith.constant 0 : i32
      %cond3A_200 = arith.cmpi ne, %convert_element_type3A_198, %cond3A_199 : i32
      scf.if %cond3A_200 {
        %add3A_294 = arith.addi %select_n3A_33, %add3A_133 : i32
        %add3A_295 = arith.constant 2 : i32
        %add3A_296 = arith.addi %add3A_294, %add3A_295 : i32
        %dma_start3A_297 = arith.constant 0 : i32
        %dma_start3A_298 = tpu.memref_slice %arg3[%add3A_296, %dma_start3A_297] : memref<5056x128xi32, #tpu.memory_space<hbm>> -> memref<1x128xi32, #tpu.memory_space<hbm>>
        %dma_start3A_299 = tpu.memref_squeeze %dma_start3A_298 : memref<1x128xi32, #tpu.memory_space<hbm>> -> memref<128xi32, #tpu.memory_space<hbm>>
        %dma_start3A_300 = arith.constant 0 : i32
        %dma_start3A_301 = tpu.memref_slice %arg3[%add3A_296, %dma_start3A_300] : memref<5056x128xi32, #tpu.memory_space<hbm>> -> memref<1x128xi32, #tpu.memory_space<hbm>>
        %dma_start3A_302 = tpu.memref_squeeze %dma_start3A_301 : memref<1x128xi32, #tpu.memory_space<hbm>> -> memref<128xi32, #tpu.memory_space<hbm>>
        tpu.enqueue_dma source(%dma_start3A_302 : memref<128xi32, #tpu.memory_space<hbm>>) target(%arg6 : memref<128xi32, #tpu.memory_space<vmem>>) target_semaphore(%arg15 : memref<!tpu.dma_semaphore, #tpu.memory_space<semaphore_mem>>)
      } else {
      }
      %dma_start3A_201 = arith.constant 0 : i32
      %dma_start3A_202 = arith.constant 0 : i32
      %dma_start3A_203 = tpu.memref_slice %arg2[%dma_start3A_201, %dma_start3A_202] : memref<10000x128xf32, #tpu.memory_space<hbm>> -> memref<10000x128xf32, #tpu.memory_space<hbm>>
      tpu.enqueue_indirect_dma source(%dma_start3A_203 : memref<10000x128xf32, #tpu.memory_space<hbm>>) target(%arg12 : memref<64x128xf32, #tpu.memory_space<vmem>>) offsets(%arg8 : memref<64xi32, #tpu.memory_space<vmem>>) semaphore(%arg17 : memref<!tpu.dma_semaphore, #tpu.memory_space<semaphore_mem>>)
      %ge3A_204 = arith.constant 1 : i32
      %ge3A_205 = arith.cmpi sge, %add3A_133, %ge3A_204 : i32
      %convert_element_type3A_206 = arith.extui %ge3A_205 : i1 to i32
      %cond3A_207 = arith.constant 0 : i32
      %cond3A_208 = arith.cmpi ne, %convert_element_type3A_206, %cond3A_207 : i32
      scf.if %cond3A_208 {
        %dma_wait3A_294 = arith.constant 0 : i32
        %dma_wait3A_295 = arith.constant 0 : i32
        %dma_wait3A_296 = tpu.memref_slice %arg2[%dma_wait3A_294, %dma_wait3A_295] : memref<10000x128xf32, #tpu.memory_space<hbm>> -> memref<10000x128xf32, #tpu.memory_space<hbm>>
        tpu.wait_indirect_dma semaphore(%arg18 : memref<!tpu.dma_semaphore, #tpu.memory_space<semaphore_mem>>) src(%dma_wait3A_296 : memref<10000x128xf32, #tpu.memory_space<hbm>>) dst(%arg13 : memref<64x128xf32, #tpu.memory_space<vmem>>)
        %dma_start3A_297 = arith.constant 0 : i32
        %dma_start3A_298 = arith.constant 0 : i32
        %dma_start3A_299 = tpu.memref_slice %arg14[%dma_start3A_297, %dma_start3A_298] : memref<10112x128xf32, #tpu.memory_space<vmem_shared>> -> memref<10112x128xf32, #tpu.memory_space<vmem_shared>>
        tpu.enqueue_indirect_dma source(%arg13 : memref<64x128xf32, #tpu.memory_space<vmem>>) target(%dma_start3A_299 : memref<10112x128xf32, #tpu.memory_space<vmem_shared>>) offsets(%arg11 : memref<64xi32, #tpu.memory_space<vmem>>) semaphore(%arg20 : memref<!tpu.dma_semaphore, #tpu.memory_space<semaphore_mem>>) {add = true}
      } else {
      }
      %mul3A_209 = arith.constant 2 : i32
      %mul3A_210 = arith.muli %while3A_129, %mul3A_209 : i32
      %add3A_211 = arith.constant 1 : i32
      %add3A_212 = arith.addi %mul3A_210, %add3A_211 : i32
      %dma_wait3A_213 = arith.constant 0 : i32
      %dma_wait3A_214 = tpu.memref_slice %arg3[%select_n3A_33, %dma_wait3A_213] : memref<5056x128xi32, #tpu.memory_space<hbm>> -> memref<1x128xi32, #tpu.memory_space<hbm>>
      %dma_wait3A_215 = tpu.memref_squeeze %dma_wait3A_214 : memref<1x128xi32, #tpu.memory_space<hbm>> -> memref<128xi32, #tpu.memory_space<hbm>>
      %dma_wait3A_216 = arith.constant 0 : i32
      %dma_wait3A_217 = tpu.memref_slice %arg3[%select_n3A_33, %dma_wait3A_216] : memref<5056x128xi32, #tpu.memory_space<hbm>> -> memref<1x128xi32, #tpu.memory_space<hbm>>
      %dma_wait3A_218 = tpu.memref_squeeze %dma_wait3A_217 : memref<1x128xi32, #tpu.memory_space<hbm>> -> memref<128xi32, #tpu.memory_space<hbm>>
      tpu.wait_dma2 semaphore(%arg16 : memref<!tpu.dma_semaphore, #tpu.memory_space<semaphore_mem>>) src(%dma_wait3A_218 : memref<128xi32, #tpu.memory_space<hbm>>) dst(%arg7 : memref<128xi32, #tpu.memory_space<vmem>>)
      %ge3A_219 = arith.constant 2 : i32
      %ge3A_220 = arith.cmpi sge, %add3A_212, %ge3A_219 : i32
      %convert_element_type3A_221 = arith.extui %ge3A_220 : i1 to i32
      %cond3A_222 = arith.constant 0 : i32
      %cond3A_223 = arith.cmpi ne, %convert_element_type3A_221, %cond3A_222 : i32
      scf.if %cond3A_223 {
        %dma_wait3A_294 = arith.constant 0 : i32
        %dma_wait3A_295 = arith.constant 0 : i32
        %dma_wait3A_296 = tpu.memref_slice %arg14[%dma_wait3A_294, %dma_wait3A_295] : memref<10112x128xf32, #tpu.memory_space<vmem_shared>> -> memref<10112x128xf32, #tpu.memory_space<vmem_shared>>
        tpu.wait_indirect_dma semaphore(%arg20 : memref<!tpu.dma_semaphore, #tpu.memory_space<semaphore_mem>>) src(%arg13 : memref<64x128xf32, #tpu.memory_space<vmem>>) dst(%dma_wait3A_296 : memref<10112x128xf32, #tpu.memory_space<vmem_shared>>)
      } else {
      }
      %get3A_224 = arith.constant 0 : index
      %get3A_225 = tpu.vector_load %arg7[%get3A_224] {strides = array<i32>} : memref<128xi32, #tpu.memory_space<vmem>>, vector<16xi32>,
      %get3A_226 = vector.shape_cast %get3A_225 : vector<16xi32> to vector<16xi32>
      %swap3A_227 = arith.constant 0 : index
      %swap3A_228 = tpu.vector_load %arg9[%swap3A_227] {strides = array<i32>} : memref<64xi32, #tpu.memory_space<vmem>>, vector<16xi32>,
      %swap3A_229 = vector.shape_cast %swap3A_228 : vector<16xi32> to vector<16xi32>
      %swap3A_230 = vector.shape_cast %get3A_226 : vector<16xi32> to vector<16xi32>
      tpu.vector_store %arg9[%swap3A_227], %swap3A_230 {strides = array<i32>} : memref<64xi32, #tpu.memory_space<vmem>>, vector<16xi32>,
      %get3A_231 = arith.constant 64 : index
      %get3A_232 = tpu.vector_load %arg7[%get3A_231] {strides = array<i32>} : memref<128xi32, #tpu.memory_space<vmem>>, vector<16xi32>,
      %get3A_233 = vector.shape_cast %get3A_232 : vector<16xi32> to vector<16xi32>
      %swap3A_234 = arith.constant 0 : index
      %swap3A_235 = tpu.vector_load %arg11[%swap3A_234] {strides = array<i32>} : memref<64xi32, #tpu.memory_space<vmem>>, vector<16xi32>,
      %swap3A_236 = vector.shape_cast %swap3A_235 : vector<16xi32> to vector<16xi32>
      %swap3A_237 = vector.shape_cast %get3A_233 : vector<16xi32> to vector<16xi32>
      tpu.vector_store %arg11[%swap3A_234], %swap3A_237 {strides = array<i32>} : memref<64xi32, #tpu.memory_space<vmem>>, vector<16xi32>,
      %get3A_238 = arith.constant 16 : index
      %get3A_239 = tpu.vector_load %arg7[%get3A_238] {strides = array<i32>} : memref<128xi32, #tpu.memory_space<vmem>>, vector<16xi32>,
      %get3A_240 = vector.shape_cast %get3A_239 : vector<16xi32> to vector<16xi32>
      %swap3A_241 = arith.constant 16 : index
      %swap3A_242 = tpu.vector_load %arg9[%swap3A_241] {strides = array<i32>} : memref<64xi32, #tpu.memory_space<vmem>>, vector<16xi32>,
      %swap3A_243 = vector.shape_cast %swap3A_242 : vector<16xi32> to vector<16xi32>
      %swap3A_244 = vector.shape_cast %get3A_240 : vector<16xi32> to vector<16xi32>
      tpu.vector_store %arg9[%swap3A_241], %swap3A_244 {strides = array<i32>} : memref<64xi32, #tpu.memory_space<vmem>>, vector<16xi32>,
      %get3A_245 = arith.constant 80 : index
      %get3A_246 = tpu.vector_load %arg7[%get3A_245] {strides = array<i32>} : memref<128xi32, #tpu.memory_space<vmem>>, vector<16xi32>,
      %get3A_247 = vector.shape_cast %get3A_246 : vector<16xi32> to vector<16xi32>
      %swap3A_248 = arith.constant 16 : index
      %swap3A_249 = tpu.vector_load %arg11[%swap3A_248] {strides = array<i32>} : memref<64xi32, #tpu.memory_space<vmem>>, vector<16xi32>,
      %swap3A_250 = vector.shape_cast %swap3A_249 : vector<16xi32> to vector<16xi32>
      %swap3A_251 = vector.shape_cast %get3A_247 : vector<16xi32> to vector<16xi32>
      tpu.vector_store %arg11[%swap3A_248], %swap3A_251 {strides = array<i32>} : memref<64xi32, #tpu.memory_space<vmem>>, vector<16xi32>,
      %get3A_252 = arith.constant 32 : index
      %get3A_253 = tpu.vector_load %arg7[%get3A_252] {strides = array<i32>} : memref<128xi32, #tpu.memory_space<vmem>>, vector<16xi32>,
      %get3A_254 = vector.shape_cast %get3A_253 : vector<16xi32> to vector<16xi32>
      %swap3A_255 = arith.constant 32 : index
      %swap3A_256 = tpu.vector_load %arg9[%swap3A_255] {strides = array<i32>} : memref<64xi32, #tpu.memory_space<vmem>>, vector<16xi32>,
      %swap3A_257 = vector.shape_cast %swap3A_256 : vector<16xi32> to vector<16xi32>
      %swap3A_258 = vector.shape_cast %get3A_254 : vector<16xi32> to vector<16xi32>
      tpu.vector_store %arg9[%swap3A_255], %swap3A_258 {strides = array<i32>} : memref<64xi32, #tpu.memory_space<vmem>>, vector<16xi32>,
      %get3A_259 = arith.constant 96 : index
      %get3A_260 = tpu.vector_load %arg7[%get3A_259] {strides = array<i32>} : memref<128xi32, #tpu.memory_space<vmem>>, vector<16xi32>,
      %get3A_261 = vector.shape_cast %get3A_260 : vector<16xi32> to vector<16xi32>
      %swap3A_262 = arith.constant 32 : index
      %swap3A_263 = tpu.vector_load %arg11[%swap3A_262] {strides = array<i32>} : memref<64xi32, #tpu.memory_space<vmem>>, vector<16xi32>,
      %swap3A_264 = vector.shape_cast %swap3A_263 : vector<16xi32> to vector<16xi32>
      %swap3A_265 = vector.shape_cast %get3A_261 : vector<16xi32> to vector<16xi32>
      tpu.vector_store %arg11[%swap3A_262], %swap3A_265 {strides = array<i32>} : memref<64xi32, #tpu.memory_space<vmem>>, vector<16xi32>,
      %get3A_266 = arith.constant 48 : index
      %get3A_267 = tpu.vector_load %arg7[%get3A_266] {strides = array<i32>} : memref<128xi32, #tpu.memory_space<vmem>>, vector<16xi32>,
      %get3A_268 = vector.shape_cast %get3A_267 : vector<16xi32> to vector<16xi32>
      %swap3A_269 = arith.constant 48 : index
      %swap3A_270 = tpu.vector_load %arg9[%swap3A_269] {strides = array<i32>} : memref<64xi32, #tpu.memory_space<vmem>>, vector<16xi32>,
      %swap3A_271 = vector.shape_cast %swap3A_270 : vector<16xi32> to vector<16xi32>
      %swap3A_272 = vector.shape_cast %get3A_268 : vector<16xi32> to vector<16xi32>
      tpu.vector_store %arg9[%swap3A_269], %swap3A_272 {strides = array<i32>} : memref<64xi32, #tpu.memory_space<vmem>>, vector<16xi32>,
      %get3A_273 = arith.constant 112 : index
      %get3A_274 = tpu.vector_load %arg7[%get3A_273] {strides = array<i32>} : memref<128xi32, #tpu.memory_space<vmem>>, vector<16xi32>,
      %get3A_275 = vector.shape_cast %get3A_274 : vector<16xi32> to vector<16xi32>
      %swap3A_276 = arith.constant 48 : index
      %swap3A_277 = tpu.vector_load %arg11[%swap3A_276] {strides = array<i32>} : memref<64xi32, #tpu.memory_space<vmem>>, vector<16xi32>,
      %swap3A_278 = vector.shape_cast %swap3A_277 : vector<16xi32> to vector<16xi32>
      %swap3A_279 = vector.shape_cast %get3A_275 : vector<16xi32> to vector<16xi32>
      tpu.vector_store %arg11[%swap3A_276], %swap3A_279 {strides = array<i32>} : memref<64xi32, #tpu.memory_space<vmem>>, vector<16xi32>,
      %add3A_280 = arith.constant 2 : i32
      %add3A_281 = arith.addi %add3A_212, %add3A_280 : i32
      %lt3A_282 = arith.cmpi slt, %add3A_281, %select_n3A : i32
      %convert_element_type3A_283 = arith.extui %lt3A_282 : i1 to i32
      %cond3A_284 = arith.constant 0 : i32
      %cond3A_285 = arith.cmpi ne, %convert_element_type3A_283, %cond3A_284 : i32
      scf.if %cond3A_285 {
        %add3A_294 = arith.addi %select_n3A_33, %add3A_212 : i32
        %add3A_295 = arith.constant 2 : i32
        %add3A_296 = arith.addi %add3A_294, %add3A_295 : i32
        %dma_start3A_297 = arith.constant 0 : i32
        %dma_start3A_298 = tpu.memref_slice %arg3[%add3A_296, %dma_start3A_297] : memref<5056x128xi32, #tpu.memory_space<hbm>> -> memref<1x128xi32, #tpu.memory_space<hbm>>
        %dma_start3A_299 = tpu.memref_squeeze %dma_start3A_298 : memref<1x128xi32, #tpu.memory_space<hbm>> -> memref<128xi32, #tpu.memory_space<hbm>>
        %dma_start3A_300 = arith.constant 0 : i32
        %dma_start3A_301 = tpu.memref_slice %arg3[%add3A_296, %dma_start3A_300] : memref<5056x128xi32, #tpu.memory_space<hbm>> -> memref<1x128xi32, #tpu.memory_space<hbm>>
        %dma_start3A_302 = tpu.memref_squeeze %dma_start3A_301 : memref<1x128xi32, #tpu.memory_space<hbm>> -> memref<128xi32, #tpu.memory_space<hbm>>
        tpu.enqueue_dma source(%dma_start3A_302 : memref<128xi32, #tpu.memory_space<hbm>>) target(%arg7 : memref<128xi32, #tpu.memory_space<vmem>>) target_semaphore(%arg16 : memref<!tpu.dma_semaphore, #tpu.memory_space<semaphore_mem>>)
      } else {
      }
      %dma_start3A_286 = arith.constant 0 : i32
      %dma_start3A_287 = arith.constant 0 : i32
      %dma_start3A_288 = tpu.memref_slice %arg2[%dma_start3A_286, %dma_start3A_287] : memref<10000x128xf32, #tpu.memory_space<hbm>> -> memref<10000x128xf32, #tpu.memory_space<hbm>>
      tpu.enqueue_indirect_dma source(%dma_start3A_288 : memref<10000x128xf32, #tpu.memory_space<hbm>>) target(%arg13 : memref<64x128xf32, #tpu.memory_space<vmem>>) offsets(%arg9 : memref<64xi32, #tpu.memory_space<vmem>>) semaphore(%arg18 : memref<!tpu.dma_semaphore, #tpu.memory_space<semaphore_mem>>)
      %ge3A_289 = arith.constant 1 : i32
      %ge3A_290 = arith.cmpi sge, %add3A_212, %ge3A_289 : i32
      %convert_element_type3A_291 = arith.extui %ge3A_290 : i1 to i32
      %cond3A_292 = arith.constant 0 : i32
      %cond3A_293 = arith.cmpi ne, %convert_element_type3A_291, %cond3A_292 : i32
      scf.if %cond3A_293 {
        %dma_wait3A_294 = arith.constant 0 : i32
        %dma_wait3A_295 = arith.constant 0 : i32
        %dma_wait3A_296 = tpu.memref_slice %arg2[%dma_wait3A_294, %dma_wait3A_295] : memref<10000x128xf32, #tpu.memory_space<hbm>> -> memref<10000x128xf32, #tpu.memory_space<hbm>>
        tpu.wait_indirect_dma semaphore(%arg17 : memref<!tpu.dma_semaphore, #tpu.memory_space<semaphore_mem>>) src(%dma_wait3A_296 : memref<10000x128xf32, #tpu.memory_space<hbm>>) dst(%arg12 : memref<64x128xf32, #tpu.memory_space<vmem>>)
        %dma_start3A_297 = arith.constant 0 : i32
        %dma_start3A_298 = arith.constant 0 : i32
        %dma_start3A_299 = tpu.memref_slice %arg14[%dma_start3A_297, %dma_start3A_298] : memref<10112x128xf32, #tpu.memory_space<vmem_shared>> -> memref<10112x128xf32, #tpu.memory_space<vmem_shared>>
        tpu.enqueue_indirect_dma source(%arg12 : memref<64x128xf32, #tpu.memory_space<vmem>>) target(%dma_start3A_299 : memref<10112x128xf32, #tpu.memory_space<vmem_shared>>) offsets(%arg10 : memref<64xi32, #tpu.memory_space<vmem>>) semaphore(%arg19 : memref<!tpu.dma_semaphore, #tpu.memory_space<semaphore_mem>>) {add = true}
      } else {
      }
    }
    %while3A_73 = arith.constant 1 : i32
    scf.for %while3A_129 = %while3A_71 to %while3A_67 step %while3A_73  : i32 {
      %mul3A_130 = arith.constant 2 : i32
      %mul3A_131 = arith.muli %while3A_129, %mul3A_130 : i32
      %add3A_132 = arith.constant 0 : i32
      %add3A_133 = arith.addi %mul3A_131, %add3A_132 : i32
      %dma_wait3A_134 = arith.constant 0 : i32
      %dma_wait3A_135 = tpu.memref_slice %arg3[%select_n3A_33, %dma_wait3A_134] : memref<5056x128xi32, #tpu.memory_space<hbm>> -> memref<1x128xi32, #tpu.memory_space<hbm>>
      %dma_wait3A_136 = tpu.memref_squeeze %dma_wait3A_135 : memref<1x128xi32, #tpu.memory_space<hbm>> -> memref<128xi32, #tpu.memory_space<hbm>>
      %dma_wait3A_137 = arith.constant 0 : i32
      %dma_wait3A_138 = tpu.memref_slice %arg3[%select_n3A_33, %dma_wait3A_137] : memref<5056x128xi32, #tpu.memory_space<hbm>> -> memref<1x128xi32, #tpu.memory_space<hbm>>
      %dma_wait3A_139 = tpu.memref_squeeze %dma_wait3A_138 : memref<1x128xi32, #tpu.memory_space<hbm>> -> memref<128xi32, #tpu.memory_space<hbm>>
      tpu.wait_dma2 semaphore(%arg15 : memref<!tpu.dma_semaphore, #tpu.memory_space<semaphore_mem>>) src(%dma_wait3A_139 : memref<128xi32, #tpu.memory_space<hbm>>) dst(%arg6 : memref<128xi32, #tpu.memory_space<vmem>>)
      %ge3A = arith.constant 2 : i32
      %ge3A_140 = arith.cmpi sge, %add3A_133, %ge3A : i32
      %convert_element_type3A = arith.extui %ge3A_140 : i1 to i32
      %cond3A = arith.constant 0 : i32
      %cond3A_141 = arith.cmpi ne, %convert_element_type3A, %cond3A : i32
      scf.if %cond3A_141 {
        %dma_wait3A_294 = arith.constant 0 : i32
        %dma_wait3A_295 = arith.constant 0 : i32
        %dma_wait3A_296 = tpu.memref_slice %arg14[%dma_wait3A_294, %dma_wait3A_295] : memref<10112x128xf32, #tpu.memory_space<vmem_shared>> -> memref<10112x128xf32, #tpu.memory_space<vmem_shared>>
        tpu.wait_indirect_dma semaphore(%arg19 : memref<!tpu.dma_semaphore, #tpu.memory_space<semaphore_mem>>) src(%arg12 : memref<64x128xf32, #tpu.memory_space<vmem>>) dst(%dma_wait3A_296 : memref<10112x128xf32, #tpu.memory_space<vmem_shared>>)
      } else {
      }
      %get3A = arith.constant 0 : index
      %get3A_142 = tpu.vector_load %arg6[%get3A] {strides = array<i32>} : memref<128xi32, #tpu.memory_space<vmem>>, vector<16xi32>,
      %get3A_143 = vector.shape_cast %get3A_142 : vector<16xi32> to vector<16xi32>
      %swap3A = arith.constant 0 : index
      %swap3A_144 = tpu.vector_load %arg8[%swap3A] {strides = array<i32>} : memref<64xi32, #tpu.memory_space<vmem>>, vector<16xi32>,
      %swap3A_145 = vector.shape_cast %swap3A_144 : vector<16xi32> to vector<16xi32>
      %swap3A_146 = vector.shape_cast %get3A_143 : vector<16xi32> to vector<16xi32>
      tpu.vector_store %arg8[%swap3A], %swap3A_146 {strides = array<i32>} : memref<64xi32, #tpu.memory_space<vmem>>, vector<16xi32>,
      %get3A_147 = arith.constant 64 : index
      %get3A_148 = tpu.vector_load %arg6[%get3A_147] {strides = array<i32>} : memref<128xi32, #tpu.memory_space<vmem>>, vector<16xi32>,
      %get3A_149 = vector.shape_cast %get3A_148 : vector<16xi32> to vector<16xi32>
      %swap3A_150 = arith.constant 0 : index
      %swap3A_151 = tpu.vector_load %arg10[%swap3A_150] {strides = array<i32>} : memref<64xi32, #tpu.memory_space<vmem>>, vector<16xi32>,
      %swap3A_152 = vector.shape_cast %swap3A_151 : vector<16xi32> to vector<16xi32>
      %swap3A_153 = vector.shape_cast %get3A_149 : vector<16xi32> to vector<16xi32>
      tpu.vector_store %arg10[%swap3A_150], %swap3A_153 {strides = array<i32>} : memref<64xi32, #tpu.memory_space<vmem>>, vector<16xi32>,
      %get3A_154 = arith.constant 16 : index
      %get3A_155 = tpu.vector_load %arg6[%get3A_154] {strides = array<i32>} : memref<128xi32, #tpu.memory_space<vmem>>, vector<16xi32>,
      %get3A_156 = vector.shape_cast %get3A_155 : vector<16xi32> to vector<16xi32>
      %swap3A_157 = arith.constant 16 : index
      %swap3A_158 = tpu.vector_load %arg8[%swap3A_157] {strides = array<i32>} : memref<64xi32, #tpu.memory_space<vmem>>, vector<16xi32>,
      %swap3A_159 = vector.shape_cast %swap3A_158 : vector<16xi32> to vector<16xi32>
      %swap3A_160 = vector.shape_cast %get3A_156 : vector<16xi32> to vector<16xi32>
      tpu.vector_store %arg8[%swap3A_157], %swap3A_160 {strides = array<i32>} : memref<64xi32, #tpu.memory_space<vmem>>, vector<16xi32>,
      %get3A_161 = arith.constant 80 : index
      %get3A_162 = tpu.vector_load %arg6[%get3A_161] {strides = array<i32>} : memref<128xi32, #tpu.memory_space<vmem>>, vector<16xi32>,
      %get3A_163 = vector.shape_cast %get3A_162 : vector<16xi32> to vector<16xi32>
      %swap3A_164 = arith.constant 16 : index
      %swap3A_165 = tpu.vector_load %arg10[%swap3A_164] {strides = array<i32>} : memref<64xi32, #tpu.memory_space<vmem>>, vector<16xi32>,
      %swap3A_166 = vector.shape_cast %swap3A_165 : vector<16xi32> to vector<16xi32>
      %swap3A_167 = vector.shape_cast %get3A_163 : vector<16xi32> to vector<16xi32>
      tpu.vector_store %arg10[%swap3A_164], %swap3A_167 {strides = array<i32>} : memref<64xi32, #tpu.memory_space<vmem>>, vector<16xi32>,
      %get3A_168 = arith.constant 32 : index
      %get3A_169 = tpu.vector_load %arg6[%get3A_168] {strides = array<i32>} : memref<128xi32, #tpu.memory_space<vmem>>, vector<16xi32>,
      %get3A_170 = vector.shape_cast %get3A_169 : vector<16xi32> to vector<16xi32>
      %swap3A_171 = arith.constant 32 : index
      %swap3A_172 = tpu.vector_load %arg8[%swap3A_171] {strides = array<i32>} : memref<64xi32, #tpu.memory_space<vmem>>, vector<16xi32>,
      %swap3A_173 = vector.shape_cast %swap3A_172 : vector<16xi32> to vector<16xi32>
      %swap3A_174 = vector.shape_cast %get3A_170 : vector<16xi32> to vector<16xi32>
      tpu.vector_store %arg8[%swap3A_171], %swap3A_174 {strides = array<i32>} : memref<64xi32, #tpu.memory_space<vmem>>, vector<16xi32>,
      %get3A_175 = arith.constant 96 : index
      %get3A_176 = tpu.vector_load %arg6[%get3A_175] {strides = array<i32>} : memref<128xi32, #tpu.memory_space<vmem>>, vector<16xi32>,
      %get3A_177 = vector.shape_cast %get3A_176 : vector<16xi32> to vector<16xi32>
      %swap3A_178 = arith.constant 32 : index
      %swap3A_179 = tpu.vector_load %arg10[%swap3A_178] {strides = array<i32>} : memref<64xi32, #tpu.memory_space<vmem>>, vector<16xi32>,
      %swap3A_180 = vector.shape_cast %swap3A_179 : vector<16xi32> to vector<16xi32>
      %swap3A_181 = vector.shape_cast %get3A_177 : vector<16xi32> to vector<16xi32>
      tpu.vector_store %arg10[%swap3A_178], %swap3A_181 {strides = array<i32>} : memref<64xi32, #tpu.memory_space<vmem>>, vector<16xi32>,
      %get3A_182 = arith.constant 48 : index
      %get3A_183 = tpu.vector_load %arg6[%get3A_182] {strides = array<i32>} : memref<128xi32, #tpu.memory_space<vmem>>, vector<16xi32>,
      %get3A_184 = vector.shape_cast %get3A_183 : vector<16xi32> to vector<16xi32>
      %swap3A_185 = arith.constant 48 : index
      %swap3A_186 = tpu.vector_load %arg8[%swap3A_185] {strides = array<i32>} : memref<64xi32, #tpu.memory_space<vmem>>, vector<16xi32>,
      %swap3A_187 = vector.shape_cast %swap3A_186 : vector<16xi32> to vector<16xi32>
      %swap3A_188 = vector.shape_cast %get3A_184 : vector<16xi32> to vector<16xi32>
      tpu.vector_store %arg8[%swap3A_185], %swap3A_188 {strides = array<i32>} : memref<64xi32, #tpu.memory_space<vmem>>, vector<16xi32>,
      %get3A_189 = arith.constant 112 : index
      %get3A_190 = tpu.vector_load %arg6[%get3A_189] {strides = array<i32>} : memref<128xi32, #tpu.memory_space<vmem>>, vector<16xi32>,
      %get3A_191 = vector.shape_cast %get3A_190 : vector<16xi32> to vector<16xi32>
      %swap3A_192 = arith.constant 48 : index
      %swap3A_193 = tpu.vector_load %arg10[%swap3A_192] {strides = array<i32>} : memref<64xi32, #tpu.memory_space<vmem>>, vector<16xi32>,
      %swap3A_194 = vector.shape_cast %swap3A_193 : vector<16xi32> to vector<16xi32>
      %swap3A_195 = vector.shape_cast %get3A_191 : vector<16xi32> to vector<16xi32>
      tpu.vector_store %arg10[%swap3A_192], %swap3A_195 {strides = array<i32>} : memref<64xi32, #tpu.memory_space<vmem>>, vector<16xi32>,
      %add3A_196 = arith.constant 2 : i32
      %add3A_197 = arith.addi %add3A_133, %add3A_196 : i32
      %lt3A = arith.cmpi slt, %add3A_197, %select_n3A : i32
      %convert_element_type3A_198 = arith.extui %lt3A : i1 to i32
      %cond3A_199 = arith.constant 0 : i32
      %cond3A_200 = arith.cmpi ne, %convert_element_type3A_198, %cond3A_199 : i32
      scf.if %cond3A_200 {
        %add3A_294 = arith.addi %select_n3A_33, %add3A_133 : i32
        %add3A_295 = arith.constant 2 : i32
        %add3A_296 = arith.addi %add3A_294, %add3A_295 : i32
        %dma_start3A_297 = arith.constant 0 : i32
        %dma_start3A_298 = tpu.memref_slice %arg3[%add3A_296, %dma_start3A_297] : memref<5056x128xi32, #tpu.memory_space<hbm>> -> memref<1x128xi32, #tpu.memory_space<hbm>>
        %dma_start3A_299 = tpu.memref_squeeze %dma_start3A_298 : memref<1x128xi32, #tpu.memory_space<hbm>> -> memref<128xi32, #tpu.memory_space<hbm>>
        %dma_start3A_300 = arith.constant 0 : i32
        %dma_start3A_301 = tpu.memref_slice %arg3[%add3A_296, %dma_start3A_300] : memref<5056x128xi32, #tpu.memory_space<hbm>> -> memref<1x128xi32, #tpu.memory_space<hbm>>
        %dma_start3A_302 = tpu.memref_squeeze %dma_start3A_301 : memref<1x128xi32, #tpu.memory_space<hbm>> -> memref<128xi32, #tpu.memory_space<hbm>>
        tpu.enqueue_dma source(%dma_start3A_302 : memref<128xi32, #tpu.memory_space<hbm>>) target(%arg6 : memref<128xi32, #tpu.memory_space<vmem>>) target_semaphore(%arg15 : memref<!tpu.dma_semaphore, #tpu.memory_space<semaphore_mem>>)
      } else {
      }
      %dma_start3A_201 = arith.constant 0 : i32
      %dma_start3A_202 = arith.constant 0 : i32
      %dma_start3A_203 = tpu.memref_slice %arg2[%dma_start3A_201, %dma_start3A_202] : memref<10000x128xf32, #tpu.memory_space<hbm>> -> memref<10000x128xf32, #tpu.memory_space<hbm>>
      tpu.enqueue_indirect_dma source(%dma_start3A_203 : memref<10000x128xf32, #tpu.memory_space<hbm>>) target(%arg12 : memref<64x128xf32, #tpu.memory_space<vmem>>) offsets(%arg8 : memref<64xi32, #tpu.memory_space<vmem>>) semaphore(%arg17 : memref<!tpu.dma_semaphore, #tpu.memory_space<semaphore_mem>>)
      %ge3A_204 = arith.constant 1 : i32
      %ge3A_205 = arith.cmpi sge, %add3A_133, %ge3A_204 : i32
      %convert_element_type3A_206 = arith.extui %ge3A_205 : i1 to i32
      %cond3A_207 = arith.constant 0 : i32
      %cond3A_208 = arith.cmpi ne, %convert_element_type3A_206, %cond3A_207 : i32
      scf.if %cond3A_208 {
        %dma_wait3A_294 = arith.constant 0 : i32
        %dma_wait3A_295 = arith.constant 0 : i32
        %dma_wait3A_296 = tpu.memref_slice %arg2[%dma_wait3A_294, %dma_wait3A_295] : memref<10000x128xf32, #tpu.memory_space<hbm>> -> memref<10000x128xf32, #tpu.memory_space<hbm>>
        tpu.wait_indirect_dma semaphore(%arg18 : memref<!tpu.dma_semaphore, #tpu.memory_space<semaphore_mem>>) src(%dma_wait3A_296 : memref<10000x128xf32, #tpu.memory_space<hbm>>) dst(%arg13 : memref<64x128xf32, #tpu.memory_space<vmem>>)
        %dma_start3A_297 = arith.constant 0 : i32
        %dma_start3A_298 = arith.constant 0 : i32
        %dma_start3A_299 = tpu.memref_slice %arg14[%dma_start3A_297, %dma_start3A_298] : memref<10112x128xf32, #tpu.memory_space<vmem_shared>> -> memref<10112x128xf32, #tpu.memory_space<vmem_shared>>
        tpu.enqueue_indirect_dma source(%arg13 : memref<64x128xf32, #tpu.memory_space<vmem>>) target(%dma_start3A_299 : memref<10112x128xf32, #tpu.memory_space<vmem_shared>>) offsets(%arg11 : memref<64xi32, #tpu.memory_space<vmem>>) semaphore(%arg20 : memref<!tpu.dma_semaphore, #tpu.memory_space<semaphore_mem>>) {add = true}
      } else {
      }
      %mul3A_209 = arith.constant 2 : i32
      %mul3A_210 = arith.muli %while3A_129, %mul3A_209 : i32
      %add3A_211 = arith.constant 1 : i32
      %add3A_212 = arith.addi %mul3A_210, %add3A_211 : i32
      %dma_wait3A_213 = arith.constant 0 : i32
      %dma_wait3A_214 = tpu.memref_slice %arg3[%select_n3A_33, %dma_wait3A_213] : memref<5056x128xi32, #tpu.memory_space<hbm>> -> memref<1x128xi32, #tpu.memory_space<hbm>>
      %dma_wait3A_215 = tpu.memref_squeeze %dma_wait3A_214 : memref<1x128xi32, #tpu.memory_space<hbm>> -> memref<128xi32, #tpu.memory_space<hbm>>
      %dma_wait3A_216 = arith.constant 0 : i32
      %dma_wait3A_217 = tpu.memref_slice %arg3[%select_n3A_33, %dma_wait3A_216] : memref<5056x128xi32, #tpu.memory_space<hbm>> -> memref<1x128xi32, #tpu.memory_space<hbm>>
      %dma_wait3A_218 = tpu.memref_squeeze %dma_wait3A_217 : memref<1x128xi32, #tpu.memory_space<hbm>> -> memref<128xi32, #tpu.memory_space<hbm>>
      tpu.wait_dma2 semaphore(%arg16 : memref<!tpu.dma_semaphore, #tpu.memory_space<semaphore_mem>>) src(%dma_wait3A_218 : memref<128xi32, #tpu.memory_space<hbm>>) dst(%arg7 : memref<128xi32, #tpu.memory_space<vmem>>)
      %ge3A_219 = arith.constant 2 : i32
      %ge3A_220 = arith.cmpi sge, %add3A_212, %ge3A_219 : i32
      %convert_element_type3A_221 = arith.extui %ge3A_220 : i1 to i32
      %cond3A_222 = arith.constant 0 : i32
      %cond3A_223 = arith.cmpi ne, %convert_element_type3A_221, %cond3A_222 : i32
      scf.if %cond3A_223 {
        %dma_wait3A_294 = arith.constant 0 : i32
        %dma_wait3A_295 = arith.constant 0 : i32
        %dma_wait3A_296 = tpu.memref_slice %arg14[%dma_wait3A_294, %dma_wait3A_295] : memref<10112x128xf32, #tpu.memory_space<vmem_shared>> -> memref<10112x128xf32, #tpu.memory_space<vmem_shared>>
        tpu.wait_indirect_dma semaphore(%arg20 : memref<!tpu.dma_semaphore, #tpu.memory_space<semaphore_mem>>) src(%arg13 : memref<64x128xf32, #tpu.memory_space<vmem>>) dst(%dma_wait3A_296 : memref<10112x128xf32, #tpu.memory_space<vmem_shared>>)
      } else {
      }
      %get3A_224 = arith.constant 0 : index
      %get3A_225 = tpu.vector_load %arg7[%get3A_224] {strides = array<i32>} : memref<128xi32, #tpu.memory_space<vmem>>, vector<16xi32>,
      %get3A_226 = vector.shape_cast %get3A_225 : vector<16xi32> to vector<16xi32>
      %swap3A_227 = arith.constant 0 : index
      %swap3A_228 = tpu.vector_load %arg9[%swap3A_227] {strides = array<i32>} : memref<64xi32, #tpu.memory_space<vmem>>, vector<16xi32>,
      %swap3A_229 = vector.shape_cast %swap3A_228 : vector<16xi32> to vector<16xi32>
      %swap3A_230 = vector.shape_cast %get3A_226 : vector<16xi32> to vector<16xi32>
      tpu.vector_store %arg9[%swap3A_227], %swap3A_230 {strides = array<i32>} : memref<64xi32, #tpu.memory_space<vmem>>, vector<16xi32>,
      %get3A_231 = arith.constant 64 : index
      %get3A_232 = tpu.vector_load %arg7[%get3A_231] {strides = array<i32>} : memref<128xi32, #tpu.memory_space<vmem>>, vector<16xi32>,
      %get3A_233 = vector.shape_cast %get3A_232 : vector<16xi32> to vector<16xi32>
      %swap3A_234 = arith.constant 0 : index
      %swap3A_235 = tpu.vector_load %arg11[%swap3A_234] {strides = array<i32>} : memref<64xi32, #tpu.memory_space<vmem>>, vector<16xi32>,
      %swap3A_236 = vector.shape_cast %swap3A_235 : vector<16xi32> to vector<16xi32>
      %swap3A_237 = vector.shape_cast %get3A_233 : vector<16xi32> to vector<16xi32>
      tpu.vector_store %arg11[%swap3A_234], %swap3A_237 {strides = array<i32>} : memref<64xi32, #tpu.memory_space<vmem>>, vector<16xi32>,
      %get3A_238 = arith.constant 16 : index
      %get3A_239 = tpu.vector_load %arg7[%get3A_238] {strides = array<i32>} : memref<128xi32, #tpu.memory_space<vmem>>, vector<16xi32>,
      %get3A_240 = vector.shape_cast %get3A_239 : vector<16xi32> to vector<16xi32>
      %swap3A_241 = arith.constant 16 : index
      %swap3A_242 = tpu.vector_load %arg9[%swap3A_241] {strides = array<i32>} : memref<64xi32, #tpu.memory_space<vmem>>, vector<16xi32>,
      %swap3A_243 = vector.shape_cast %swap3A_242 : vector<16xi32> to vector<16xi32>
      %swap3A_244 = vector.shape_cast %get3A_240 : vector<16xi32> to vector<16xi32>
      tpu.vector_store %arg9[%swap3A_241], %swap3A_244 {strides = array<i32>} : memref<64xi32, #tpu.memory_space<vmem>>, vector<16xi32>,
      %get3A_245 = arith.constant 80 : index
      %get3A_246 = tpu.vector_load %arg7[%get3A_245] {strides = array<i32>} : memref<128xi32, #tpu.memory_space<vmem>>, vector<16xi32>,
      %get3A_247 = vector.shape_cast %get3A_246 : vector<16xi32> to vector<16xi32>
      %swap3A_248 = arith.constant 16 : index
      %swap3A_249 = tpu.vector_load %arg11[%swap3A_248] {strides = array<i32>} : memref<64xi32, #tpu.memory_space<vmem>>, vector<16xi32>,
      %swap3A_250 = vector.shape_cast %swap3A_249 : vector<16xi32> to vector<16xi32>
      %swap3A_251 = vector.shape_cast %get3A_247 : vector<16xi32> to vector<16xi32>
      tpu.vector_store %arg11[%swap3A_248], %swap3A_251 {strides = array<i32>} : memref<64xi32, #tpu.memory_space<vmem>>, vector<16xi32>,
      %get3A_252 = arith.constant 32 : index
      %get3A_253 = tpu.vector_load %arg7[%get3A_252] {strides = array<i32>} : memref<128xi32, #tpu.memory_space<vmem>>, vector<16xi32>,
      %get3A_254 = vector.shape_cast %get3A_253 : vector<16xi32> to vector<16xi32>
      %swap3A_255 = arith.constant 32 : index
      %swap3A_256 = tpu.vector_load %arg9[%swap3A_255] {strides = array<i32>} : memref<64xi32, #tpu.memory_space<vmem>>, vector<16xi32>,
      %swap3A_257 = vector.shape_cast %swap3A_256 : vector<16xi32> to vector<16xi32>
      %swap3A_258 = vector.shape_cast %get3A_254 : vector<16xi32> to vector<16xi32>
      tpu.vector_store %arg9[%swap3A_255], %swap3A_258 {strides = array<i32>} : memref<64xi32, #tpu.memory_space<vmem>>, vector<16xi32>,
      %get3A_259 = arith.constant 96 : index
      %get3A_260 = tpu.vector_load %arg7[%get3A_259] {strides = array<i32>} : memref<128xi32, #tpu.memory_space<vmem>>, vector<16xi32>,
      %get3A_261 = vector.shape_cast %get3A_260 : vector<16xi32> to vector<16xi32>
      %swap3A_262 = arith.constant 32 : index
      %swap3A_263 = tpu.vector_load %arg11[%swap3A_262] {strides = array<i32>} : memref<64xi32, #tpu.memory_space<vmem>>, vector<16xi32>,
      %swap3A_264 = vector.shape_cast %swap3A_263 : vector<16xi32> to vector<16xi32>
      %swap3A_265 = vector.shape_cast %get3A_261 : vector<16xi32> to vector<16xi32>
      tpu.vector_store %arg11[%swap3A_262], %swap3A_265 {strides = array<i32>} : memref<64xi32, #tpu.memory_space<vmem>>, vector<16xi32>,
      %get3A_266 = arith.constant 48 : index
      %get3A_267 = tpu.vector_load %arg7[%get3A_266] {strides = array<i32>} : memref<128xi32, #tpu.memory_space<vmem>>, vector<16xi32>,
      %get3A_268 = vector.shape_cast %get3A_267 : vector<16xi32> to vector<16xi32>
      %swap3A_269 = arith.constant 48 : index
      %swap3A_270 = tpu.vector_load %arg9[%swap3A_269] {strides = array<i32>} : memref<64xi32, #tpu.memory_space<vmem>>, vector<16xi32>,
      %swap3A_271 = vector.shape_cast %swap3A_270 : vector<16xi32> to vector<16xi32>
      %swap3A_272 = vector.shape_cast %get3A_268 : vector<16xi32> to vector<16xi32>
      tpu.vector_store %arg9[%swap3A_269], %swap3A_272 {strides = array<i32>} : memref<64xi32, #tpu.memory_space<vmem>>, vector<16xi32>,
      %get3A_273 = arith.constant 112 : index
      %get3A_274 = tpu.vector_load %arg7[%get3A_273] {strides = array<i32>} : memref<128xi32, #tpu.memory_space<vmem>>, vector<16xi32>,
      %get3A_275 = vector.shape_cast %get3A_274 : vector<16xi32> to vector<16xi32>
      %swap3A_276 = arith.constant 48 : index
      %swap3A_277 = tpu.vector_load %arg11[%swap3A_276] {strides = array<i32>} : memref<64xi32, #tpu.memory_space<vmem>>, vector<16xi32>,
      %swap3A_278 = vector.shape_cast %swap3A_277 : vector<16xi32> to vector<16xi32>
      %swap3A_279 = vector.shape_cast %get3A_275 : vector<16xi32> to vector<16xi32>
      tpu.vector_store %arg11[%swap3A_276], %swap3A_279 {strides = array<i32>} : memref<64xi32, #tpu.memory_space<vmem>>, vector<16xi32>,
      %add3A_280 = arith.constant 2 : i32
      %add3A_281 = arith.addi %add3A_212, %add3A_280 : i32
      %lt3A_282 = arith.cmpi slt, %add3A_281, %select_n3A : i32
      %convert_element_type3A_283 = arith.extui %lt3A_282 : i1 to i32
      %cond3A_284 = arith.constant 0 : i32
      %cond3A_285 = arith.cmpi ne, %convert_element_type3A_283, %cond3A_284 : i32
      scf.if %cond3A_285 {
        %add3A_294 = arith.addi %select_n3A_33, %add3A_212 : i32
        %add3A_295 = arith.constant 2 : i32
        %add3A_296 = arith.addi %add3A_294, %add3A_295 : i32
        %dma_start3A_297 = arith.constant 0 : i32
        %dma_start3A_298 = tpu.memref_slice %arg3[%add3A_296, %dma_start3A_297] : memref<5056x128xi32, #tpu.memory_space<hbm>> -> memref<1x128xi32, #tpu.memory_space<hbm>>
        %dma_start3A_299 = tpu.memref_squeeze %dma_start3A_298 : memref<1x128xi32, #tpu.memory_space<hbm>> -> memref<128xi32, #tpu.memory_space<hbm>>
        %dma_start3A_300 = arith.constant 0 : i32
        %dma_start3A_301 = tpu.memref_slice %arg3[%add3A_296, %dma_start3A_300] : memref<5056x128xi32, #tpu.memory_space<hbm>> -> memref<1x128xi32, #tpu.memory_space<hbm>>
        %dma_start3A_302 = tpu.memref_squeeze %dma_start3A_301 : memref<1x128xi32, #tpu.memory_space<hbm>> -> memref<128xi32, #tpu.memory_space<hbm>>
        tpu.enqueue_dma source(%dma_start3A_302 : memref<128xi32, #tpu.memory_space<hbm>>) target(%arg7 : memref<128xi32, #tpu.memory_space<vmem>>) target_semaphore(%arg16 : memref<!tpu.dma_semaphore, #tpu.memory_space<semaphore_mem>>)
      } else {
      }
      %dma_start3A_286 = arith.constant 0 : i32
      %dma_start3A_287 = arith.constant 0 : i32
      %dma_start3A_288 = tpu.memref_slice %arg2[%dma_start3A_286, %dma_start3A_287] : memref<10000x128xf32, #tpu.memory_space<hbm>> -> memref<10000x128xf32, #tpu.memory_space<hbm>>
      tpu.enqueue_indirect_dma source(%dma_start3A_288 : memref<10000x128xf32, #tpu.memory_space<hbm>>) target(%arg13 : memref<64x128xf32, #tpu.memory_space<vmem>>) offsets(%arg9 : memref<64xi32, #tpu.memory_space<vmem>>) semaphore(%arg18 : memref<!tpu.dma_semaphore, #tpu.memory_space<semaphore_mem>>)
      %ge3A_289 = arith.constant 1 : i32
      %ge3A_290 = arith.cmpi sge, %add3A_212, %ge3A_289 : i32
      %convert_element_type3A_291 = arith.extui %ge3A_290 : i1 to i32
      %cond3A_292 = arith.constant 0 : i32
      %cond3A_293 = arith.cmpi ne, %convert_element_type3A_291, %cond3A_292 : i32
      scf.if %cond3A_293 {
        %dma_wait3A_294 = arith.constant 0 : i32
        %dma_wait3A_295 = arith.constant 0 : i32
        %dma_wait3A_296 = tpu.memref_slice %arg2[%dma_wait3A_294, %dma_wait3A_295] : memref<10000x128xf32, #tpu.memory_space<hbm>> -> memref<10000x128xf32, #tpu.memory_space<hbm>>
        tpu.wait_indirect_dma semaphore(%arg17 : memref<!tpu.dma_semaphore, #tpu.memory_space<semaphore_mem>>) src(%dma_wait3A_296 : memref<10000x128xf32, #tpu.memory_space<hbm>>) dst(%arg12 : memref<64x128xf32, #tpu.memory_space<vmem>>)
        %dma_start3A_297 = arith.constant 0 : i32
        %dma_start3A_298 = arith.constant 0 : i32
        %dma_start3A_299 = tpu.memref_slice %arg14[%dma_start3A_297, %dma_start3A_298] : memref<10112x128xf32, #tpu.memory_space<vmem_shared>> -> memref<10112x128xf32, #tpu.memory_space<vmem_shared>>
        tpu.enqueue_indirect_dma source(%arg12 : memref<64x128xf32, #tpu.memory_space<vmem>>) target(%dma_start3A_299 : memref<10112x128xf32, #tpu.memory_space<vmem_shared>>) offsets(%arg10 : memref<64xi32, #tpu.memory_space<vmem>>) semaphore(%arg19 : memref<!tpu.dma_semaphore, #tpu.memory_space<semaphore_mem>>) {add = true}
      } else {
      }
    }
    %dma_wait3A = arith.constant 0 : i32
    %dma_wait3A_74 = arith.constant 0 : i32
    %dma_wait3A_75 = tpu.memref_slice %arg2[%dma_wait3A, %dma_wait3A_74] : memref<10000x128xf32, #tpu.memory_space<hbm>> -> memref<10000x128xf32, #tpu.memory_space<hbm>>
    tpu.wait_indirect_dma semaphore(%arg18 : memref<!tpu.dma_semaphore, #tpu.memory_space<semaphore_mem>>) src(%dma_wait3A_75 : memref<10000x128xf32, #tpu.memory_space<hbm>>) dst(%arg13 : memref<64x128xf32, #tpu.memory_space<vmem>>)
    %dma_start3A_76 = arith.constant 0 : i32
    %dma_start3A_77 = arith.constant 0 : i32
    %dma_start3A_78 = tpu.memref_slice %arg14[%dma_start3A_76, %dma_start3A_77] : memref<10112x128xf32, #tpu.memory_space<vmem_shared>> -> memref<10112x128xf32, #tpu.memory_space<vmem_shared>>
    tpu.enqueue_indirect_dma source(%arg13 : memref<64x128xf32, #tpu.memory_space<vmem>>) target(%dma_start3A_78 : memref<10112x128xf32, #tpu.memory_space<vmem_shared>>) offsets(%arg11 : memref<64xi32, #tpu.memory_space<vmem>>) semaphore(%arg20 : memref<!tpu.dma_semaphore, #tpu.memory_space<semaphore_mem>>) {add = true}
    %dma_wait3A_79 = arith.constant 0 : i32
    %dma_wait3A_80 = arith.constant 0 : i32
    %dma_wait3A_81 = tpu.memref_slice %arg14[%dma_wait3A_79, %dma_wait3A_80] : memref<10112x128xf32, #tpu.memory_space<vmem_shared>> -> memref<10112x128xf32, #tpu.memory_space<vmem_shared>>
    tpu.wait_indirect_dma semaphore(%arg19 : memref<!tpu.dma_semaphore, #tpu.memory_space<semaphore_mem>>) src(%arg12 : memref<64x128xf32, #tpu.memory_space<vmem>>) dst(%dma_wait3A_81 : memref<10112x128xf32, #tpu.memory_space<vmem_shared>>)
    %dma_wait3A_82 = arith.constant 0 : i32
    %dma_wait3A_83 = arith.constant 0 : i32
    %dma_wait3A_84 = tpu.memref_slice %arg14[%dma_wait3A_82, %dma_wait3A_83] : memref<10112x128xf32, #tpu.memory_space<vmem_shared>> -> memref<10112x128xf32, #tpu.memory_space<vmem_shared>>
    tpu.wait_indirect_dma semaphore(%arg20 : memref<!tpu.dma_semaphore, #tpu.memory_space<semaphore_mem>>) src(%arg13 : memref<64x128xf32, #tpu.memory_space<vmem>>) dst(%dma_wait3A_84 : memref<10112x128xf32, #tpu.memory_space<vmem_shared>>)
    %barrier3A_85 = arith.constant 0 : index
    tpu.barrier barrier_id(%barrier3A_85)
    %mul3A_86 = arith.constant 10112 : i32
    %mul3A_87 = arith.muli %arg0, %mul3A_86 : i32
    %add3A_88 = arith.addi %mul3A_87, %mul3A_2 : i32
    %add3A_89 = arith.constant 0 : i32
    %add3A_90 = arith.addi %mul3A_2, %add3A_89 : i32
    "tpu.region"() ({
      %run_scoped3A = tpu.sem_alloc : memref<!tpu.dma_semaphore, #tpu.memory_space<semaphore_mem>>
      %dma_start3A_129 = arith.constant 0 : i32
      %dma_start3A_130 = arith.constant 0 : i32
      %dma_start3A_131 = tpu.memref_slice %arg12[%dma_start3A_129, %dma_start3A_130] : memref<64x128xf32, #tpu.memory_space<vmem>> -> memref<64x128xf32, #tpu.memory_space<vmem>>
      %dma_start3A_132 = arith.constant 0 : i32
      %dma_start3A_133 = tpu.memref_slice %arg14[%add3A_90, %dma_start3A_132] : memref<10112x128xf32, #tpu.memory_space<vmem_shared>> -> memref<64x128xf32, #tpu.memory_space<vmem_shared>>
      %dma_start3A_134 = arith.constant 0 : i32
      %dma_start3A_135 = arith.constant 0 : i32
      %dma_start3A_136 = tpu.memref_slice %arg12[%dma_start3A_134, %dma_start3A_135] : memref<64x128xf32, #tpu.memory_space<vmem>> -> memref<64x128xf32, #tpu.memory_space<vmem>>
      %dma_start3A_137 = arith.constant 0 : i32
      %dma_start3A_138 = tpu.memref_slice %arg14[%add3A_90, %dma_start3A_137] : memref<10112x128xf32, #tpu.memory_space<vmem_shared>> -> memref<64x128xf32, #tpu.memory_space<vmem_shared>>
      tpu.enqueue_dma source(%dma_start3A_138 : memref<64x128xf32, #tpu.memory_space<vmem_shared>>) target(%dma_start3A_136 : memref<64x128xf32, #tpu.memory_space<vmem>>) target_semaphore(%run_scoped3A : memref<!tpu.dma_semaphore, #tpu.memory_space<semaphore_mem>>)
      %dma_wait3A_139 = arith.constant 0 : i32
      %dma_wait3A_140 = arith.constant 0 : i32
      %dma_wait3A_141 = tpu.memref_slice %arg12[%dma_wait3A_139, %dma_wait3A_140] : memref<64x128xf32, #tpu.memory_space<vmem>> -> memref<64x128xf32, #tpu.memory_space<vmem>>
      %dma_wait3A_142 = arith.constant 0 : i32
      %dma_wait3A_143 = tpu.memref_slice %arg14[%add3A_90, %dma_wait3A_142] : memref<10112x128xf32, #tpu.memory_space<vmem_shared>> -> memref<64x128xf32, #tpu.memory_space<vmem_shared>>
      %dma_wait3A_144 = arith.constant 0 : i32
      %dma_wait3A_145 = arith.constant 0 : i32
      %dma_wait3A_146 = tpu.memref_slice %arg12[%dma_wait3A_144, %dma_wait3A_145] : memref<64x128xf32, #tpu.memory_space<vmem>> -> memref<64x128xf32, #tpu.memory_space<vmem>>
      %dma_wait3A_147 = arith.constant 0 : i32
      %dma_wait3A_148 = tpu.memref_slice %arg14[%add3A_90, %dma_wait3A_147] : memref<10112x128xf32, #tpu.memory_space<vmem_shared>> -> memref<64x128xf32, #tpu.memory_space<vmem_shared>>
      tpu.wait_dma2 semaphore(%run_scoped3A : memref<!tpu.dma_semaphore, #tpu.memory_space<semaphore_mem>>) src(%dma_wait3A_148 : memref<64x128xf32, #tpu.memory_space<vmem_shared>>) dst(%dma_wait3A_146 : memref<64x128xf32, #tpu.memory_space<vmem>>)
      tpu.yield
    }) : () -> ()
    %add3A_91 = arith.constant 0 : i32
    %add3A_92 = arith.addi %add3A_88, %add3A_91 : i32
    "tpu.region"() ({
      %run_scoped3A = tpu.sem_alloc : memref<!tpu.dma_semaphore, #tpu.memory_space<semaphore_mem>>
      %dma_start3A_129 = arith.constant 0 : i32
      %dma_start3A_130 = arith.constant 0 : i32
      %dma_start3A_131 = tpu.memref_slice %arg12[%dma_start3A_129, %dma_start3A_130] : memref<64x128xf32, #tpu.memory_space<vmem>> -> memref<64x128xf32, #tpu.memory_space<vmem>>
      %dma_start3A_132 = arith.constant 0 : i32
      %dma_start3A_133 = tpu.memref_slice %arg5[%add3A_92, %dma_start3A_132] : memref<20224x128xf32, #tpu.memory_space<hbm>> -> memref<64x128xf32, #tpu.memory_space<hbm>>
      %dma_start3A_134 = arith.constant 0 : i32
      %dma_start3A_135 = tpu.memref_slice %arg5[%add3A_92, %dma_start3A_134] : memref<20224x128xf32, #tpu.memory_space<hbm>> -> memref<64x128xf32, #tpu.memory_space<hbm>>
      %dma_start3A_136 = arith.constant 0 : i32
      %dma_start3A_137 = arith.constant 0 : i32
      %dma_start3A_138 = tpu.memref_slice %arg12[%dma_start3A_136, %dma_start3A_137] : memref<64x128xf32, #tpu.memory_space<vmem>> -> memref<64x128xf32, #tpu.memory_space<vmem>>
      tpu.enqueue_dma source(%dma_start3A_138 : memref<64x128xf32, #tpu.memory_space<vmem>>) target(%dma_start3A_135 : memref<64x128xf32, #tpu.memory_space<hbm>>) target_semaphore(%run_scoped3A : memref<!tpu.dma_semaphore, #tpu.memory_space<semaphore_mem>>)
      %dma_wait3A_139 = arith.constant 0 : i32
      %dma_wait3A_140 = arith.constant 0 : i32
      %dma_wait3A_141 = tpu.memref_slice %arg12[%dma_wait3A_139, %dma_wait3A_140] : memref<64x128xf32, #tpu.memory_space<vmem>> -> memref<64x128xf32, #tpu.memory_space<vmem>>
      %dma_wait3A_142 = arith.constant 0 : i32
      %dma_wait3A_143 = tpu.memref_slice %arg5[%add3A_92, %dma_wait3A_142] : memref<20224x128xf32, #tpu.memory_space<hbm>> -> memref<64x128xf32, #tpu.memory_space<hbm>>
      %dma_wait3A_144 = arith.constant 0 : i32
      %dma_wait3A_145 = tpu.memref_slice %arg5[%add3A_92, %dma_wait3A_144] : memref<20224x128xf32, #tpu.memory_space<hbm>> -> memref<64x128xf32, #tpu.memory_space<hbm>>
      %dma_wait3A_146 = arith.constant 0 : i32
      %dma_wait3A_147 = arith.constant 0 : i32
      %dma_wait3A_148 = tpu.memref_slice %arg12[%dma_wait3A_146, %dma_wait3A_147] : memref<64x128xf32, #tpu.memory_space<vmem>> -> memref<64x128xf32, #tpu.memory_space<vmem>>
      tpu.wait_dma2 semaphore(%run_scoped3A : memref<!tpu.dma_semaphore, #tpu.memory_space<semaphore_mem>>) src(%dma_wait3A_148 : memref<64x128xf32, #tpu.memory_space<vmem>>) dst(%dma_wait3A_145 : memref<64x128xf32, #tpu.memory_space<hbm>>)
      tpu.yield
    }) : () -> ()
    %add3A_93 = arith.constant 64 : i32
    %add3A_94 = arith.addi %mul3A_2, %add3A_93 : i32
    "tpu.region"() ({
      %run_scoped3A = tpu.sem_alloc : memref<!tpu.dma_semaphore, #tpu.memory_space<semaphore_mem>>
      %dma_start3A_129 = arith.constant 0 : i32
      %dma_start3A_130 = arith.constant 0 : i32
      %dma_start3A_131 = tpu.memref_slice %arg13[%dma_start3A_129, %dma_start3A_130] : memref<64x128xf32, #tpu.memory_space<vmem>> -> memref<64x128xf32, #tpu.memory_space<vmem>>
      %dma_start3A_132 = arith.constant 0 : i32
      %dma_start3A_133 = tpu.memref_slice %arg14[%add3A_94, %dma_start3A_132] : memref<10112x128xf32, #tpu.memory_space<vmem_shared>> -> memref<64x128xf32, #tpu.memory_space<vmem_shared>>
      %dma_start3A_134 = arith.constant 0 : i32
      %dma_start3A_135 = arith.constant 0 : i32
      %dma_start3A_136 = tpu.memref_slice %arg13[%dma_start3A_134, %dma_start3A_135] : memref<64x128xf32, #tpu.memory_space<vmem>> -> memref<64x128xf32, #tpu.memory_space<vmem>>
      %dma_start3A_137 = arith.constant 0 : i32
      %dma_start3A_138 = tpu.memref_slice %arg14[%add3A_94, %dma_start3A_137] : memref<10112x128xf32, #tpu.memory_space<vmem_shared>> -> memref<64x128xf32, #tpu.memory_space<vmem_shared>>
      tpu.enqueue_dma source(%dma_start3A_138 : memref<64x128xf32, #tpu.memory_space<vmem_shared>>) target(%dma_start3A_136 : memref<64x128xf32, #tpu.memory_space<vmem>>) target_semaphore(%run_scoped3A : memref<!tpu.dma_semaphore, #tpu.memory_space<semaphore_mem>>)
      %dma_wait3A_139 = arith.constant 0 : i32
      %dma_wait3A_140 = arith.constant 0 : i32
      %dma_wait3A_141 = tpu.memref_slice %arg13[%dma_wait3A_139, %dma_wait3A_140] : memref<64x128xf32, #tpu.memory_space<vmem>> -> memref<64x128xf32, #tpu.memory_space<vmem>>
      %dma_wait3A_142 = arith.constant 0 : i32
      %dma_wait3A_143 = tpu.memref_slice %arg14[%add3A_94, %dma_wait3A_142] : memref<10112x128xf32, #tpu.memory_space<vmem_shared>> -> memref<64x128xf32, #tpu.memory_space<vmem_shared>>
      %dma_wait3A_144 = arith.constant 0 : i32
      %dma_wait3A_145 = arith.constant 0 : i32
      %dma_wait3A_146 = tpu.memref_slice %arg13[%dma_wait3A_144, %dma_wait3A_145] : memref<64x128xf32, #tpu.memory_space<vmem>> -> memref<64x128xf32, #tpu.memory_space<vmem>>
      %dma_wait3A_147 = arith.constant 0 : i32
      %dma_wait3A_148 = tpu.memref_slice %arg14[%add3A_94, %dma_wait3A_147] : memref<10112x128xf32, #tpu.memory_space<vmem_shared>> -> memref<64x128xf32, #tpu.memory_space<vmem_shared>>
      tpu.wait_dma2 semaphore(%run_scoped3A : memref<!tpu.dma_semaphore, #tpu.memory_space<semaphore_mem>>) src(%dma_wait3A_148 : memref<64x128xf32, #tpu.memory_space<vmem_shared>>) dst(%dma_wait3A_146 : memref<64x128xf32, #tpu.memory_space<vmem>>)
      tpu.yield
    }) : () -> ()
    %add3A_95 = arith.constant 64 : i32
    %add3A_96 = arith.addi %add3A_88, %add3A_95 : i32
    "tpu.region"() ({
      %run_scoped3A = tpu.sem_alloc : memref<!tpu.dma_semaphore, #tpu.memory_space<semaphore_mem>>
      %dma_start3A_129 = arith.constant 0 : i32
      %dma_start3A_130 = arith.constant 0 : i32
      %dma_start3A_131 = tpu.memref_slice %arg13[%dma_start3A_129, %dma_start3A_130] : memref<64x128xf32, #tpu.memory_space<vmem>> -> memref<64x128xf32, #tpu.memory_space<vmem>>
      %dma_start3A_132 = arith.constant 0 : i32
      %dma_start3A_133 = tpu.memref_slice %arg5[%add3A_96, %dma_start3A_132] : memref<20224x128xf32, #tpu.memory_space<hbm>> -> memref<64x128xf32, #tpu.memory_space<hbm>>
      %dma_start3A_134 = arith.constant 0 : i32
      %dma_start3A_135 = tpu.memref_slice %arg5[%add3A_96, %dma_start3A_134] : memref<20224x128xf32, #tpu.memory_space<hbm>> -> memref<64x128xf32, #tpu.memory_space<hbm>>
      %dma_start3A_136 = arith.constant 0 : i32
      %dma_start3A_137 = arith.constant 0 : i32
      %dma_start3A_138 = tpu.memref_slice %arg13[%dma_start3A_136, %dma_start3A_137] : memref<64x128xf32, #tpu.memory_space<vmem>> -> memref<64x128xf32, #tpu.memory_space<vmem>>
      tpu.enqueue_dma source(%dma_start3A_138 : memref<64x128xf32, #tpu.memory_space<vmem>>) target(%dma_start3A_135 : memref<64x128xf32, #tpu.memory_space<hbm>>) target_semaphore(%run_scoped3A : memref<!tpu.dma_semaphore, #tpu.memory_space<semaphore_mem>>)
      %dma_wait3A_139 = arith.constant 0 : i32
      %dma_wait3A_140 = arith.constant 0 : i32
      %dma_wait3A_141 = tpu.memref_slice %arg13[%dma_wait3A_139, %dma_wait3A_140] : memref<64x128xf32, #tpu.memory_space<vmem>> -> memref<64x128xf32, #tpu.memory_space<vmem>>
      %dma_wait3A_142 = arith.constant 0 : i32
      %dma_wait3A_143 = tpu.memref_slice %arg5[%add3A_96, %dma_wait3A_142] : memref<20224x128xf32, #tpu.memory_space<hbm>> -> memref<64x128xf32, #tpu.memory_space<hbm>>
      %dma_wait3A_144 = arith.constant 0 : i32
      %dma_wait3A_145 = tpu.memref_slice %arg5[%add3A_96, %dma_wait3A_144] : memref<20224x128xf32, #tpu.memory_space<hbm>> -> memref<64x128xf32, #tpu.memory_space<hbm>>
      %dma_wait3A_146 = arith.constant 0 : i32
      %dma_wait3A_147 = arith.constant 0 : i32
      %dma_wait3A_148 = tpu.memref_slice %arg13[%dma_wait3A_146, %dma_wait3A_147] : memref<64x128xf32, #tpu.memory_space<vmem>> -> memref<64x128xf32, #tpu.memory_space<vmem>>
      tpu.wait_dma2 semaphore(%run_scoped3A : memref<!tpu.dma_semaphore, #tpu.memory_space<semaphore_mem>>) src(%dma_wait3A_148 : memref<64x128xf32, #tpu.memory_space<vmem>>) dst(%dma_wait3A_145 : memref<64x128xf32, #tpu.memory_space<hbm>>)
      tpu.yield
    }) : () -> ()
    %add3A_97 = arith.constant 128 : i32
    %add3A_98 = arith.addi %mul3A_2, %add3A_97 : i32
    "tpu.region"() ({
      %run_scoped3A = tpu.sem_alloc : memref<!tpu.dma_semaphore, #tpu.memory_space<semaphore_mem>>
      %dma_start3A_129 = arith.constant 0 : i32
      %dma_start3A_130 = arith.constant 0 : i32
      %dma_start3A_131 = tpu.memref_slice %arg12[%dma_start3A_129, %dma_start3A_130] : memref<64x128xf32, #tpu.memory_space<vmem>> -> memref<64x128xf32, #tpu.memory_space<vmem>>
      %dma_start3A_132 = arith.constant 0 : i32
      %dma_start3A_133 = tpu.memref_slice %arg14[%add3A_98, %dma_start3A_132] : memref<10112x128xf32, #tpu.memory_space<vmem_shared>> -> memref<64x128xf32, #tpu.memory_space<vmem_shared>>
      %dma_start3A_134 = arith.constant 0 : i32
      %dma_start3A_135 = arith.constant 0 : i32
      %dma_start3A_136 = tpu.memref_slice %arg12[%dma_start3A_134, %dma_start3A_135] : memref<64x128xf32, #tpu.memory_space<vmem>> -> memref<64x128xf32, #tpu.memory_space<vmem>>
      %dma_start3A_137 = arith.constant 0 : i32
      %dma_start3A_138 = tpu.memref_slice %arg14[%add3A_98, %dma_start3A_137] : memref<10112x128xf32, #tpu.memory_space<vmem_shared>> -> memref<64x128xf32, #tpu.memory_space<vmem_shared>>
      tpu.enqueue_dma source(%dma_start3A_138 : memref<64x128xf32, #tpu.memory_space<vmem_shared>>) target(%dma_start3A_136 : memref<64x128xf32, #tpu.memory_space<vmem>>) target_semaphore(%run_scoped3A : memref<!tpu.dma_semaphore, #tpu.memory_space<semaphore_mem>>)
      %dma_wait3A_139 = arith.constant 0 : i32
      %dma_wait3A_140 = arith.constant 0 : i32
      %dma_wait3A_141 = tpu.memref_slice %arg12[%dma_wait3A_139, %dma_wait3A_140] : memref<64x128xf32, #tpu.memory_space<vmem>> -> memref<64x128xf32, #tpu.memory_space<vmem>>
      %dma_wait3A_142 = arith.constant 0 : i32
      %dma_wait3A_143 = tpu.memref_slice %arg14[%add3A_98, %dma_wait3A_142] : memref<10112x128xf32, #tpu.memory_space<vmem_shared>> -> memref<64x128xf32, #tpu.memory_space<vmem_shared>>
      %dma_wait3A_144 = arith.constant 0 : i32
      %dma_wait3A_145 = arith.constant 0 : i32
      %dma_wait3A_146 = tpu.memref_slice %arg12[%dma_wait3A_144, %dma_wait3A_145] : memref<64x128xf32, #tpu.memory_space<vmem>> -> memref<64x128xf32, #tpu.memory_space<vmem>>
      %dma_wait3A_147 = arith.constant 0 : i32
      %dma_wait3A_148 = tpu.memref_slice %arg14[%add3A_98, %dma_wait3A_147] : memref<10112x128xf32, #tpu.memory_space<vmem_shared>> -> memref<64x128xf32, #tpu.memory_space<vmem_shared>>
      tpu.wait_dma2 semaphore(%run_scoped3A : memref<!tpu.dma_semaphore, #tpu.memory_space<semaphore_mem>>) src(%dma_wait3A_148 : memref<64x128xf32, #tpu.memory_space<vmem_shared>>) dst(%dma_wait3A_146 : memref<64x128xf32, #tpu.memory_space<vmem>>)
      tpu.yield
    }) : () -> ()
    %add3A_99 = arith.constant 128 : i32
    %add3A_100 = arith.addi %add3A_88, %add3A_99 : i32
    "tpu.region"() ({
      %run_scoped3A = tpu.sem_alloc : memref<!tpu.dma_semaphore, #tpu.memory_space<semaphore_mem>>
      %dma_start3A_129 = arith.constant 0 : i32
      %dma_start3A_130 = arith.constant 0 : i32
      %dma_start3A_131 = tpu.memref_slice %arg12[%dma_start3A_129, %dma_start3A_130] : memref<64x128xf32, #tpu.memory_space<vmem>> -> memref<64x128xf32, #tpu.memory_space<vmem>>
      %dma_start3A_132 = arith.constant 0 : i32
      %dma_start3A_133 = tpu.memref_slice %arg5[%add3A_100, %dma_start3A_132] : memref<20224x128xf32, #tpu.memory_space<hbm>> -> memref<64x128xf32, #tpu.memory_space<hbm>>
      %dma_start3A_134 = arith.constant 0 : i32
      %dma_start3A_135 = tpu.memref_slice %arg5[%add3A_100, %dma_start3A_134] : memref<20224x128xf32, #tpu.memory_space<hbm>> -> memref<64x128xf32, #tpu.memory_space<hbm>>
      %dma_start3A_136 = arith.constant 0 : i32
      %dma_start3A_137 = arith.constant 0 : i32
      %dma_start3A_138 = tpu.memref_slice %arg12[%dma_start3A_136, %dma_start3A_137] : memref<64x128xf32, #tpu.memory_space<vmem>> -> memref<64x128xf32, #tpu.memory_space<vmem>>
      tpu.enqueue_dma source(%dma_start3A_138 : memref<64x128xf32, #tpu.memory_space<vmem>>) target(%dma_start3A_135 : memref<64x128xf32, #tpu.memory_space<hbm>>) target_semaphore(%run_scoped3A : memref<!tpu.dma_semaphore, #tpu.memory_space<semaphore_mem>>)
      %dma_wait3A_139 = arith.constant 0 : i32
      %dma_wait3A_140 = arith.constant 0 : i32
      %dma_wait3A_141 = tpu.memref_slice %arg12[%dma_wait3A_139, %dma_wait3A_140] : memref<64x128xf32, #tpu.memory_space<vmem>> -> memref<64x128xf32, #tpu.memory_space<vmem>>
      %dma_wait3A_142 = arith.constant 0 : i32
      %dma_wait3A_143 = tpu.memref_slice %arg5[%add3A_100, %dma_wait3A_142] : memref<20224x128xf32, #tpu.memory_space<hbm>> -> memref<64x128xf32, #tpu.memory_space<hbm>>
      %dma_wait3A_144 = arith.constant 0 : i32
      %dma_wait3A_145 = tpu.memref_slice %arg5[%add3A_100, %dma_wait3A_144] : memref<20224x128xf32, #tpu.memory_space<hbm>> -> memref<64x128xf32, #tpu.memory_space<hbm>>
      %dma_wait3A_146 = arith.constant 0 : i32
      %dma_wait3A_147 = arith.constant 0 : i32
      %dma_wait3A_148 = tpu.memref_slice %arg12[%dma_wait3A_146, %dma_wait3A_147] : memref<64x128xf32, #tpu.memory_space<vmem>> -> memref<64x128xf32, #tpu.memory_space<vmem>>
      tpu.wait_dma2 semaphore(%run_scoped3A : memref<!tpu.dma_semaphore, #tpu.memory_space<semaphore_mem>>) src(%dma_wait3A_148 : memref<64x128xf32, #tpu.memory_space<vmem>>) dst(%dma_wait3A_145 : memref<64x128xf32, #tpu.memory_space<hbm>>)
      tpu.yield
    }) : () -> ()
    %add3A_101 = arith.constant 192 : i32
    %add3A_102 = arith.addi %mul3A_2, %add3A_101 : i32
    "tpu.region"() ({
      %run_scoped3A = tpu.sem_alloc : memref<!tpu.dma_semaphore, #tpu.memory_space<semaphore_mem>>
      %dma_start3A_129 = arith.constant 0 : i32
      %dma_start3A_130 = arith.constant 0 : i32
      %dma_start3A_131 = tpu.memref_slice %arg13[%dma_start3A_129, %dma_start3A_130] : memref<64x128xf32, #tpu.memory_space<vmem>> -> memref<64x128xf32, #tpu.memory_space<vmem>>
      %dma_start3A_132 = arith.constant 0 : i32
      %dma_start3A_133 = tpu.memref_slice %arg14[%add3A_102, %dma_start3A_132] : memref<10112x128xf32, #tpu.memory_space<vmem_shared>> -> memref<64x128xf32, #tpu.memory_space<vmem_shared>>
      %dma_start3A_134 = arith.constant 0 : i32
      %dma_start3A_135 = arith.constant 0 : i32
      %dma_start3A_136 = tpu.memref_slice %arg13[%dma_start3A_134, %dma_start3A_135] : memref<64x128xf32, #tpu.memory_space<vmem>> -> memref<64x128xf32, #tpu.memory_space<vmem>>
      %dma_start3A_137 = arith.constant 0 : i32
      %dma_start3A_138 = tpu.memref_slice %arg14[%add3A_102, %dma_start3A_137] : memref<10112x128xf32, #tpu.memory_space<vmem_shared>> -> memref<64x128xf32, #tpu.memory_space<vmem_shared>>
      tpu.enqueue_dma source(%dma_start3A_138 : memref<64x128xf32, #tpu.memory_space<vmem_shared>>) target(%dma_start3A_136 : memref<64x128xf32, #tpu.memory_space<vmem>>) target_semaphore(%run_scoped3A : memref<!tpu.dma_semaphore, #tpu.memory_space<semaphore_mem>>)
      %dma_wait3A_139 = arith.constant 0 : i32
      %dma_wait3A_140 = arith.constant 0 : i32
      %dma_wait3A_141 = tpu.memref_slice %arg13[%dma_wait3A_139, %dma_wait3A_140] : memref<64x128xf32, #tpu.memory_space<vmem>> -> memref<64x128xf32, #tpu.memory_space<vmem>>
      %dma_wait3A_142 = arith.constant 0 : i32
      %dma_wait3A_143 = tpu.memref_slice %arg14[%add3A_102, %dma_wait3A_142] : memref<10112x128xf32, #tpu.memory_space<vmem_shared>> -> memref<64x128xf32, #tpu.memory_space<vmem_shared>>
      %dma_wait3A_144 = arith.constant 0 : i32
      %dma_wait3A_145 = arith.constant 0 : i32
      %dma_wait3A_146 = tpu.memref_slice %arg13[%dma_wait3A_144, %dma_wait3A_145] : memref<64x128xf32, #tpu.memory_space<vmem>> -> memref<64x128xf32, #tpu.memory_space<vmem>>
      %dma_wait3A_147 = arith.constant 0 : i32
      %dma_wait3A_148 = tpu.memref_slice %arg14[%add3A_102, %dma_wait3A_147] : memref<10112x128xf32, #tpu.memory_space<vmem_shared>> -> memref<64x128xf32, #tpu.memory_space<vmem_shared>>
      tpu.wait_dma2 semaphore(%run_scoped3A : memref<!tpu.dma_semaphore, #tpu.memory_space<semaphore_mem>>) src(%dma_wait3A_148 : memref<64x128xf32, #tpu.memory_space<vmem_shared>>) dst(%dma_wait3A_146 : memref<64x128xf32, #tpu.memory_space<vmem>>)
      tpu.yield
    }) : () -> ()
    %add3A_103 = arith.constant 192 : i32
    %add3A_104 = arith.addi %add3A_88, %add3A_103 : i32
    "tpu.region"() ({
      %run_scoped3A = tpu.sem_alloc : memref<!tpu.dma_semaphore, #tpu.memory_space<semaphore_mem>>
      %dma_start3A_129 = arith.constant 0 : i32
      %dma_start3A_130 = arith.constant 0 : i32
      %dma_start3A_131 = tpu.memref_slice %arg13[%dma_start3A_129, %dma_start3A_130] : memref<64x128xf32, #tpu.memory_space<vmem>> -> memref<64x128xf32, #tpu.memory_space<vmem>>
      %dma_start3A_132 = arith.constant 0 : i32
      %dma_start3A_133 = tpu.memref_slice %arg5[%add3A_104, %dma_start3A_132] : memref<20224x128xf32, #tpu.memory_space<hbm>> -> memref<64x128xf32, #tpu.memory_space<hbm>>
      %dma_start3A_134 = arith.constant 0 : i32
      %dma_start3A_135 = tpu.memref_slice %arg5[%add3A_104, %dma_start3A_134] : memref<20224x128xf32, #tpu.memory_space<hbm>> -> memref<64x128xf32, #tpu.memory_space<hbm>>
      %dma_start3A_136 = arith.constant 0 : i32
      %dma_start3A_137 = arith.constant 0 : i32
      %dma_start3A_138 = tpu.memref_slice %arg13[%dma_start3A_136, %dma_start3A_137] : memref<64x128xf32, #tpu.memory_space<vmem>> -> memref<64x128xf32, #tpu.memory_space<vmem>>
      tpu.enqueue_dma source(%dma_start3A_138 : memref<64x128xf32, #tpu.memory_space<vmem>>) target(%dma_start3A_135 : memref<64x128xf32, #tpu.memory_space<hbm>>) target_semaphore(%run_scoped3A : memref<!tpu.dma_semaphore, #tpu.memory_space<semaphore_mem>>)
      %dma_wait3A_139 = arith.constant 0 : i32
      %dma_wait3A_140 = arith.constant 0 : i32
      %dma_wait3A_141 = tpu.memref_slice %arg13[%dma_wait3A_139, %dma_wait3A_140] : memref<64x128xf32, #tpu.memory_space<vmem>> -> memref<64x128xf32, #tpu.memory_space<vmem>>
      %dma_wait3A_142 = arith.constant 0 : i32
      %dma_wait3A_143 = tpu.memref_slice %arg5[%add3A_104, %dma_wait3A_142] : memref<20224x128xf32, #tpu.memory_space<hbm>> -> memref<64x128xf32, #tpu.memory_space<hbm>>
      %dma_wait3A_144 = arith.constant 0 : i32
      %dma_wait3A_145 = tpu.memref_slice %arg5[%add3A_104, %dma_wait3A_144] : memref<20224x128xf32, #tpu.memory_space<hbm>> -> memref<64x128xf32, #tpu.memory_space<hbm>>
      %dma_wait3A_146 = arith.constant 0 : i32
      %dma_wait3A_147 = arith.constant 0 : i32
      %dma_wait3A_148 = tpu.memref_slice %arg13[%dma_wait3A_146, %dma_wait3A_147] : memref<64x128xf32, #tpu.memory_space<vmem>> -> memref<64x128xf32, #tpu.memory_space<vmem>>
      tpu.wait_dma2 semaphore(%run_scoped3A : memref<!tpu.dma_semaphore, #tpu.memory_space<semaphore_mem>>) src(%dma_wait3A_148 : memref<64x128xf32, #tpu.memory_space<vmem>>) dst(%dma_wait3A_145 : memref<64x128xf32, #tpu.memory_space<hbm>>)
      tpu.yield
    }) : () -> ()
    %add3A_105 = arith.constant 256 : i32
    %add3A_106 = arith.addi %mul3A_2, %add3A_105 : i32
    "tpu.region"() ({
      %run_scoped3A = tpu.sem_alloc : memref<!tpu.dma_semaphore, #tpu.memory_space<semaphore_mem>>
      %dma_start3A_129 = arith.constant 0 : i32
      %dma_start3A_130 = arith.constant 0 : i32
      %dma_start3A_131 = tpu.memref_slice %arg12[%dma_start3A_129, %dma_start3A_130] : memref<64x128xf32, #tpu.memory_space<vmem>> -> memref<64x128xf32, #tpu.memory_space<vmem>>
      %dma_start3A_132 = arith.constant 0 : i32
      %dma_start3A_133 = tpu.memref_slice %arg14[%add3A_106, %dma_start3A_132] : memref<10112x128xf32, #tpu.memory_space<vmem_shared>> -> memref<64x128xf32, #tpu.memory_space<vmem_shared>>
      %dma_start3A_134 = arith.constant 0 : i32
      %dma_start3A_135 = arith.constant 0 : i32
      %dma_start3A_136 = tpu.memref_slice %arg12[%dma_start3A_134, %dma_start3A_135] : memref<64x128xf32, #tpu.memory_space<vmem>> -> memref<64x128xf32, #tpu.memory_space<vmem>>
      %dma_start3A_137 = arith.constant 0 : i32
      %dma_start3A_138 = tpu.memref_slice %arg14[%add3A_106, %dma_start3A_137] : memref<10112x128xf32, #tpu.memory_space<vmem_shared>> -> memref<64x128xf32, #tpu.memory_space<vmem_shared>>
      tpu.enqueue_dma source(%dma_start3A_138 : memref<64x128xf32, #tpu.memory_space<vmem_shared>>) target(%dma_start3A_136 : memref<64x128xf32, #tpu.memory_space<vmem>>) target_semaphore(%run_scoped3A : memref<!tpu.dma_semaphore, #tpu.memory_space<semaphore_mem>>)
      %dma_wait3A_139 = arith.constant 0 : i32
      %dma_wait3A_140 = arith.constant 0 : i32
      %dma_wait3A_141 = tpu.memref_slice %arg12[%dma_wait3A_139, %dma_wait3A_140] : memref<64x128xf32, #tpu.memory_space<vmem>> -> memref<64x128xf32, #tpu.memory_space<vmem>>
      %dma_wait3A_142 = arith.constant 0 : i32
      %dma_wait3A_143 = tpu.memref_slice %arg14[%add3A_106, %dma_wait3A_142] : memref<10112x128xf32, #tpu.memory_space<vmem_shared>> -> memref<64x128xf32, #tpu.memory_space<vmem_shared>>
      %dma_wait3A_144 = arith.constant 0 : i32
      %dma_wait3A_145 = arith.constant 0 : i32
      %dma_wait3A_146 = tpu.memref_slice %arg12[%dma_wait3A_144, %dma_wait3A_145] : memref<64x128xf32, #tpu.memory_space<vmem>> -> memref<64x128xf32, #tpu.memory_space<vmem>>
      %dma_wait3A_147 = arith.constant 0 : i32
      %dma_wait3A_148 = tpu.memref_slice %arg14[%add3A_106, %dma_wait3A_147] : memref<10112x128xf32, #tpu.memory_space<vmem_shared>> -> memref<64x128xf32, #tpu.memory_space<vmem_shared>>
      tpu.wait_dma2 semaphore(%run_scoped3A : memref<!tpu.dma_semaphore, #tpu.memory_space<semaphore_mem>>) src(%dma_wait3A_148 : memref<64x128xf32, #tpu.memory_space<vmem_shared>>) dst(%dma_wait3A_146 : memref<64x128xf32, #tpu.memory_space<vmem>>)
      tpu.yield
    }) : () -> ()
    %add3A_107 = arith.constant 256 : i32
    %add3A_108 = arith.addi %add3A_88, %add3A_107 : i32
    "tpu.region"() ({
      %run_scoped3A = tpu.sem_alloc : memref<!tpu.dma_semaphore, #tpu.memory_space<semaphore_mem>>
      %dma_start3A_129 = arith.constant 0 : i32
      %dma_start3A_130 = arith.constant 0 : i32
      %dma_start3A_131 = tpu.memref_slice %arg12[%dma_start3A_129, %dma_start3A_130] : memref<64x128xf32, #tpu.memory_space<vmem>> -> memref<64x128xf32, #tpu.memory_space<vmem>>
      %dma_start3A_132 = arith.constant 0 : i32
      %dma_start3A_133 = tpu.memref_slice %arg5[%add3A_108, %dma_start3A_132] : memref<20224x128xf32, #tpu.memory_space<hbm>> -> memref<64x128xf32, #tpu.memory_space<hbm>>
      %dma_start3A_134 = arith.constant 0 : i32
      %dma_start3A_135 = tpu.memref_slice %arg5[%add3A_108, %dma_start3A_134] : memref<20224x128xf32, #tpu.memory_space<hbm>> -> memref<64x128xf32, #tpu.memory_space<hbm>>
      %dma_start3A_136 = arith.constant 0 : i32
      %dma_start3A_137 = arith.constant 0 : i32
      %dma_start3A_138 = tpu.memref_slice %arg12[%dma_start3A_136, %dma_start3A_137] : memref<64x128xf32, #tpu.memory_space<vmem>> -> memref<64x128xf32, #tpu.memory_space<vmem>>
      tpu.enqueue_dma source(%dma_start3A_138 : memref<64x128xf32, #tpu.memory_space<vmem>>) target(%dma_start3A_135 : memref<64x128xf32, #tpu.memory_space<hbm>>) target_semaphore(%run_scoped3A : memref<!tpu.dma_semaphore, #tpu.memory_space<semaphore_mem>>)
      %dma_wait3A_139 = arith.constant 0 : i32
      %dma_wait3A_140 = arith.constant 0 : i32
      %dma_wait3A_141 = tpu.memref_slice %arg12[%dma_wait3A_139, %dma_wait3A_140] : memref<64x128xf32, #tpu.memory_space<vmem>> -> memref<64x128xf32, #tpu.memory_space<vmem>>
      %dma_wait3A_142 = arith.constant 0 : i32
      %dma_wait3A_143 = tpu.memref_slice %arg5[%add3A_108, %dma_wait3A_142] : memref<20224x128xf32, #tpu.memory_space<hbm>> -> memref<64x128xf32, #tpu.memory_space<hbm>>
      %dma_wait3A_144 = arith.constant 0 : i32
      %dma_wait3A_145 = tpu.memref_slice %arg5[%add3A_108, %dma_wait3A_144] : memref<20224x128xf32, #tpu.memory_space<hbm>> -> memref<64x128xf32, #tpu.memory_space<hbm>>
      %dma_wait3A_146 = arith.constant 0 : i32
      %dma_wait3A_147 = arith.constant 0 : i32
      %dma_wait3A_148 = tpu.memref_slice %arg12[%dma_wait3A_146, %dma_wait3A_147] : memref<64x128xf32, #tpu.memory_space<vmem>> -> memref<64x128xf32, #tpu.memory_space<vmem>>
      tpu.wait_dma2 semaphore(%run_scoped3A : memref<!tpu.dma_semaphore, #tpu.memory_space<semaphore_mem>>) src(%dma_wait3A_148 : memref<64x128xf32, #tpu.memory_space<vmem>>) dst(%dma_wait3A_145 : memref<64x128xf32, #tpu.memory_space<hbm>>)
      tpu.yield
    }) : () -> ()
    %add3A_109 = arith.constant 320 : i32
    %add3A_110 = arith.addi %mul3A_2, %add3A_109 : i32
    "tpu.region"() ({
      %run_scoped3A = tpu.sem_alloc : memref<!tpu.dma_semaphore, #tpu.memory_space<semaphore_mem>>
      %dma_start3A_129 = arith.constant 0 : i32
      %dma_start3A_130 = arith.constant 0 : i32
      %dma_start3A_131 = tpu.memref_slice %arg13[%dma_start3A_129, %dma_start3A_130] : memref<64x128xf32, #tpu.memory_space<vmem>> -> memref<64x128xf32, #tpu.memory_space<vmem>>
      %dma_start3A_132 = arith.constant 0 : i32
      %dma_start3A_133 = tpu.memref_slice %arg14[%add3A_110, %dma_start3A_132] : memref<10112x128xf32, #tpu.memory_space<vmem_shared>> -> memref<64x128xf32, #tpu.memory_space<vmem_shared>>
      %dma_start3A_134 = arith.constant 0 : i32
      %dma_start3A_135 = arith.constant 0 : i32
      %dma_start3A_136 = tpu.memref_slice %arg13[%dma_start3A_134, %dma_start3A_135] : memref<64x128xf32, #tpu.memory_space<vmem>> -> memref<64x128xf32, #tpu.memory_space<vmem>>
      %dma_start3A_137 = arith.constant 0 : i32
      %dma_start3A_138 = tpu.memref_slice %arg14[%add3A_110, %dma_start3A_137] : memref<10112x128xf32, #tpu.memory_space<vmem_shared>> -> memref<64x128xf32, #tpu.memory_space<vmem_shared>>
      tpu.enqueue_dma source(%dma_start3A_138 : memref<64x128xf32, #tpu.memory_space<vmem_shared>>) target(%dma_start3A_136 : memref<64x128xf32, #tpu.memory_space<vmem>>) target_semaphore(%run_scoped3A : memref<!tpu.dma_semaphore, #tpu.memory_space<semaphore_mem>>)
      %dma_wait3A_139 = arith.constant 0 : i32
      %dma_wait3A_140 = arith.constant 0 : i32
      %dma_wait3A_141 = tpu.memref_slice %arg13[%dma_wait3A_139, %dma_wait3A_140] : memref<64x128xf32, #tpu.memory_space<vmem>> -> memref<64x128xf32, #tpu.memory_space<vmem>>
      %dma_wait3A_142 = arith.constant 0 : i32
      %dma_wait3A_143 = tpu.memref_slice %arg14[%add3A_110, %dma_wait3A_142] : memref<10112x128xf32, #tpu.memory_space<vmem_shared>> -> memref<64x128xf32, #tpu.memory_space<vmem_shared>>
      %dma_wait3A_144 = arith.constant 0 : i32
      %dma_wait3A_145 = arith.constant 0 : i32
      %dma_wait3A_146 = tpu.memref_slice %arg13[%dma_wait3A_144, %dma_wait3A_145] : memref<64x128xf32, #tpu.memory_space<vmem>> -> memref<64x128xf32, #tpu.memory_space<vmem>>
      %dma_wait3A_147 = arith.constant 0 : i32
      %dma_wait3A_148 = tpu.memref_slice %arg14[%add3A_110, %dma_wait3A_147] : memref<10112x128xf32, #tpu.memory_space<vmem_shared>> -> memref<64x128xf32, #tpu.memory_space<vmem_shared>>
      tpu.wait_dma2 semaphore(%run_scoped3A : memref<!tpu.dma_semaphore, #tpu.memory_space<semaphore_mem>>) src(%dma_wait3A_148 : memref<64x128xf32, #tpu.memory_space<vmem_shared>>) dst(%dma_wait3A_146 : memref<64x128xf32, #tpu.memory_space<vmem>>)
      tpu.yield
    }) : () -> ()
    %add3A_111 = arith.constant 320 : i32
    %add3A_112 = arith.addi %add3A_88, %add3A_111 : i32
    "tpu.region"() ({
      %run_scoped3A = tpu.sem_alloc : memref<!tpu.dma_semaphore, #tpu.memory_space<semaphore_mem>>
      %dma_start3A_129 = arith.constant 0 : i32
      %dma_start3A_130 = arith.constant 0 : i32
      %dma_start3A_131 = tpu.memref_slice %arg13[%dma_start3A_129, %dma_start3A_130] : memref<64x128xf32, #tpu.memory_space<vmem>> -> memref<64x128xf32, #tpu.memory_space<vmem>>
      %dma_start3A_132 = arith.constant 0 : i32
      %dma_start3A_133 = tpu.memref_slice %arg5[%add3A_112, %dma_start3A_132] : memref<20224x128xf32, #tpu.memory_space<hbm>> -> memref<64x128xf32, #tpu.memory_space<hbm>>
      %dma_start3A_134 = arith.constant 0 : i32
      %dma_start3A_135 = tpu.memref_slice %arg5[%add3A_112, %dma_start3A_134] : memref<20224x128xf32, #tpu.memory_space<hbm>> -> memref<64x128xf32, #tpu.memory_space<hbm>>
      %dma_start3A_136 = arith.constant 0 : i32
      %dma_start3A_137 = arith.constant 0 : i32
      %dma_start3A_138 = tpu.memref_slice %arg13[%dma_start3A_136, %dma_start3A_137] : memref<64x128xf32, #tpu.memory_space<vmem>> -> memref<64x128xf32, #tpu.memory_space<vmem>>
      tpu.enqueue_dma source(%dma_start3A_138 : memref<64x128xf32, #tpu.memory_space<vmem>>) target(%dma_start3A_135 : memref<64x128xf32, #tpu.memory_space<hbm>>) target_semaphore(%run_scoped3A : memref<!tpu.dma_semaphore, #tpu.memory_space<semaphore_mem>>)
      %dma_wait3A_139 = arith.constant 0 : i32
      %dma_wait3A_140 = arith.constant 0 : i32
      %dma_wait3A_141 = tpu.memref_slice %arg13[%dma_wait3A_139, %dma_wait3A_140] : memref<64x128xf32, #tpu.memory_space<vmem>> -> memref<64x128xf32, #tpu.memory_space<vmem>>
      %dma_wait3A_142 = arith.constant 0 : i32
      %dma_wait3A_143 = tpu.memref_slice %arg5[%add3A_112, %dma_wait3A_142] : memref<20224x128xf32, #tpu.memory_space<hbm>> -> memref<64x128xf32, #tpu.memory_space<hbm>>
      %dma_wait3A_144 = arith.constant 0 : i32
      %dma_wait3A_145 = tpu.memref_slice %arg5[%add3A_112, %dma_wait3A_144] : memref<20224x128xf32, #tpu.memory_space<hbm>> -> memref<64x128xf32, #tpu.memory_space<hbm>>
      %dma_wait3A_146 = arith.constant 0 : i32
      %dma_wait3A_147 = arith.constant 0 : i32
      %dma_wait3A_148 = tpu.memref_slice %arg13[%dma_wait3A_146, %dma_wait3A_147] : memref<64x128xf32, #tpu.memory_space<vmem>> -> memref<64x128xf32, #tpu.memory_space<vmem>>
      tpu.wait_dma2 semaphore(%run_scoped3A : memref<!tpu.dma_semaphore, #tpu.memory_space<semaphore_mem>>) src(%dma_wait3A_148 : memref<64x128xf32, #tpu.memory_space<vmem>>) dst(%dma_wait3A_145 : memref<64x128xf32, #tpu.memory_space<hbm>>)
      tpu.yield
    }) : () -> ()
    %add3A_113 = arith.constant 384 : i32
    %add3A_114 = arith.addi %mul3A_2, %add3A_113 : i32
    "tpu.region"() ({
      %run_scoped3A = tpu.sem_alloc : memref<!tpu.dma_semaphore, #tpu.memory_space<semaphore_mem>>
      %dma_start3A_129 = arith.constant 0 : i32
      %dma_start3A_130 = arith.constant 0 : i32
      %dma_start3A_131 = tpu.memref_slice %arg12[%dma_start3A_129, %dma_start3A_130] : memref<64x128xf32, #tpu.memory_space<vmem>> -> memref<64x128xf32, #tpu.memory_space<vmem>>
      %dma_start3A_132 = arith.constant 0 : i32
      %dma_start3A_133 = tpu.memref_slice %arg14[%add3A_114, %dma_start3A_132] : memref<10112x128xf32, #tpu.memory_space<vmem_shared>> -> memref<64x128xf32, #tpu.memory_space<vmem_shared>>
      %dma_start3A_134 = arith.constant 0 : i32
      %dma_start3A_135 = arith.constant 0 : i32
      %dma_start3A_136 = tpu.memref_slice %arg12[%dma_start3A_134, %dma_start3A_135] : memref<64x128xf32, #tpu.memory_space<vmem>> -> memref<64x128xf32, #tpu.memory_space<vmem>>
      %dma_start3A_137 = arith.constant 0 : i32
      %dma_start3A_138 = tpu.memref_slice %arg14[%add3A_114, %dma_start3A_137] : memref<10112x128xf32, #tpu.memory_space<vmem_shared>> -> memref<64x128xf32, #tpu.memory_space<vmem_shared>>
      tpu.enqueue_dma source(%dma_start3A_138 : memref<64x128xf32, #tpu.memory_space<vmem_shared>>) target(%dma_start3A_136 : memref<64x128xf32, #tpu.memory_space<vmem>>) target_semaphore(%run_scoped3A : memref<!tpu.dma_semaphore, #tpu.memory_space<semaphore_mem>>)
      %dma_wait3A_139 = arith.constant 0 : i32
      %dma_wait3A_140 = arith.constant 0 : i32
      %dma_wait3A_141 = tpu.memref_slice %arg12[%dma_wait3A_139, %dma_wait3A_140] : memref<64x128xf32, #tpu.memory_space<vmem>> -> memref<64x128xf32, #tpu.memory_space<vmem>>
      %dma_wait3A_142 = arith.constant 0 : i32
      %dma_wait3A_143 = tpu.memref_slice %arg14[%add3A_114, %dma_wait3A_142] : memref<10112x128xf32, #tpu.memory_space<vmem_shared>> -> memref<64x128xf32, #tpu.memory_space<vmem_shared>>
      %dma_wait3A_144 = arith.constant 0 : i32
      %dma_wait3A_145 = arith.constant 0 : i32
      %dma_wait3A_146 = tpu.memref_slice %arg12[%dma_wait3A_144, %dma_wait3A_145] : memref<64x128xf32, #tpu.memory_space<vmem>> -> memref<64x128xf32, #tpu.memory_space<vmem>>
      %dma_wait3A_147 = arith.constant 0 : i32
      %dma_wait3A_148 = tpu.memref_slice %arg14[%add3A_114, %dma_wait3A_147] : memref<10112x128xf32, #tpu.memory_space<vmem_shared>> -> memref<64x128xf32, #tpu.memory_space<vmem_shared>>
      tpu.wait_dma2 semaphore(%run_scoped3A : memref<!tpu.dma_semaphore, #tpu.memory_space<semaphore_mem>>) src(%dma_wait3A_148 : memref<64x128xf32, #tpu.memory_space<vmem_shared>>) dst(%dma_wait3A_146 : memref<64x128xf32, #tpu.memory_space<vmem>>)
      tpu.yield
    }) : () -> ()
    %add3A_115 = arith.constant 384 : i32
    %add3A_116 = arith.addi %add3A_88, %add3A_115 : i32
    "tpu.region"() ({
      %run_scoped3A = tpu.sem_alloc : memref<!tpu.dma_semaphore, #tpu.memory_space<semaphore_mem>>
      %dma_start3A_129 = arith.constant 0 : i32
      %dma_start3A_130 = arith.constant 0 : i32
      %dma_start3A_131 = tpu.memref_slice %arg12[%dma_start3A_129, %dma_start3A_130] : memref<64x128xf32, #tpu.memory_space<vmem>> -> memref<64x128xf32, #tpu.memory_space<vmem>>
      %dma_start3A_132 = arith.constant 0 : i32
      %dma_start3A_133 = tpu.memref_slice %arg5[%add3A_116, %dma_start3A_132] : memref<20224x128xf32, #tpu.memory_space<hbm>> -> memref<64x128xf32, #tpu.memory_space<hbm>>
      %dma_start3A_134 = arith.constant 0 : i32
      %dma_start3A_135 = tpu.memref_slice %arg5[%add3A_116, %dma_start3A_134] : memref<20224x128xf32, #tpu.memory_space<hbm>> -> memref<64x128xf32, #tpu.memory_space<hbm>>
      %dma_start3A_136 = arith.constant 0 : i32
      %dma_start3A_137 = arith.constant 0 : i32
      %dma_start3A_138 = tpu.memref_slice %arg12[%dma_start3A_136, %dma_start3A_137] : memref<64x128xf32, #tpu.memory_space<vmem>> -> memref<64x128xf32, #tpu.memory_space<vmem>>
      tpu.enqueue_dma source(%dma_start3A_138 : memref<64x128xf32, #tpu.memory_space<vmem>>) target(%dma_start3A_135 : memref<64x128xf32, #tpu.memory_space<hbm>>) target_semaphore(%run_scoped3A : memref<!tpu.dma_semaphore, #tpu.memory_space<semaphore_mem>>)
      %dma_wait3A_139 = arith.constant 0 : i32
      %dma_wait3A_140 = arith.constant 0 : i32
      %dma_wait3A_141 = tpu.memref_slice %arg12[%dma_wait3A_139, %dma_wait3A_140] : memref<64x128xf32, #tpu.memory_space<vmem>> -> memref<64x128xf32, #tpu.memory_space<vmem>>
      %dma_wait3A_142 = arith.constant 0 : i32
      %dma_wait3A_143 = tpu.memref_slice %arg5[%add3A_116, %dma_wait3A_142] : memref<20224x128xf32, #tpu.memory_space<hbm>> -> memref<64x128xf32, #tpu.memory_space<hbm>>
      %dma_wait3A_144 = arith.constant 0 : i32
      %dma_wait3A_145 = tpu.memref_slice %arg5[%add3A_116, %dma_wait3A_144] : memref<20224x128xf32, #tpu.memory_space<hbm>> -> memref<64x128xf32, #tpu.memory_space<hbm>>
      %dma_wait3A_146 = arith.constant 0 : i32
      %dma_wait3A_147 = arith.constant 0 : i32
      %dma_wait3A_148 = tpu.memref_slice %arg12[%dma_wait3A_146, %dma_wait3A_147] : memref<64x128xf32, #tpu.memory_space<vmem>> -> memref<64x128xf32, #tpu.memory_space<vmem>>
      tpu.wait_dma2 semaphore(%run_scoped3A : memref<!tpu.dma_semaphore, #tpu.memory_space<semaphore_mem>>) src(%dma_wait3A_148 : memref<64x128xf32, #tpu.memory_space<vmem>>) dst(%dma_wait3A_145 : memref<64x128xf32, #tpu.memory_space<hbm>>)
      tpu.yield
    }) : () -> ()
    %add3A_117 = arith.constant 448 : i32
    %add3A_118 = arith.addi %mul3A_2, %add3A_117 : i32
    "tpu.region"() ({
      %run_scoped3A = tpu.sem_alloc : memref<!tpu.dma_semaphore, #tpu.memory_space<semaphore_mem>>
      %dma_start3A_129 = arith.constant 0 : i32
      %dma_start3A_130 = arith.constant 0 : i32
      %dma_start3A_131 = tpu.memref_slice %arg13[%dma_start3A_129, %dma_start3A_130] : memref<64x128xf32, #tpu.memory_space<vmem>> -> memref<64x128xf32, #tpu.memory_space<vmem>>
      %dma_start3A_132 = arith.constant 0 : i32
      %dma_start3A_133 = tpu.memref_slice %arg14[%add3A_118, %dma_start3A_132] : memref<10112x128xf32, #tpu.memory_space<vmem_shared>> -> memref<64x128xf32, #tpu.memory_space<vmem_shared>>
      %dma_start3A_134 = arith.constant 0 : i32
      %dma_start3A_135 = arith.constant 0 : i32
      %dma_start3A_136 = tpu.memref_slice %arg13[%dma_start3A_134, %dma_start3A_135] : memref<64x128xf32, #tpu.memory_space<vmem>> -> memref<64x128xf32, #tpu.memory_space<vmem>>
      %dma_start3A_137 = arith.constant 0 : i32
      %dma_start3A_138 = tpu.memref_slice %arg14[%add3A_118, %dma_start3A_137] : memref<10112x128xf32, #tpu.memory_space<vmem_shared>> -> memref<64x128xf32, #tpu.memory_space<vmem_shared>>
      tpu.enqueue_dma source(%dma_start3A_138 : memref<64x128xf32, #tpu.memory_space<vmem_shared>>) target(%dma_start3A_136 : memref<64x128xf32, #tpu.memory_space<vmem>>) target_semaphore(%run_scoped3A : memref<!tpu.dma_semaphore, #tpu.memory_space<semaphore_mem>>)
      %dma_wait3A_139 = arith.constant 0 : i32
      %dma_wait3A_140 = arith.constant 0 : i32
      %dma_wait3A_141 = tpu.memref_slice %arg13[%dma_wait3A_139, %dma_wait3A_140] : memref<64x128xf32, #tpu.memory_space<vmem>> -> memref<64x128xf32, #tpu.memory_space<vmem>>
      %dma_wait3A_142 = arith.constant 0 : i32
      %dma_wait3A_143 = tpu.memref_slice %arg14[%add3A_118, %dma_wait3A_142] : memref<10112x128xf32, #tpu.memory_space<vmem_shared>> -> memref<64x128xf32, #tpu.memory_space<vmem_shared>>
      %dma_wait3A_144 = arith.constant 0 : i32
      %dma_wait3A_145 = arith.constant 0 : i32
      %dma_wait3A_146 = tpu.memref_slice %arg13[%dma_wait3A_144, %dma_wait3A_145] : memref<64x128xf32, #tpu.memory_space<vmem>> -> memref<64x128xf32, #tpu.memory_space<vmem>>
      %dma_wait3A_147 = arith.constant 0 : i32
      %dma_wait3A_148 = tpu.memref_slice %arg14[%add3A_118, %dma_wait3A_147] : memref<10112x128xf32, #tpu.memory_space<vmem_shared>> -> memref<64x128xf32, #tpu.memory_space<vmem_shared>>
      tpu.wait_dma2 semaphore(%run_scoped3A : memref<!tpu.dma_semaphore, #tpu.memory_space<semaphore_mem>>) src(%dma_wait3A_148 : memref<64x128xf32, #tpu.memory_space<vmem_shared>>) dst(%dma_wait3A_146 : memref<64x128xf32, #tpu.memory_space<vmem>>)
      tpu.yield
    }) : () -> ()
    %add3A_119 = arith.constant 448 : i32
    %add3A_120 = arith.addi %add3A_88, %add3A_119 : i32
    "tpu.region"() ({
      %run_scoped3A = tpu.sem_alloc : memref<!tpu.dma_semaphore, #tpu.memory_space<semaphore_mem>>
      %dma_start3A_129 = arith.constant 0 : i32
      %dma_start3A_130 = arith.constant 0 : i32
      %dma_start3A_131 = tpu.memref_slice %arg13[%dma_start3A_129, %dma_start3A_130] : memref<64x128xf32, #tpu.memory_space<vmem>> -> memref<64x128xf32, #tpu.memory_space<vmem>>
      %dma_start3A_132 = arith.constant 0 : i32
      %dma_start3A_133 = tpu.memref_slice %arg5[%add3A_120, %dma_start3A_132] : memref<20224x128xf32, #tpu.memory_space<hbm>> -> memref<64x128xf32, #tpu.memory_space<hbm>>
      %dma_start3A_134 = arith.constant 0 : i32
      %dma_start3A_135 = tpu.memref_slice %arg5[%add3A_120, %dma_start3A_134] : memref<20224x128xf32, #tpu.memory_space<hbm>> -> memref<64x128xf32, #tpu.memory_space<hbm>>
      %dma_start3A_136 = arith.constant 0 : i32
      %dma_start3A_137 = arith.constant 0 : i32
      %dma_start3A_138 = tpu.memref_slice %arg13[%dma_start3A_136, %dma_start3A_137] : memref<64x128xf32, #tpu.memory_space<vmem>> -> memref<64x128xf32, #tpu.memory_space<vmem>>
      tpu.enqueue_dma source(%dma_start3A_138 : memref<64x128xf32, #tpu.memory_space<vmem>>) target(%dma_start3A_135 : memref<64x128xf32, #tpu.memory_space<hbm>>) target_semaphore(%run_scoped3A : memref<!tpu.dma_semaphore, #tpu.memory_space<semaphore_mem>>)
      %dma_wait3A_139 = arith.constant 0 : i32
      %dma_wait3A_140 = arith.constant 0 : i32
      %dma_wait3A_141 = tpu.memref_slice %arg13[%dma_wait3A_139, %dma_wait3A_140] : memref<64x128xf32, #tpu.memory_space<vmem>> -> memref<64x128xf32, #tpu.memory_space<vmem>>
      %dma_wait3A_142 = arith.constant 0 : i32
      %dma_wait3A_143 = tpu.memref_slice %arg5[%add3A_120, %dma_wait3A_142] : memref<20224x128xf32, #tpu.memory_space<hbm>> -> memref<64x128xf32, #tpu.memory_space<hbm>>
      %dma_wait3A_144 = arith.constant 0 : i32
      %dma_wait3A_145 = tpu.memref_slice %arg5[%add3A_120, %dma_wait3A_144] : memref<20224x128xf32, #tpu.memory_space<hbm>> -> memref<64x128xf32, #tpu.memory_space<hbm>>
      %dma_wait3A_146 = arith.constant 0 : i32
      %dma_wait3A_147 = arith.constant 0 : i32
      %dma_wait3A_148 = tpu.memref_slice %arg13[%dma_wait3A_146, %dma_wait3A_147] : memref<64x128xf32, #tpu.memory_space<vmem>> -> memref<64x128xf32, #tpu.memory_space<vmem>>
      tpu.wait_dma2 semaphore(%run_scoped3A : memref<!tpu.dma_semaphore, #tpu.memory_space<semaphore_mem>>) src(%dma_wait3A_148 : memref<64x128xf32, #tpu.memory_space<vmem>>) dst(%dma_wait3A_145 : memref<64x128xf32, #tpu.memory_space<hbm>>)
      tpu.yield
    }) : () -> ()
    %add3A_121 = arith.constant 512 : i32
    %add3A_122 = arith.addi %mul3A_2, %add3A_121 : i32
    "tpu.region"() ({
      %run_scoped3A = tpu.sem_alloc : memref<!tpu.dma_semaphore, #tpu.memory_space<semaphore_mem>>
      %dma_start3A_129 = arith.constant 0 : i32
      %dma_start3A_130 = arith.constant 0 : i32
      %dma_start3A_131 = tpu.memref_slice %arg12[%dma_start3A_129, %dma_start3A_130] : memref<64x128xf32, #tpu.memory_space<vmem>> -> memref<64x128xf32, #tpu.memory_space<vmem>>
      %dma_start3A_132 = arith.constant 0 : i32
      %dma_start3A_133 = tpu.memref_slice %arg14[%add3A_122, %dma_start3A_132] : memref<10112x128xf32, #tpu.memory_space<vmem_shared>> -> memref<64x128xf32, #tpu.memory_space<vmem_shared>>
      %dma_start3A_134 = arith.constant 0 : i32
      %dma_start3A_135 = arith.constant 0 : i32
      %dma_start3A_136 = tpu.memref_slice %arg12[%dma_start3A_134, %dma_start3A_135] : memref<64x128xf32, #tpu.memory_space<vmem>> -> memref<64x128xf32, #tpu.memory_space<vmem>>
      %dma_start3A_137 = arith.constant 0 : i32
      %dma_start3A_138 = tpu.memref_slice %arg14[%add3A_122, %dma_start3A_137] : memref<10112x128xf32, #tpu.memory_space<vmem_shared>> -> memref<64x128xf32, #tpu.memory_space<vmem_shared>>
      tpu.enqueue_dma source(%dma_start3A_138 : memref<64x128xf32, #tpu.memory_space<vmem_shared>>) target(%dma_start3A_136 : memref<64x128xf32, #tpu.memory_space<vmem>>) target_semaphore(%run_scoped3A : memref<!tpu.dma_semaphore, #tpu.memory_space<semaphore_mem>>)
      %dma_wait3A_139 = arith.constant 0 : i32
      %dma_wait3A_140 = arith.constant 0 : i32
      %dma_wait3A_141 = tpu.memref_slice %arg12[%dma_wait3A_139, %dma_wait3A_140] : memref<64x128xf32, #tpu.memory_space<vmem>> -> memref<64x128xf32, #tpu.memory_space<vmem>>
      %dma_wait3A_142 = arith.constant 0 : i32
      %dma_wait3A_143 = tpu.memref_slice %arg14[%add3A_122, %dma_wait3A_142] : memref<10112x128xf32, #tpu.memory_space<vmem_shared>> -> memref<64x128xf32, #tpu.memory_space<vmem_shared>>
      %dma_wait3A_144 = arith.constant 0 : i32
      %dma_wait3A_145 = arith.constant 0 : i32
      %dma_wait3A_146 = tpu.memref_slice %arg12[%dma_wait3A_144, %dma_wait3A_145] : memref<64x128xf32, #tpu.memory_space<vmem>> -> memref<64x128xf32, #tpu.memory_space<vmem>>
      %dma_wait3A_147 = arith.constant 0 : i32
      %dma_wait3A_148 = tpu.memref_slice %arg14[%add3A_122, %dma_wait3A_147] : memref<10112x128xf32, #tpu.memory_space<vmem_shared>> -> memref<64x128xf32, #tpu.memory_space<vmem_shared>>
      tpu.wait_dma2 semaphore(%run_scoped3A : memref<!tpu.dma_semaphore, #tpu.memory_space<semaphore_mem>>) src(%dma_wait3A_148 : memref<64x128xf32, #tpu.memory_space<vmem_shared>>) dst(%dma_wait3A_146 : memref<64x128xf32, #tpu.memory_space<vmem>>)
      tpu.yield
    }) : () -> ()
    %add3A_123 = arith.constant 512 : i32
    %add3A_124 = arith.addi %add3A_88, %add3A_123 : i32
    "tpu.region"() ({
      %run_scoped3A = tpu.sem_alloc : memref<!tpu.dma_semaphore, #tpu.memory_space<semaphore_mem>>
      %dma_start3A_129 = arith.constant 0 : i32
      %dma_start3A_130 = arith.constant 0 : i32
      %dma_start3A_131 = tpu.memref_slice %arg12[%dma_start3A_129, %dma_start3A_130] : memref<64x128xf32, #tpu.memory_space<vmem>> -> memref<64x128xf32, #tpu.memory_space<vmem>>
      %dma_start3A_132 = arith.constant 0 : i32
      %dma_start3A_133 = tpu.memref_slice %arg5[%add3A_124, %dma_start3A_132] : memref<20224x128xf32, #tpu.memory_space<hbm>> -> memref<64x128xf32, #tpu.memory_space<hbm>>
      %dma_start3A_134 = arith.constant 0 : i32
      %dma_start3A_135 = tpu.memref_slice %arg5[%add3A_124, %dma_start3A_134] : memref<20224x128xf32, #tpu.memory_space<hbm>> -> memref<64x128xf32, #tpu.memory_space<hbm>>
      %dma_start3A_136 = arith.constant 0 : i32
      %dma_start3A_137 = arith.constant 0 : i32
      %dma_start3A_138 = tpu.memref_slice %arg12[%dma_start3A_136, %dma_start3A_137] : memref<64x128xf32, #tpu.memory_space<vmem>> -> memref<64x128xf32, #tpu.memory_space<vmem>>
      tpu.enqueue_dma source(%dma_start3A_138 : memref<64x128xf32, #tpu.memory_space<vmem>>) target(%dma_start3A_135 : memref<64x128xf32, #tpu.memory_space<hbm>>) target_semaphore(%run_scoped3A : memref<!tpu.dma_semaphore, #tpu.memory_space<semaphore_mem>>)
      %dma_wait3A_139 = arith.constant 0 : i32
      %dma_wait3A_140 = arith.constant 0 : i32
      %dma_wait3A_141 = tpu.memref_slice %arg12[%dma_wait3A_139, %dma_wait3A_140] : memref<64x128xf32, #tpu.memory_space<vmem>> -> memref<64x128xf32, #tpu.memory_space<vmem>>
      %dma_wait3A_142 = arith.constant 0 : i32
      %dma_wait3A_143 = tpu.memref_slice %arg5[%add3A_124, %dma_wait3A_142] : memref<20224x128xf32, #tpu.memory_space<hbm>> -> memref<64x128xf32, #tpu.memory_space<hbm>>
      %dma_wait3A_144 = arith.constant 0 : i32
      %dma_wait3A_145 = tpu.memref_slice %arg5[%add3A_124, %dma_wait3A_144] : memref<20224x128xf32, #tpu.memory_space<hbm>> -> memref<64x128xf32, #tpu.memory_space<hbm>>
      %dma_wait3A_146 = arith.constant 0 : i32
      %dma_wait3A_147 = arith.constant 0 : i32
      %dma_wait3A_148 = tpu.memref_slice %arg12[%dma_wait3A_146, %dma_wait3A_147] : memref<64x128xf32, #tpu.memory_space<vmem>> -> memref<64x128xf32, #tpu.memory_space<vmem>>
      tpu.wait_dma2 semaphore(%run_scoped3A : memref<!tpu.dma_semaphore, #tpu.memory_space<semaphore_mem>>) src(%dma_wait3A_148 : memref<64x128xf32, #tpu.memory_space<vmem>>) dst(%dma_wait3A_145 : memref<64x128xf32, #tpu.memory_space<hbm>>)
      tpu.yield
    }) : () -> ()
    %add3A_125 = arith.constant 576 : i32
    %add3A_126 = arith.addi %mul3A_2, %add3A_125 : i32
    "tpu.region"() ({
      %run_scoped3A = tpu.sem_alloc : memref<!tpu.dma_semaphore, #tpu.memory_space<semaphore_mem>>
      %dma_start3A_129 = arith.constant 0 : i32
      %dma_start3A_130 = arith.constant 0 : i32
      %dma_start3A_131 = tpu.memref_slice %arg13[%dma_start3A_129, %dma_start3A_130] : memref<64x128xf32, #tpu.memory_space<vmem>> -> memref<56x128xf32, #tpu.memory_space<vmem>>
      %dma_start3A_132 = arith.constant 0 : i32
      %dma_start3A_133 = tpu.memref_slice %arg14[%add3A_126, %dma_start3A_132] : memref<10112x128xf32, #tpu.memory_space<vmem_shared>> -> memref<56x128xf32, #tpu.memory_space<vmem_shared>>
      %dma_start3A_134 = arith.constant 0 : i32
      %dma_start3A_135 = arith.constant 0 : i32
      %dma_start3A_136 = tpu.memref_slice %arg13[%dma_start3A_134, %dma_start3A_135] : memref<64x128xf32, #tpu.memory_space<vmem>> -> memref<56x128xf32, #tpu.memory_space<vmem>>
      %dma_start3A_137 = arith.constant 0 : i32
      %dma_start3A_138 = tpu.memref_slice %arg14[%add3A_126, %dma_start3A_137] : memref<10112x128xf32, #tpu.memory_space<vmem_shared>> -> memref<56x128xf32, #tpu.memory_space<vmem_shared>>
      tpu.enqueue_dma source(%dma_start3A_138 : memref<56x128xf32, #tpu.memory_space<vmem_shared>>) target(%dma_start3A_136 : memref<56x128xf32, #tpu.memory_space<vmem>>) target_semaphore(%run_scoped3A : memref<!tpu.dma_semaphore, #tpu.memory_space<semaphore_mem>>)
      %dma_wait3A_139 = arith.constant 0 : i32
      %dma_wait3A_140 = arith.constant 0 : i32
      %dma_wait3A_141 = tpu.memref_slice %arg13[%dma_wait3A_139, %dma_wait3A_140] : memref<64x128xf32, #tpu.memory_space<vmem>> -> memref<56x128xf32, #tpu.memory_space<vmem>>
      %dma_wait3A_142 = arith.constant 0 : i32
      %dma_wait3A_143 = tpu.memref_slice %arg14[%add3A_126, %dma_wait3A_142] : memref<10112x128xf32, #tpu.memory_space<vmem_shared>> -> memref<56x128xf32, #tpu.memory_space<vmem_shared>>
      %dma_wait3A_144 = arith.constant 0 : i32
      %dma_wait3A_145 = arith.constant 0 : i32
      %dma_wait3A_146 = tpu.memref_slice %arg13[%dma_wait3A_144, %dma_wait3A_145] : memref<64x128xf32, #tpu.memory_space<vmem>> -> memref<56x128xf32, #tpu.memory_space<vmem>>
      %dma_wait3A_147 = arith.constant 0 : i32
      %dma_wait3A_148 = tpu.memref_slice %arg14[%add3A_126, %dma_wait3A_147] : memref<10112x128xf32, #tpu.memory_space<vmem_shared>> -> memref<56x128xf32, #tpu.memory_space<vmem_shared>>
      tpu.wait_dma2 semaphore(%run_scoped3A : memref<!tpu.dma_semaphore, #tpu.memory_space<semaphore_mem>>) src(%dma_wait3A_148 : memref<56x128xf32, #tpu.memory_space<vmem_shared>>) dst(%dma_wait3A_146 : memref<56x128xf32, #tpu.memory_space<vmem>>)
      tpu.yield
    }) : () -> ()
    %add3A_127 = arith.constant 576 : i32
    %add3A_128 = arith.addi %add3A_88, %add3A_127 : i32
    "tpu.region"() ({
      %run_scoped3A = tpu.sem_alloc : memref<!tpu.dma_semaphore, #tpu.memory_space<semaphore_mem>>
      %dma_start3A_129 = arith.constant 0 : i32
      %dma_start3A_130 = arith.constant 0 : i32
      %dma_start3A_131 = tpu.memref_slice %arg13[%dma_start3A_129, %dma_start3A_130] : memref<64x128xf32, #tpu.memory_space<vmem>> -> memref<56x128xf32, #tpu.memory_space<vmem>>
      %dma_start3A_132 = arith.constant 0 : i32
      %dma_start3A_133 = tpu.memref_slice %arg5[%add3A_128, %dma_start3A_132] : memref<20224x128xf32, #tpu.memory_space<hbm>> -> memref<56x128xf32, #tpu.memory_space<hbm>>
      %dma_start3A_134 = arith.constant 0 : i32
      %dma_start3A_135 = tpu.memref_slice %arg5[%add3A_128, %dma_start3A_134] : memref<20224x128xf32, #tpu.memory_space<hbm>> -> memref<56x128xf32, #tpu.memory_space<hbm>>
      %dma_start3A_136 = arith.constant 0 : i32
      %dma_start3A_137 = arith.constant 0 : i32
      %dma_start3A_138 = tpu.memref_slice %arg13[%dma_start3A_136, %dma_start3A_137] : memref<64x128xf32, #tpu.memory_space<vmem>> -> memref<56x128xf32, #tpu.memory_space<vmem>>
      tpu.enqueue_dma source(%dma_start3A_138 : memref<56x128xf32, #tpu.memory_space<vmem>>) target(%dma_start3A_135 : memref<56x128xf32, #tpu.memory_space<hbm>>) target_semaphore(%run_scoped3A : memref<!tpu.dma_semaphore, #tpu.memory_space<semaphore_mem>>)
      %dma_wait3A_139 = arith.constant 0 : i32
      %dma_wait3A_140 = arith.constant 0 : i32
      %dma_wait3A_141 = tpu.memref_slice %arg13[%dma_wait3A_139, %dma_wait3A_140] : memref<64x128xf32, #tpu.memory_space<vmem>> -> memref<56x128xf32, #tpu.memory_space<vmem>>
      %dma_wait3A_142 = arith.constant 0 : i32
      %dma_wait3A_143 = tpu.memref_slice %arg5[%add3A_128, %dma_wait3A_142] : memref<20224x128xf32, #tpu.memory_space<hbm>> -> memref<56x128xf32, #tpu.memory_space<hbm>>
      %dma_wait3A_144 = arith.constant 0 : i32
      %dma_wait3A_145 = tpu.memref_slice %arg5[%add3A_128, %dma_wait3A_144] : memref<20224x128xf32, #tpu.memory_space<hbm>> -> memref<56x128xf32, #tpu.memory_space<hbm>>
      %dma_wait3A_146 = arith.constant 0 : i32
      %dma_wait3A_147 = arith.constant 0 : i32
      %dma_wait3A_148 = tpu.memref_slice %arg13[%dma_wait3A_146, %dma_wait3A_147] : memref<64x128xf32, #tpu.memory_space<vmem>> -> memref<56x128xf32, #tpu.memory_space<vmem>>
      tpu.wait_dma2 semaphore(%run_scoped3A : memref<!tpu.dma_semaphore, #tpu.memory_space<semaphore_mem>>) src(%dma_wait3A_148 : memref<56x128xf32, #tpu.memory_space<vmem>>) dst(%dma_wait3A_145 : memref<56x128xf32, #tpu.memory_space<hbm>>)
      tpu.yield
    }) : () -> ()
    return
  }
}

#map = affine_map<(d0, d1) -> (0)>
#map1 = affine_map<(d0, d1) -> (0, 0)>
module attributes {stable_mosaic.version = 14 : i64} {
  func.func @deg(%arg0: i32, %arg1: i32, %arg2: memref<323584xi32, #tpu.memory_space<hbm>>, %arg3: memref<128x128xf32, #tpu.memory_space<hbm>>, %arg4: memref<128x128xf32, #tpu.memory_space<hbm>>, %arg5: memref<20224x128xf32, #tpu.memory_space<hbm>>, %arg6: memref<128xi32, #tpu.memory_space<vmem>>, %arg7: memref<128x128xf32, #tpu.memory_space<vmem>>, %arg8: memref<10112x128xf32, #tpu.memory_space<vmem_shared>>) attributes {dimension_semantics = [#tpu.dimension_semantics<core_parallel>, #tpu.dimension_semantics<subcore_parallel>], iteration_bounds = array<i64: 2, 16>, scalar_prefetch = 0 : i64, scratch_operands = 3 : i64, tpu.core_type = #tpu.core_type<sc_vector_subcore>, window_params = [{transform_indices = #map}, {transform_indices = #map1}, {transform_indices = #map1}, {transform_indices = #map1}]} {
    %mul3A = arith.constant 16 : i32
    %mul3A_0 = arith.muli %arg0, %mul3A : i32
    %add3A = arith.addi %mul3A_0, %arg1 : i32
    %mul3A_1 = arith.constant 632 : i32
    %mul3A_2 = arith.muli %arg1, %mul3A_1 : i32
    "tpu.region"() ({
      %run_scoped3A = tpu.sem_alloc : memref<!tpu.dma_semaphore, #tpu.memory_space<semaphore_mem>>
      tpu.enqueue_dma source(%arg3 : memref<128x128xf32, #tpu.memory_space<hbm>>) target(%arg7 : memref<128x128xf32, #tpu.memory_space<vmem>>) target_semaphore(%run_scoped3A : memref<!tpu.dma_semaphore, #tpu.memory_space<semaphore_mem>>)
      tpu.wait_dma2 semaphore(%run_scoped3A : memref<!tpu.dma_semaphore, #tpu.memory_space<semaphore_mem>>) src(%arg3 : memref<128x128xf32, #tpu.memory_space<hbm>>) dst(%arg7 : memref<128x128xf32, #tpu.memory_space<vmem>>)
      tpu.yield
    }) : () -> ()
    %add3A_3 = arith.constant 0 : i32
    %add3A_4 = arith.addi %mul3A_2, %add3A_3 : i32
    "tpu.region"() ({
      %run_scoped3A = tpu.sem_alloc : memref<!tpu.dma_semaphore, #tpu.memory_space<semaphore_mem>>
      %dma_start3A = arith.constant 0 : i32
      %dma_start3A_42 = arith.constant 0 : i32
      %dma_start3A_43 = tpu.memref_slice %arg7[%dma_start3A, %dma_start3A_42] : memref<128x128xf32, #tpu.memory_space<vmem>> -> memref<128x128xf32, #tpu.memory_space<vmem>>
      %dma_start3A_44 = arith.constant 0 : i32
      %dma_start3A_45 = tpu.memref_slice %arg8[%add3A_4, %dma_start3A_44] : memref<10112x128xf32, #tpu.memory_space<vmem_shared>> -> memref<128x128xf32, #tpu.memory_space<vmem_shared>>
      %dma_start3A_46 = arith.constant 0 : i32
      %dma_start3A_47 = tpu.memref_slice %arg8[%add3A_4, %dma_start3A_46] : memref<10112x128xf32, #tpu.memory_space<vmem_shared>> -> memref<128x128xf32, #tpu.memory_space<vmem_shared>>
      %dma_start3A_48 = arith.constant 0 : i32
      %dma_start3A_49 = arith.constant 0 : i32
      %dma_start3A_50 = tpu.memref_slice %arg7[%dma_start3A_48, %dma_start3A_49] : memref<128x128xf32, #tpu.memory_space<vmem>> -> memref<128x128xf32, #tpu.memory_space<vmem>>
      tpu.enqueue_dma source(%dma_start3A_50 : memref<128x128xf32, #tpu.memory_space<vmem>>) target(%dma_start3A_47 : memref<128x128xf32, #tpu.memory_space<vmem_shared>>) target_semaphore(%run_scoped3A : memref<!tpu.dma_semaphore, #tpu.memory_space<semaphore_mem>>)
      %dma_wait3A = arith.constant 0 : i32
      %dma_wait3A_51 = arith.constant 0 : i32
      %dma_wait3A_52 = tpu.memref_slice %arg7[%dma_wait3A, %dma_wait3A_51] : memref<128x128xf32, #tpu.memory_space<vmem>> -> memref<128x128xf32, #tpu.memory_space<vmem>>
      %dma_wait3A_53 = arith.constant 0 : i32
      %dma_wait3A_54 = tpu.memref_slice %arg8[%add3A_4, %dma_wait3A_53] : memref<10112x128xf32, #tpu.memory_space<vmem_shared>> -> memref<128x128xf32, #tpu.memory_space<vmem_shared>>
      %dma_wait3A_55 = arith.constant 0 : i32
      %dma_wait3A_56 = tpu.memref_slice %arg8[%add3A_4, %dma_wait3A_55] : memref<10112x128xf32, #tpu.memory_space<vmem_shared>> -> memref<128x128xf32, #tpu.memory_space<vmem_shared>>
      %dma_wait3A_57 = arith.constant 0 : i32
      %dma_wait3A_58 = arith.constant 0 : i32
      %dma_wait3A_59 = tpu.memref_slice %arg7[%dma_wait3A_57, %dma_wait3A_58] : memref<128x128xf32, #tpu.memory_space<vmem>> -> memref<128x128xf32, #tpu.memory_space<vmem>>
      tpu.wait_dma2 semaphore(%run_scoped3A : memref<!tpu.dma_semaphore, #tpu.memory_space<semaphore_mem>>) src(%dma_wait3A_59 : memref<128x128xf32, #tpu.memory_space<vmem>>) dst(%dma_wait3A_56 : memref<128x128xf32, #tpu.memory_space<vmem_shared>>)
      tpu.yield
    }) : () -> ()
    %add3A_5 = arith.constant 128 : i32
    %add3A_6 = arith.addi %mul3A_2, %add3A_5 : i32
    "tpu.region"() ({
      %run_scoped3A = tpu.sem_alloc : memref<!tpu.dma_semaphore, #tpu.memory_space<semaphore_mem>>
      %dma_start3A = arith.constant 0 : i32
      %dma_start3A_42 = arith.constant 0 : i32
      %dma_start3A_43 = tpu.memref_slice %arg7[%dma_start3A, %dma_start3A_42] : memref<128x128xf32, #tpu.memory_space<vmem>> -> memref<128x128xf32, #tpu.memory_space<vmem>>
      %dma_start3A_44 = arith.constant 0 : i32
      %dma_start3A_45 = tpu.memref_slice %arg8[%add3A_6, %dma_start3A_44] : memref<10112x128xf32, #tpu.memory_space<vmem_shared>> -> memref<128x128xf32, #tpu.memory_space<vmem_shared>>
      %dma_start3A_46 = arith.constant 0 : i32
      %dma_start3A_47 = tpu.memref_slice %arg8[%add3A_6, %dma_start3A_46] : memref<10112x128xf32, #tpu.memory_space<vmem_shared>> -> memref<128x128xf32, #tpu.memory_space<vmem_shared>>
      %dma_start3A_48 = arith.constant 0 : i32
      %dma_start3A_49 = arith.constant 0 : i32
      %dma_start3A_50 = tpu.memref_slice %arg7[%dma_start3A_48, %dma_start3A_49] : memref<128x128xf32, #tpu.memory_space<vmem>> -> memref<128x128xf32, #tpu.memory_space<vmem>>
      tpu.enqueue_dma source(%dma_start3A_50 : memref<128x128xf32, #tpu.memory_space<vmem>>) target(%dma_start3A_47 : memref<128x128xf32, #tpu.memory_space<vmem_shared>>) target_semaphore(%run_scoped3A : memref<!tpu.dma_semaphore, #tpu.memory_space<semaphore_mem>>)
      %dma_wait3A = arith.constant 0 : i32
      %dma_wait3A_51 = arith.constant 0 : i32
      %dma_wait3A_52 = tpu.memref_slice %arg7[%dma_wait3A, %dma_wait3A_51] : memref<128x128xf32, #tpu.memory_space<vmem>> -> memref<128x128xf32, #tpu.memory_space<vmem>>
      %dma_wait3A_53 = arith.constant 0 : i32
      %dma_wait3A_54 = tpu.memref_slice %arg8[%add3A_6, %dma_wait3A_53] : memref<10112x128xf32, #tpu.memory_space<vmem_shared>> -> memref<128x128xf32, #tpu.memory_space<vmem_shared>>
      %dma_wait3A_55 = arith.constant 0 : i32
      %dma_wait3A_56 = tpu.memref_slice %arg8[%add3A_6, %dma_wait3A_55] : memref<10112x128xf32, #tpu.memory_space<vmem_shared>> -> memref<128x128xf32, #tpu.memory_space<vmem_shared>>
      %dma_wait3A_57 = arith.constant 0 : i32
      %dma_wait3A_58 = arith.constant 0 : i32
      %dma_wait3A_59 = tpu.memref_slice %arg7[%dma_wait3A_57, %dma_wait3A_58] : memref<128x128xf32, #tpu.memory_space<vmem>> -> memref<128x128xf32, #tpu.memory_space<vmem>>
      tpu.wait_dma2 semaphore(%run_scoped3A : memref<!tpu.dma_semaphore, #tpu.memory_space<semaphore_mem>>) src(%dma_wait3A_59 : memref<128x128xf32, #tpu.memory_space<vmem>>) dst(%dma_wait3A_56 : memref<128x128xf32, #tpu.memory_space<vmem_shared>>)
      tpu.yield
    }) : () -> ()
    %add3A_7 = arith.constant 256 : i32
    %add3A_8 = arith.addi %mul3A_2, %add3A_7 : i32
    "tpu.region"() ({
      %run_scoped3A = tpu.sem_alloc : memref<!tpu.dma_semaphore, #tpu.memory_space<semaphore_mem>>
      %dma_start3A = arith.constant 0 : i32
      %dma_start3A_42 = arith.constant 0 : i32
      %dma_start3A_43 = tpu.memref_slice %arg7[%dma_start3A, %dma_start3A_42] : memref<128x128xf32, #tpu.memory_space<vmem>> -> memref<128x128xf32, #tpu.memory_space<vmem>>
      %dma_start3A_44 = arith.constant 0 : i32
      %dma_start3A_45 = tpu.memref_slice %arg8[%add3A_8, %dma_start3A_44] : memref<10112x128xf32, #tpu.memory_space<vmem_shared>> -> memref<128x128xf32, #tpu.memory_space<vmem_shared>>
      %dma_start3A_46 = arith.constant 0 : i32
      %dma_start3A_47 = tpu.memref_slice %arg8[%add3A_8, %dma_start3A_46] : memref<10112x128xf32, #tpu.memory_space<vmem_shared>> -> memref<128x128xf32, #tpu.memory_space<vmem_shared>>
      %dma_start3A_48 = arith.constant 0 : i32
      %dma_start3A_49 = arith.constant 0 : i32
      %dma_start3A_50 = tpu.memref_slice %arg7[%dma_start3A_48, %dma_start3A_49] : memref<128x128xf32, #tpu.memory_space<vmem>> -> memref<128x128xf32, #tpu.memory_space<vmem>>
      tpu.enqueue_dma source(%dma_start3A_50 : memref<128x128xf32, #tpu.memory_space<vmem>>) target(%dma_start3A_47 : memref<128x128xf32, #tpu.memory_space<vmem_shared>>) target_semaphore(%run_scoped3A : memref<!tpu.dma_semaphore, #tpu.memory_space<semaphore_mem>>)
      %dma_wait3A = arith.constant 0 : i32
      %dma_wait3A_51 = arith.constant 0 : i32
      %dma_wait3A_52 = tpu.memref_slice %arg7[%dma_wait3A, %dma_wait3A_51] : memref<128x128xf32, #tpu.memory_space<vmem>> -> memref<128x128xf32, #tpu.memory_space<vmem>>
      %dma_wait3A_53 = arith.constant 0 : i32
      %dma_wait3A_54 = tpu.memref_slice %arg8[%add3A_8, %dma_wait3A_53] : memref<10112x128xf32, #tpu.memory_space<vmem_shared>> -> memref<128x128xf32, #tpu.memory_space<vmem_shared>>
      %dma_wait3A_55 = arith.constant 0 : i32
      %dma_wait3A_56 = tpu.memref_slice %arg8[%add3A_8, %dma_wait3A_55] : memref<10112x128xf32, #tpu.memory_space<vmem_shared>> -> memref<128x128xf32, #tpu.memory_space<vmem_shared>>
      %dma_wait3A_57 = arith.constant 0 : i32
      %dma_wait3A_58 = arith.constant 0 : i32
      %dma_wait3A_59 = tpu.memref_slice %arg7[%dma_wait3A_57, %dma_wait3A_58] : memref<128x128xf32, #tpu.memory_space<vmem>> -> memref<128x128xf32, #tpu.memory_space<vmem>>
      tpu.wait_dma2 semaphore(%run_scoped3A : memref<!tpu.dma_semaphore, #tpu.memory_space<semaphore_mem>>) src(%dma_wait3A_59 : memref<128x128xf32, #tpu.memory_space<vmem>>) dst(%dma_wait3A_56 : memref<128x128xf32, #tpu.memory_space<vmem_shared>>)
      tpu.yield
    }) : () -> ()
    %add3A_9 = arith.constant 384 : i32
    %add3A_10 = arith.addi %mul3A_2, %add3A_9 : i32
    "tpu.region"() ({
      %run_scoped3A = tpu.sem_alloc : memref<!tpu.dma_semaphore, #tpu.memory_space<semaphore_mem>>
      %dma_start3A = arith.constant 0 : i32
      %dma_start3A_42 = arith.constant 0 : i32
      %dma_start3A_43 = tpu.memref_slice %arg7[%dma_start3A, %dma_start3A_42] : memref<128x128xf32, #tpu.memory_space<vmem>> -> memref<128x128xf32, #tpu.memory_space<vmem>>
      %dma_start3A_44 = arith.constant 0 : i32
      %dma_start3A_45 = tpu.memref_slice %arg8[%add3A_10, %dma_start3A_44] : memref<10112x128xf32, #tpu.memory_space<vmem_shared>> -> memref<128x128xf32, #tpu.memory_space<vmem_shared>>
      %dma_start3A_46 = arith.constant 0 : i32
      %dma_start3A_47 = tpu.memref_slice %arg8[%add3A_10, %dma_start3A_46] : memref<10112x128xf32, #tpu.memory_space<vmem_shared>> -> memref<128x128xf32, #tpu.memory_space<vmem_shared>>
      %dma_start3A_48 = arith.constant 0 : i32
      %dma_start3A_49 = arith.constant 0 : i32
      %dma_start3A_50 = tpu.memref_slice %arg7[%dma_start3A_48, %dma_start3A_49] : memref<128x128xf32, #tpu.memory_space<vmem>> -> memref<128x128xf32, #tpu.memory_space<vmem>>
      tpu.enqueue_dma source(%dma_start3A_50 : memref<128x128xf32, #tpu.memory_space<vmem>>) target(%dma_start3A_47 : memref<128x128xf32, #tpu.memory_space<vmem_shared>>) target_semaphore(%run_scoped3A : memref<!tpu.dma_semaphore, #tpu.memory_space<semaphore_mem>>)
      %dma_wait3A = arith.constant 0 : i32
      %dma_wait3A_51 = arith.constant 0 : i32
      %dma_wait3A_52 = tpu.memref_slice %arg7[%dma_wait3A, %dma_wait3A_51] : memref<128x128xf32, #tpu.memory_space<vmem>> -> memref<128x128xf32, #tpu.memory_space<vmem>>
      %dma_wait3A_53 = arith.constant 0 : i32
      %dma_wait3A_54 = tpu.memref_slice %arg8[%add3A_10, %dma_wait3A_53] : memref<10112x128xf32, #tpu.memory_space<vmem_shared>> -> memref<128x128xf32, #tpu.memory_space<vmem_shared>>
      %dma_wait3A_55 = arith.constant 0 : i32
      %dma_wait3A_56 = tpu.memref_slice %arg8[%add3A_10, %dma_wait3A_55] : memref<10112x128xf32, #tpu.memory_space<vmem_shared>> -> memref<128x128xf32, #tpu.memory_space<vmem_shared>>
      %dma_wait3A_57 = arith.constant 0 : i32
      %dma_wait3A_58 = arith.constant 0 : i32
      %dma_wait3A_59 = tpu.memref_slice %arg7[%dma_wait3A_57, %dma_wait3A_58] : memref<128x128xf32, #tpu.memory_space<vmem>> -> memref<128x128xf32, #tpu.memory_space<vmem>>
      tpu.wait_dma2 semaphore(%run_scoped3A : memref<!tpu.dma_semaphore, #tpu.memory_space<semaphore_mem>>) src(%dma_wait3A_59 : memref<128x128xf32, #tpu.memory_space<vmem>>) dst(%dma_wait3A_56 : memref<128x128xf32, #tpu.memory_space<vmem_shared>>)
      tpu.yield
    }) : () -> ()
    %add3A_11 = arith.constant 512 : i32
    %add3A_12 = arith.addi %mul3A_2, %add3A_11 : i32
    "tpu.region"() ({
      %run_scoped3A = tpu.sem_alloc : memref<!tpu.dma_semaphore, #tpu.memory_space<semaphore_mem>>
      %dma_start3A = arith.constant 0 : i32
      %dma_start3A_42 = arith.constant 0 : i32
      %dma_start3A_43 = tpu.memref_slice %arg7[%dma_start3A, %dma_start3A_42] : memref<128x128xf32, #tpu.memory_space<vmem>> -> memref<120x128xf32, #tpu.memory_space<vmem>>
      %dma_start3A_44 = arith.constant 0 : i32
      %dma_start3A_45 = tpu.memref_slice %arg8[%add3A_12, %dma_start3A_44] : memref<10112x128xf32, #tpu.memory_space<vmem_shared>> -> memref<120x128xf32, #tpu.memory_space<vmem_shared>>
      %dma_start3A_46 = arith.constant 0 : i32
      %dma_start3A_47 = tpu.memref_slice %arg8[%add3A_12, %dma_start3A_46] : memref<10112x128xf32, #tpu.memory_space<vmem_shared>> -> memref<120x128xf32, #tpu.memory_space<vmem_shared>>
      %dma_start3A_48 = arith.constant 0 : i32
      %dma_start3A_49 = arith.constant 0 : i32
      %dma_start3A_50 = tpu.memref_slice %arg7[%dma_start3A_48, %dma_start3A_49] : memref<128x128xf32, #tpu.memory_space<vmem>> -> memref<120x128xf32, #tpu.memory_space<vmem>>
      tpu.enqueue_dma source(%dma_start3A_50 : memref<120x128xf32, #tpu.memory_space<vmem>>) target(%dma_start3A_47 : memref<120x128xf32, #tpu.memory_space<vmem_shared>>) target_semaphore(%run_scoped3A : memref<!tpu.dma_semaphore, #tpu.memory_space<semaphore_mem>>)
      %dma_wait3A = arith.constant 0 : i32
      %dma_wait3A_51 = arith.constant 0 : i32
      %dma_wait3A_52 = tpu.memref_slice %arg7[%dma_wait3A, %dma_wait3A_51] : memref<128x128xf32, #tpu.memory_space<vmem>> -> memref<120x128xf32, #tpu.memory_space<vmem>>
      %dma_wait3A_53 = arith.constant 0 : i32
      %dma_wait3A_54 = tpu.memref_slice %arg8[%add3A_12, %dma_wait3A_53] : memref<10112x128xf32, #tpu.memory_space<vmem_shared>> -> memref<120x128xf32, #tpu.memory_space<vmem_shared>>
      %dma_wait3A_55 = arith.constant 0 : i32
      %dma_wait3A_56 = tpu.memref_slice %arg8[%add3A_12, %dma_wait3A_55] : memref<10112x128xf32, #tpu.memory_space<vmem_shared>> -> memref<120x128xf32, #tpu.memory_space<vmem_shared>>
      %dma_wait3A_57 = arith.constant 0 : i32
      %dma_wait3A_58 = arith.constant 0 : i32
      %dma_wait3A_59 = tpu.memref_slice %arg7[%dma_wait3A_57, %dma_wait3A_58] : memref<128x128xf32, #tpu.memory_space<vmem>> -> memref<120x128xf32, #tpu.memory_space<vmem>>
      tpu.wait_dma2 semaphore(%run_scoped3A : memref<!tpu.dma_semaphore, #tpu.memory_space<semaphore_mem>>) src(%dma_wait3A_59 : memref<120x128xf32, #tpu.memory_space<vmem>>) dst(%dma_wait3A_56 : memref<120x128xf32, #tpu.memory_space<vmem_shared>>)
      tpu.yield
    }) : () -> ()
    "tpu.region"() ({
      %run_scoped3A = tpu.sem_alloc : memref<!tpu.dma_semaphore, #tpu.memory_space<semaphore_mem>>
      tpu.enqueue_dma source(%arg4 : memref<128x128xf32, #tpu.memory_space<hbm>>) target(%arg7 : memref<128x128xf32, #tpu.memory_space<vmem>>) target_semaphore(%run_scoped3A : memref<!tpu.dma_semaphore, #tpu.memory_space<semaphore_mem>>)
      tpu.wait_dma2 semaphore(%run_scoped3A : memref<!tpu.dma_semaphore, #tpu.memory_space<semaphore_mem>>) src(%arg4 : memref<128x128xf32, #tpu.memory_space<hbm>>) dst(%arg7 : memref<128x128xf32, #tpu.memory_space<vmem>>)
      tpu.yield
    }) : () -> ()
    %barrier3A = arith.constant 0 : index
    tpu.barrier barrier_id(%barrier3A)
    %scan3A = arith.constant 0 : i32
    %scan3A_13 = arith.constant 0 : i32
    %scan3A_14 = arith.constant 79 : i32
    %scan3A_15 = arith.addi %scan3A_13, %scan3A_14 : i32
    %scan3A_16 = arith.constant 1 : i32
    scf.for %scan3A_42 = %scan3A_13 to %scan3A_15 step %scan3A_16  : i32 {
      %mul3A_43 = arith.constant 79 : i32
      %mul3A_44 = arith.muli %add3A, %mul3A_43 : i32
      %add3A_45 = arith.addi %mul3A_44, %scan3A_42 : i32
      %mul3A_46 = arith.constant 128 : i32
      %mul3A_47 = arith.muli %add3A_45, %mul3A_46 : i32
      "tpu.region"() ({
        %run_scoped3A = tpu.sem_alloc : memref<!tpu.dma_semaphore, #tpu.memory_space<semaphore_mem>>
        %dma_start3A = tpu.memref_slice %arg2[%mul3A_47] : memref<323584xi32, #tpu.memory_space<hbm>> -> memref<128xi32, #tpu.memory_space<hbm>>
        %dma_start3A_48 = tpu.memref_slice %arg2[%mul3A_47] : memref<323584xi32, #tpu.memory_space<hbm>> -> memref<128xi32, #tpu.memory_space<hbm>>
        tpu.enqueue_dma source(%dma_start3A_48 : memref<128xi32, #tpu.memory_space<hbm>>) target(%arg6 : memref<128xi32, #tpu.memory_space<vmem>>) target_semaphore(%run_scoped3A : memref<!tpu.dma_semaphore, #tpu.memory_space<semaphore_mem>>)
        %dma_wait3A = tpu.memref_slice %arg2[%mul3A_47] : memref<323584xi32, #tpu.memory_space<hbm>> -> memref<128xi32, #tpu.memory_space<hbm>>
        %dma_wait3A_49 = tpu.memref_slice %arg2[%mul3A_47] : memref<323584xi32, #tpu.memory_space<hbm>> -> memref<128xi32, #tpu.memory_space<hbm>>
        tpu.wait_dma2 semaphore(%run_scoped3A : memref<!tpu.dma_semaphore, #tpu.memory_space<semaphore_mem>>) src(%dma_wait3A_49 : memref<128xi32, #tpu.memory_space<hbm>>) dst(%arg6 : memref<128xi32, #tpu.memory_space<vmem>>)
        tpu.yield
      }) : () -> ()
      "tpu.region"() ({
        %run_scoped3A = tpu.sem_alloc : memref<!tpu.dma_semaphore, #tpu.memory_space<semaphore_mem>>
        %dma_start3A = arith.constant 0 : i32
        %dma_start3A_48 = arith.constant 0 : i32
        %dma_start3A_49 = tpu.memref_slice %arg8[%dma_start3A, %dma_start3A_48] : memref<10112x128xf32, #tpu.memory_space<vmem_shared>> -> memref<10112x128xf32, #tpu.memory_space<vmem_shared>>
        tpu.enqueue_indirect_dma source(%arg7 : memref<128x128xf32, #tpu.memory_space<vmem>>) target(%dma_start3A_49 : memref<10112x128xf32, #tpu.memory_space<vmem_shared>>) offsets(%arg6 : memref<128xi32, #tpu.memory_space<vmem>>) semaphore(%run_scoped3A : memref<!tpu.dma_semaphore, #tpu.memory_space<semaphore_mem>>) {add = true}
        %dma_wait3A = arith.constant 0 : i32
        %dma_wait3A_50 = arith.constant 0 : i32
        %dma_wait3A_51 = tpu.memref_slice %arg8[%dma_wait3A, %dma_wait3A_50] : memref<10112x128xf32, #tpu.memory_space<vmem_shared>> -> memref<10112x128xf32, #tpu.memory_space<vmem_shared>>
        tpu.wait_indirect_dma semaphore(%run_scoped3A : memref<!tpu.dma_semaphore, #tpu.memory_space<semaphore_mem>>) src(%arg7 : memref<128x128xf32, #tpu.memory_space<vmem>>) dst(%dma_wait3A_51 : memref<10112x128xf32, #tpu.memory_space<vmem_shared>>)
        tpu.yield
      }) : () -> ()
    }
    %scan3A_17 = arith.constant 79 : i32
    %barrier3A_18 = arith.constant 0 : index
    tpu.barrier barrier_id(%barrier3A_18)
    %mul3A_19 = arith.constant 10112 : i32
    %mul3A_20 = arith.muli %arg0, %mul3A_19 : i32
    %add3A_21 = arith.addi %mul3A_20, %mul3A_2 : i32
    %add3A_22 = arith.constant 0 : i32
    %add3A_23 = arith.addi %mul3A_2, %add3A_22 : i32
    "tpu.region"() ({
      %run_scoped3A = tpu.sem_alloc : memref<!tpu.dma_semaphore, #tpu.memory_space<semaphore_mem>>
      %dma_start3A = arith.constant 0 : i32
      %dma_start3A_42 = arith.constant 0 : i32
      %dma_start3A_43 = tpu.memref_slice %arg7[%dma_start3A, %dma_start3A_42] : memref<128x128xf32, #tpu.memory_space<vmem>> -> memref<128x128xf32, #tpu.memory_space<vmem>>
      %dma_start3A_44 = arith.constant 0 : i32
      %dma_start3A_45 = tpu.memref_slice %arg8[%add3A_23, %dma_start3A_44] : memref<10112x128xf32, #tpu.memory_space<vmem_shared>> -> memref<128x128xf32, #tpu.memory_space<vmem_shared>>
      %dma_start3A_46 = arith.constant 0 : i32
      %dma_start3A_47 = arith.constant 0 : i32
      %dma_start3A_48 = tpu.memref_slice %arg7[%dma_start3A_46, %dma_start3A_47] : memref<128x128xf32, #tpu.memory_space<vmem>> -> memref<128x128xf32, #tpu.memory_space<vmem>>
      %dma_start3A_49 = arith.constant 0 : i32
      %dma_start3A_50 = tpu.memref_slice %arg8[%add3A_23, %dma_start3A_49] : memref<10112x128xf32, #tpu.memory_space<vmem_shared>> -> memref<128x128xf32, #tpu.memory_space<vmem_shared>>
      tpu.enqueue_dma source(%dma_start3A_50 : memref<128x128xf32, #tpu.memory_space<vmem_shared>>) target(%dma_start3A_48 : memref<128x128xf32, #tpu.memory_space<vmem>>) target_semaphore(%run_scoped3A : memref<!tpu.dma_semaphore, #tpu.memory_space<semaphore_mem>>)
      %dma_wait3A = arith.constant 0 : i32
      %dma_wait3A_51 = arith.constant 0 : i32
      %dma_wait3A_52 = tpu.memref_slice %arg7[%dma_wait3A, %dma_wait3A_51] : memref<128x128xf32, #tpu.memory_space<vmem>> -> memref<128x128xf32, #tpu.memory_space<vmem>>
      %dma_wait3A_53 = arith.constant 0 : i32
      %dma_wait3A_54 = tpu.memref_slice %arg8[%add3A_23, %dma_wait3A_53] : memref<10112x128xf32, #tpu.memory_space<vmem_shared>> -> memref<128x128xf32, #tpu.memory_space<vmem_shared>>
      %dma_wait3A_55 = arith.constant 0 : i32
      %dma_wait3A_56 = arith.constant 0 : i32
      %dma_wait3A_57 = tpu.memref_slice %arg7[%dma_wait3A_55, %dma_wait3A_56] : memref<128x128xf32, #tpu.memory_space<vmem>> -> memref<128x128xf32, #tpu.memory_space<vmem>>
      %dma_wait3A_58 = arith.constant 0 : i32
      %dma_wait3A_59 = tpu.memref_slice %arg8[%add3A_23, %dma_wait3A_58] : memref<10112x128xf32, #tpu.memory_space<vmem_shared>> -> memref<128x128xf32, #tpu.memory_space<vmem_shared>>
      tpu.wait_dma2 semaphore(%run_scoped3A : memref<!tpu.dma_semaphore, #tpu.memory_space<semaphore_mem>>) src(%dma_wait3A_59 : memref<128x128xf32, #tpu.memory_space<vmem_shared>>) dst(%dma_wait3A_57 : memref<128x128xf32, #tpu.memory_space<vmem>>)
      tpu.yield
    }) : () -> ()
    %add3A_24 = arith.constant 0 : i32
    %add3A_25 = arith.addi %add3A_21, %add3A_24 : i32
    "tpu.region"() ({
      %run_scoped3A = tpu.sem_alloc : memref<!tpu.dma_semaphore, #tpu.memory_space<semaphore_mem>>
      %dma_start3A = arith.constant 0 : i32
      %dma_start3A_42 = arith.constant 0 : i32
      %dma_start3A_43 = tpu.memref_slice %arg7[%dma_start3A, %dma_start3A_42] : memref<128x128xf32, #tpu.memory_space<vmem>> -> memref<128x128xf32, #tpu.memory_space<vmem>>
      %dma_start3A_44 = arith.constant 0 : i32
      %dma_start3A_45 = tpu.memref_slice %arg5[%add3A_25, %dma_start3A_44] : memref<20224x128xf32, #tpu.memory_space<hbm>> -> memref<128x128xf32, #tpu.memory_space<hbm>>
      %dma_start3A_46 = arith.constant 0 : i32
      %dma_start3A_47 = tpu.memref_slice %arg5[%add3A_25, %dma_start3A_46] : memref<20224x128xf32, #tpu.memory_space<hbm>> -> memref<128x128xf32, #tpu.memory_space<hbm>>
      %dma_start3A_48 = arith.constant 0 : i32
      %dma_start3A_49 = arith.constant 0 : i32
      %dma_start3A_50 = tpu.memref_slice %arg7[%dma_start3A_48, %dma_start3A_49] : memref<128x128xf32, #tpu.memory_space<vmem>> -> memref<128x128xf32, #tpu.memory_space<vmem>>
      tpu.enqueue_dma source(%dma_start3A_50 : memref<128x128xf32, #tpu.memory_space<vmem>>) target(%dma_start3A_47 : memref<128x128xf32, #tpu.memory_space<hbm>>) target_semaphore(%run_scoped3A : memref<!tpu.dma_semaphore, #tpu.memory_space<semaphore_mem>>)
      %dma_wait3A = arith.constant 0 : i32
      %dma_wait3A_51 = arith.constant 0 : i32
      %dma_wait3A_52 = tpu.memref_slice %arg7[%dma_wait3A, %dma_wait3A_51] : memref<128x128xf32, #tpu.memory_space<vmem>> -> memref<128x128xf32, #tpu.memory_space<vmem>>
      %dma_wait3A_53 = arith.constant 0 : i32
      %dma_wait3A_54 = tpu.memref_slice %arg5[%add3A_25, %dma_wait3A_53] : memref<20224x128xf32, #tpu.memory_space<hbm>> -> memref<128x128xf32, #tpu.memory_space<hbm>>
      %dma_wait3A_55 = arith.constant 0 : i32
      %dma_wait3A_56 = tpu.memref_slice %arg5[%add3A_25, %dma_wait3A_55] : memref<20224x128xf32, #tpu.memory_space<hbm>> -> memref<128x128xf32, #tpu.memory_space<hbm>>
      %dma_wait3A_57 = arith.constant 0 : i32
      %dma_wait3A_58 = arith.constant 0 : i32
      %dma_wait3A_59 = tpu.memref_slice %arg7[%dma_wait3A_57, %dma_wait3A_58] : memref<128x128xf32, #tpu.memory_space<vmem>> -> memref<128x128xf32, #tpu.memory_space<vmem>>
      tpu.wait_dma2 semaphore(%run_scoped3A : memref<!tpu.dma_semaphore, #tpu.memory_space<semaphore_mem>>) src(%dma_wait3A_59 : memref<128x128xf32, #tpu.memory_space<vmem>>) dst(%dma_wait3A_56 : memref<128x128xf32, #tpu.memory_space<hbm>>)
      tpu.yield
    }) : () -> ()
    %add3A_26 = arith.constant 128 : i32
    %add3A_27 = arith.addi %mul3A_2, %add3A_26 : i32
    "tpu.region"() ({
      %run_scoped3A = tpu.sem_alloc : memref<!tpu.dma_semaphore, #tpu.memory_space<semaphore_mem>>
      %dma_start3A = arith.constant 0 : i32
      %dma_start3A_42 = arith.constant 0 : i32
      %dma_start3A_43 = tpu.memref_slice %arg7[%dma_start3A, %dma_start3A_42] : memref<128x128xf32, #tpu.memory_space<vmem>> -> memref<128x128xf32, #tpu.memory_space<vmem>>
      %dma_start3A_44 = arith.constant 0 : i32
      %dma_start3A_45 = tpu.memref_slice %arg8[%add3A_27, %dma_start3A_44] : memref<10112x128xf32, #tpu.memory_space<vmem_shared>> -> memref<128x128xf32, #tpu.memory_space<vmem_shared>>
      %dma_start3A_46 = arith.constant 0 : i32
      %dma_start3A_47 = arith.constant 0 : i32
      %dma_start3A_48 = tpu.memref_slice %arg7[%dma_start3A_46, %dma_start3A_47] : memref<128x128xf32, #tpu.memory_space<vmem>> -> memref<128x128xf32, #tpu.memory_space<vmem>>
      %dma_start3A_49 = arith.constant 0 : i32
      %dma_start3A_50 = tpu.memref_slice %arg8[%add3A_27, %dma_start3A_49] : memref<10112x128xf32, #tpu.memory_space<vmem_shared>> -> memref<128x128xf32, #tpu.memory_space<vmem_shared>>
      tpu.enqueue_dma source(%dma_start3A_50 : memref<128x128xf32, #tpu.memory_space<vmem_shared>>) target(%dma_start3A_48 : memref<128x128xf32, #tpu.memory_space<vmem>>) target_semaphore(%run_scoped3A : memref<!tpu.dma_semaphore, #tpu.memory_space<semaphore_mem>>)
      %dma_wait3A = arith.constant 0 : i32
      %dma_wait3A_51 = arith.constant 0 : i32
      %dma_wait3A_52 = tpu.memref_slice %arg7[%dma_wait3A, %dma_wait3A_51] : memref<128x128xf32, #tpu.memory_space<vmem>> -> memref<128x128xf32, #tpu.memory_space<vmem>>
      %dma_wait3A_53 = arith.constant 0 : i32
      %dma_wait3A_54 = tpu.memref_slice %arg8[%add3A_27, %dma_wait3A_53] : memref<10112x128xf32, #tpu.memory_space<vmem_shared>> -> memref<128x128xf32, #tpu.memory_space<vmem_shared>>
      %dma_wait3A_55 = arith.constant 0 : i32
      %dma_wait3A_56 = arith.constant 0 : i32
      %dma_wait3A_57 = tpu.memref_slice %arg7[%dma_wait3A_55, %dma_wait3A_56] : memref<128x128xf32, #tpu.memory_space<vmem>> -> memref<128x128xf32, #tpu.memory_space<vmem>>
      %dma_wait3A_58 = arith.constant 0 : i32
      %dma_wait3A_59 = tpu.memref_slice %arg8[%add3A_27, %dma_wait3A_58] : memref<10112x128xf32, #tpu.memory_space<vmem_shared>> -> memref<128x128xf32, #tpu.memory_space<vmem_shared>>
      tpu.wait_dma2 semaphore(%run_scoped3A : memref<!tpu.dma_semaphore, #tpu.memory_space<semaphore_mem>>) src(%dma_wait3A_59 : memref<128x128xf32, #tpu.memory_space<vmem_shared>>) dst(%dma_wait3A_57 : memref<128x128xf32, #tpu.memory_space<vmem>>)
      tpu.yield
    }) : () -> ()
    %add3A_28 = arith.constant 128 : i32
    %add3A_29 = arith.addi %add3A_21, %add3A_28 : i32
    "tpu.region"() ({
      %run_scoped3A = tpu.sem_alloc : memref<!tpu.dma_semaphore, #tpu.memory_space<semaphore_mem>>
      %dma_start3A = arith.constant 0 : i32
      %dma_start3A_42 = arith.constant 0 : i32
      %dma_start3A_43 = tpu.memref_slice %arg7[%dma_start3A, %dma_start3A_42] : memref<128x128xf32, #tpu.memory_space<vmem>> -> memref<128x128xf32, #tpu.memory_space<vmem>>
      %dma_start3A_44 = arith.constant 0 : i32
      %dma_start3A_45 = tpu.memref_slice %arg5[%add3A_29, %dma_start3A_44] : memref<20224x128xf32, #tpu.memory_space<hbm>> -> memref<128x128xf32, #tpu.memory_space<hbm>>
      %dma_start3A_46 = arith.constant 0 : i32
      %dma_start3A_47 = tpu.memref_slice %arg5[%add3A_29, %dma_start3A_46] : memref<20224x128xf32, #tpu.memory_space<hbm>> -> memref<128x128xf32, #tpu.memory_space<hbm>>
      %dma_start3A_48 = arith.constant 0 : i32
      %dma_start3A_49 = arith.constant 0 : i32
      %dma_start3A_50 = tpu.memref_slice %arg7[%dma_start3A_48, %dma_start3A_49] : memref<128x128xf32, #tpu.memory_space<vmem>> -> memref<128x128xf32, #tpu.memory_space<vmem>>
      tpu.enqueue_dma source(%dma_start3A_50 : memref<128x128xf32, #tpu.memory_space<vmem>>) target(%dma_start3A_47 : memref<128x128xf32, #tpu.memory_space<hbm>>) target_semaphore(%run_scoped3A : memref<!tpu.dma_semaphore, #tpu.memory_space<semaphore_mem>>)
      %dma_wait3A = arith.constant 0 : i32
      %dma_wait3A_51 = arith.constant 0 : i32
      %dma_wait3A_52 = tpu.memref_slice %arg7[%dma_wait3A, %dma_wait3A_51] : memref<128x128xf32, #tpu.memory_space<vmem>> -> memref<128x128xf32, #tpu.memory_space<vmem>>
      %dma_wait3A_53 = arith.constant 0 : i32
      %dma_wait3A_54 = tpu.memref_slice %arg5[%add3A_29, %dma_wait3A_53] : memref<20224x128xf32, #tpu.memory_space<hbm>> -> memref<128x128xf32, #tpu.memory_space<hbm>>
      %dma_wait3A_55 = arith.constant 0 : i32
      %dma_wait3A_56 = tpu.memref_slice %arg5[%add3A_29, %dma_wait3A_55] : memref<20224x128xf32, #tpu.memory_space<hbm>> -> memref<128x128xf32, #tpu.memory_space<hbm>>
      %dma_wait3A_57 = arith.constant 0 : i32
      %dma_wait3A_58 = arith.constant 0 : i32
      %dma_wait3A_59 = tpu.memref_slice %arg7[%dma_wait3A_57, %dma_wait3A_58] : memref<128x128xf32, #tpu.memory_space<vmem>> -> memref<128x128xf32, #tpu.memory_space<vmem>>
      tpu.wait_dma2 semaphore(%run_scoped3A : memref<!tpu.dma_semaphore, #tpu.memory_space<semaphore_mem>>) src(%dma_wait3A_59 : memref<128x128xf32, #tpu.memory_space<vmem>>) dst(%dma_wait3A_56 : memref<128x128xf32, #tpu.memory_space<hbm>>)
      tpu.yield
    }) : () -> ()
    %add3A_30 = arith.constant 256 : i32
    %add3A_31 = arith.addi %mul3A_2, %add3A_30 : i32
    "tpu.region"() ({
      %run_scoped3A = tpu.sem_alloc : memref<!tpu.dma_semaphore, #tpu.memory_space<semaphore_mem>>
      %dma_start3A = arith.constant 0 : i32
      %dma_start3A_42 = arith.constant 0 : i32
      %dma_start3A_43 = tpu.memref_slice %arg7[%dma_start3A, %dma_start3A_42] : memref<128x128xf32, #tpu.memory_space<vmem>> -> memref<128x128xf32, #tpu.memory_space<vmem>>
      %dma_start3A_44 = arith.constant 0 : i32
      %dma_start3A_45 = tpu.memref_slice %arg8[%add3A_31, %dma_start3A_44] : memref<10112x128xf32, #tpu.memory_space<vmem_shared>> -> memref<128x128xf32, #tpu.memory_space<vmem_shared>>
      %dma_start3A_46 = arith.constant 0 : i32
      %dma_start3A_47 = arith.constant 0 : i32
      %dma_start3A_48 = tpu.memref_slice %arg7[%dma_start3A_46, %dma_start3A_47] : memref<128x128xf32, #tpu.memory_space<vmem>> -> memref<128x128xf32, #tpu.memory_space<vmem>>
      %dma_start3A_49 = arith.constant 0 : i32
      %dma_start3A_50 = tpu.memref_slice %arg8[%add3A_31, %dma_start3A_49] : memref<10112x128xf32, #tpu.memory_space<vmem_shared>> -> memref<128x128xf32, #tpu.memory_space<vmem_shared>>
      tpu.enqueue_dma source(%dma_start3A_50 : memref<128x128xf32, #tpu.memory_space<vmem_shared>>) target(%dma_start3A_48 : memref<128x128xf32, #tpu.memory_space<vmem>>) target_semaphore(%run_scoped3A : memref<!tpu.dma_semaphore, #tpu.memory_space<semaphore_mem>>)
      %dma_wait3A = arith.constant 0 : i32
      %dma_wait3A_51 = arith.constant 0 : i32
      %dma_wait3A_52 = tpu.memref_slice %arg7[%dma_wait3A, %dma_wait3A_51] : memref<128x128xf32, #tpu.memory_space<vmem>> -> memref<128x128xf32, #tpu.memory_space<vmem>>
      %dma_wait3A_53 = arith.constant 0 : i32
      %dma_wait3A_54 = tpu.memref_slice %arg8[%add3A_31, %dma_wait3A_53] : memref<10112x128xf32, #tpu.memory_space<vmem_shared>> -> memref<128x128xf32, #tpu.memory_space<vmem_shared>>
      %dma_wait3A_55 = arith.constant 0 : i32
      %dma_wait3A_56 = arith.constant 0 : i32
      %dma_wait3A_57 = tpu.memref_slice %arg7[%dma_wait3A_55, %dma_wait3A_56] : memref<128x128xf32, #tpu.memory_space<vmem>> -> memref<128x128xf32, #tpu.memory_space<vmem>>
      %dma_wait3A_58 = arith.constant 0 : i32
      %dma_wait3A_59 = tpu.memref_slice %arg8[%add3A_31, %dma_wait3A_58] : memref<10112x128xf32, #tpu.memory_space<vmem_shared>> -> memref<128x128xf32, #tpu.memory_space<vmem_shared>>
      tpu.wait_dma2 semaphore(%run_scoped3A : memref<!tpu.dma_semaphore, #tpu.memory_space<semaphore_mem>>) src(%dma_wait3A_59 : memref<128x128xf32, #tpu.memory_space<vmem_shared>>) dst(%dma_wait3A_57 : memref<128x128xf32, #tpu.memory_space<vmem>>)
      tpu.yield
    }) : () -> ()
    %add3A_32 = arith.constant 256 : i32
    %add3A_33 = arith.addi %add3A_21, %add3A_32 : i32
    "tpu.region"() ({
      %run_scoped3A = tpu.sem_alloc : memref<!tpu.dma_semaphore, #tpu.memory_space<semaphore_mem>>
      %dma_start3A = arith.constant 0 : i32
      %dma_start3A_42 = arith.constant 0 : i32
      %dma_start3A_43 = tpu.memref_slice %arg7[%dma_start3A, %dma_start3A_42] : memref<128x128xf32, #tpu.memory_space<vmem>> -> memref<128x128xf32, #tpu.memory_space<vmem>>
      %dma_start3A_44 = arith.constant 0 : i32
      %dma_start3A_45 = tpu.memref_slice %arg5[%add3A_33, %dma_start3A_44] : memref<20224x128xf32, #tpu.memory_space<hbm>> -> memref<128x128xf32, #tpu.memory_space<hbm>>
      %dma_start3A_46 = arith.constant 0 : i32
      %dma_start3A_47 = tpu.memref_slice %arg5[%add3A_33, %dma_start3A_46] : memref<20224x128xf32, #tpu.memory_space<hbm>> -> memref<128x128xf32, #tpu.memory_space<hbm>>
      %dma_start3A_48 = arith.constant 0 : i32
      %dma_start3A_49 = arith.constant 0 : i32
      %dma_start3A_50 = tpu.memref_slice %arg7[%dma_start3A_48, %dma_start3A_49] : memref<128x128xf32, #tpu.memory_space<vmem>> -> memref<128x128xf32, #tpu.memory_space<vmem>>
      tpu.enqueue_dma source(%dma_start3A_50 : memref<128x128xf32, #tpu.memory_space<vmem>>) target(%dma_start3A_47 : memref<128x128xf32, #tpu.memory_space<hbm>>) target_semaphore(%run_scoped3A : memref<!tpu.dma_semaphore, #tpu.memory_space<semaphore_mem>>)
      %dma_wait3A = arith.constant 0 : i32
      %dma_wait3A_51 = arith.constant 0 : i32
      %dma_wait3A_52 = tpu.memref_slice %arg7[%dma_wait3A, %dma_wait3A_51] : memref<128x128xf32, #tpu.memory_space<vmem>> -> memref<128x128xf32, #tpu.memory_space<vmem>>
      %dma_wait3A_53 = arith.constant 0 : i32
      %dma_wait3A_54 = tpu.memref_slice %arg5[%add3A_33, %dma_wait3A_53] : memref<20224x128xf32, #tpu.memory_space<hbm>> -> memref<128x128xf32, #tpu.memory_space<hbm>>
      %dma_wait3A_55 = arith.constant 0 : i32
      %dma_wait3A_56 = tpu.memref_slice %arg5[%add3A_33, %dma_wait3A_55] : memref<20224x128xf32, #tpu.memory_space<hbm>> -> memref<128x128xf32, #tpu.memory_space<hbm>>
      %dma_wait3A_57 = arith.constant 0 : i32
      %dma_wait3A_58 = arith.constant 0 : i32
      %dma_wait3A_59 = tpu.memref_slice %arg7[%dma_wait3A_57, %dma_wait3A_58] : memref<128x128xf32, #tpu.memory_space<vmem>> -> memref<128x128xf32, #tpu.memory_space<vmem>>
      tpu.wait_dma2 semaphore(%run_scoped3A : memref<!tpu.dma_semaphore, #tpu.memory_space<semaphore_mem>>) src(%dma_wait3A_59 : memref<128x128xf32, #tpu.memory_space<vmem>>) dst(%dma_wait3A_56 : memref<128x128xf32, #tpu.memory_space<hbm>>)
      tpu.yield
    }) : () -> ()
    %add3A_34 = arith.constant 384 : i32
    %add3A_35 = arith.addi %mul3A_2, %add3A_34 : i32
    "tpu.region"() ({
      %run_scoped3A = tpu.sem_alloc : memref<!tpu.dma_semaphore, #tpu.memory_space<semaphore_mem>>
      %dma_start3A = arith.constant 0 : i32
      %dma_start3A_42 = arith.constant 0 : i32
      %dma_start3A_43 = tpu.memref_slice %arg7[%dma_start3A, %dma_start3A_42] : memref<128x128xf32, #tpu.memory_space<vmem>> -> memref<128x128xf32, #tpu.memory_space<vmem>>
      %dma_start3A_44 = arith.constant 0 : i32
      %dma_start3A_45 = tpu.memref_slice %arg8[%add3A_35, %dma_start3A_44] : memref<10112x128xf32, #tpu.memory_space<vmem_shared>> -> memref<128x128xf32, #tpu.memory_space<vmem_shared>>
      %dma_start3A_46 = arith.constant 0 : i32
      %dma_start3A_47 = arith.constant 0 : i32
      %dma_start3A_48 = tpu.memref_slice %arg7[%dma_start3A_46, %dma_start3A_47] : memref<128x128xf32, #tpu.memory_space<vmem>> -> memref<128x128xf32, #tpu.memory_space<vmem>>
      %dma_start3A_49 = arith.constant 0 : i32
      %dma_start3A_50 = tpu.memref_slice %arg8[%add3A_35, %dma_start3A_49] : memref<10112x128xf32, #tpu.memory_space<vmem_shared>> -> memref<128x128xf32, #tpu.memory_space<vmem_shared>>
      tpu.enqueue_dma source(%dma_start3A_50 : memref<128x128xf32, #tpu.memory_space<vmem_shared>>) target(%dma_start3A_48 : memref<128x128xf32, #tpu.memory_space<vmem>>) target_semaphore(%run_scoped3A : memref<!tpu.dma_semaphore, #tpu.memory_space<semaphore_mem>>)
      %dma_wait3A = arith.constant 0 : i32
      %dma_wait3A_51 = arith.constant 0 : i32
      %dma_wait3A_52 = tpu.memref_slice %arg7[%dma_wait3A, %dma_wait3A_51] : memref<128x128xf32, #tpu.memory_space<vmem>> -> memref<128x128xf32, #tpu.memory_space<vmem>>
      %dma_wait3A_53 = arith.constant 0 : i32
      %dma_wait3A_54 = tpu.memref_slice %arg8[%add3A_35, %dma_wait3A_53] : memref<10112x128xf32, #tpu.memory_space<vmem_shared>> -> memref<128x128xf32, #tpu.memory_space<vmem_shared>>
      %dma_wait3A_55 = arith.constant 0 : i32
      %dma_wait3A_56 = arith.constant 0 : i32
      %dma_wait3A_57 = tpu.memref_slice %arg7[%dma_wait3A_55, %dma_wait3A_56] : memref<128x128xf32, #tpu.memory_space<vmem>> -> memref<128x128xf32, #tpu.memory_space<vmem>>
      %dma_wait3A_58 = arith.constant 0 : i32
      %dma_wait3A_59 = tpu.memref_slice %arg8[%add3A_35, %dma_wait3A_58] : memref<10112x128xf32, #tpu.memory_space<vmem_shared>> -> memref<128x128xf32, #tpu.memory_space<vmem_shared>>
      tpu.wait_dma2 semaphore(%run_scoped3A : memref<!tpu.dma_semaphore, #tpu.memory_space<semaphore_mem>>) src(%dma_wait3A_59 : memref<128x128xf32, #tpu.memory_space<vmem_shared>>) dst(%dma_wait3A_57 : memref<128x128xf32, #tpu.memory_space<vmem>>)
      tpu.yield
    }) : () -> ()
    %add3A_36 = arith.constant 384 : i32
    %add3A_37 = arith.addi %add3A_21, %add3A_36 : i32
    "tpu.region"() ({
      %run_scoped3A = tpu.sem_alloc : memref<!tpu.dma_semaphore, #tpu.memory_space<semaphore_mem>>
      %dma_start3A = arith.constant 0 : i32
      %dma_start3A_42 = arith.constant 0 : i32
      %dma_start3A_43 = tpu.memref_slice %arg7[%dma_start3A, %dma_start3A_42] : memref<128x128xf32, #tpu.memory_space<vmem>> -> memref<128x128xf32, #tpu.memory_space<vmem>>
      %dma_start3A_44 = arith.constant 0 : i32
      %dma_start3A_45 = tpu.memref_slice %arg5[%add3A_37, %dma_start3A_44] : memref<20224x128xf32, #tpu.memory_space<hbm>> -> memref<128x128xf32, #tpu.memory_space<hbm>>
      %dma_start3A_46 = arith.constant 0 : i32
      %dma_start3A_47 = tpu.memref_slice %arg5[%add3A_37, %dma_start3A_46] : memref<20224x128xf32, #tpu.memory_space<hbm>> -> memref<128x128xf32, #tpu.memory_space<hbm>>
      %dma_start3A_48 = arith.constant 0 : i32
      %dma_start3A_49 = arith.constant 0 : i32
      %dma_start3A_50 = tpu.memref_slice %arg7[%dma_start3A_48, %dma_start3A_49] : memref<128x128xf32, #tpu.memory_space<vmem>> -> memref<128x128xf32, #tpu.memory_space<vmem>>
      tpu.enqueue_dma source(%dma_start3A_50 : memref<128x128xf32, #tpu.memory_space<vmem>>) target(%dma_start3A_47 : memref<128x128xf32, #tpu.memory_space<hbm>>) target_semaphore(%run_scoped3A : memref<!tpu.dma_semaphore, #tpu.memory_space<semaphore_mem>>)
      %dma_wait3A = arith.constant 0 : i32
      %dma_wait3A_51 = arith.constant 0 : i32
      %dma_wait3A_52 = tpu.memref_slice %arg7[%dma_wait3A, %dma_wait3A_51] : memref<128x128xf32, #tpu.memory_space<vmem>> -> memref<128x128xf32, #tpu.memory_space<vmem>>
      %dma_wait3A_53 = arith.constant 0 : i32
      %dma_wait3A_54 = tpu.memref_slice %arg5[%add3A_37, %dma_wait3A_53] : memref<20224x128xf32, #tpu.memory_space<hbm>> -> memref<128x128xf32, #tpu.memory_space<hbm>>
      %dma_wait3A_55 = arith.constant 0 : i32
      %dma_wait3A_56 = tpu.memref_slice %arg5[%add3A_37, %dma_wait3A_55] : memref<20224x128xf32, #tpu.memory_space<hbm>> -> memref<128x128xf32, #tpu.memory_space<hbm>>
      %dma_wait3A_57 = arith.constant 0 : i32
      %dma_wait3A_58 = arith.constant 0 : i32
      %dma_wait3A_59 = tpu.memref_slice %arg7[%dma_wait3A_57, %dma_wait3A_58] : memref<128x128xf32, #tpu.memory_space<vmem>> -> memref<128x128xf32, #tpu.memory_space<vmem>>
      tpu.wait_dma2 semaphore(%run_scoped3A : memref<!tpu.dma_semaphore, #tpu.memory_space<semaphore_mem>>) src(%dma_wait3A_59 : memref<128x128xf32, #tpu.memory_space<vmem>>) dst(%dma_wait3A_56 : memref<128x128xf32, #tpu.memory_space<hbm>>)
      tpu.yield
    }) : () -> ()
    %add3A_38 = arith.constant 512 : i32
    %add3A_39 = arith.addi %mul3A_2, %add3A_38 : i32
    "tpu.region"() ({
      %run_scoped3A = tpu.sem_alloc : memref<!tpu.dma_semaphore, #tpu.memory_space<semaphore_mem>>
      %dma_start3A = arith.constant 0 : i32
      %dma_start3A_42 = arith.constant 0 : i32
      %dma_start3A_43 = tpu.memref_slice %arg7[%dma_start3A, %dma_start3A_42] : memref<128x128xf32, #tpu.memory_space<vmem>> -> memref<120x128xf32, #tpu.memory_space<vmem>>
      %dma_start3A_44 = arith.constant 0 : i32
      %dma_start3A_45 = tpu.memref_slice %arg8[%add3A_39, %dma_start3A_44] : memref<10112x128xf32, #tpu.memory_space<vmem_shared>> -> memref<120x128xf32, #tpu.memory_space<vmem_shared>>
      %dma_start3A_46 = arith.constant 0 : i32
      %dma_start3A_47 = arith.constant 0 : i32
      %dma_start3A_48 = tpu.memref_slice %arg7[%dma_start3A_46, %dma_start3A_47] : memref<128x128xf32, #tpu.memory_space<vmem>> -> memref<120x128xf32, #tpu.memory_space<vmem>>
      %dma_start3A_49 = arith.constant 0 : i32
      %dma_start3A_50 = tpu.memref_slice %arg8[%add3A_39, %dma_start3A_49] : memref<10112x128xf32, #tpu.memory_space<vmem_shared>> -> memref<120x128xf32, #tpu.memory_space<vmem_shared>>
      tpu.enqueue_dma source(%dma_start3A_50 : memref<120x128xf32, #tpu.memory_space<vmem_shared>>) target(%dma_start3A_48 : memref<120x128xf32, #tpu.memory_space<vmem>>) target_semaphore(%run_scoped3A : memref<!tpu.dma_semaphore, #tpu.memory_space<semaphore_mem>>)
      %dma_wait3A = arith.constant 0 : i32
      %dma_wait3A_51 = arith.constant 0 : i32
      %dma_wait3A_52 = tpu.memref_slice %arg7[%dma_wait3A, %dma_wait3A_51] : memref<128x128xf32, #tpu.memory_space<vmem>> -> memref<120x128xf32, #tpu.memory_space<vmem>>
      %dma_wait3A_53 = arith.constant 0 : i32
      %dma_wait3A_54 = tpu.memref_slice %arg8[%add3A_39, %dma_wait3A_53] : memref<10112x128xf32, #tpu.memory_space<vmem_shared>> -> memref<120x128xf32, #tpu.memory_space<vmem_shared>>
      %dma_wait3A_55 = arith.constant 0 : i32
      %dma_wait3A_56 = arith.constant 0 : i32
      %dma_wait3A_57 = tpu.memref_slice %arg7[%dma_wait3A_55, %dma_wait3A_56] : memref<128x128xf32, #tpu.memory_space<vmem>> -> memref<120x128xf32, #tpu.memory_space<vmem>>
      %dma_wait3A_58 = arith.constant 0 : i32
      %dma_wait3A_59 = tpu.memref_slice %arg8[%add3A_39, %dma_wait3A_58] : memref<10112x128xf32, #tpu.memory_space<vmem_shared>> -> memref<120x128xf32, #tpu.memory_space<vmem_shared>>
      tpu.wait_dma2 semaphore(%run_scoped3A : memref<!tpu.dma_semaphore, #tpu.memory_space<semaphore_mem>>) src(%dma_wait3A_59 : memref<120x128xf32, #tpu.memory_space<vmem_shared>>) dst(%dma_wait3A_57 : memref<120x128xf32, #tpu.memory_space<vmem>>)
      tpu.yield
    }) : () -> ()
    %add3A_40 = arith.constant 512 : i32
    %add3A_41 = arith.addi %add3A_21, %add3A_40 : i32
    "tpu.region"() ({
      %run_scoped3A = tpu.sem_alloc : memref<!tpu.dma_semaphore, #tpu.memory_space<semaphore_mem>>
      %dma_start3A = arith.constant 0 : i32
      %dma_start3A_42 = arith.constant 0 : i32
      %dma_start3A_43 = tpu.memref_slice %arg7[%dma_start3A, %dma_start3A_42] : memref<128x128xf32, #tpu.memory_space<vmem>> -> memref<120x128xf32, #tpu.memory_space<vmem>>
      %dma_start3A_44 = arith.constant 0 : i32
      %dma_start3A_45 = tpu.memref_slice %arg5[%add3A_41, %dma_start3A_44] : memref<20224x128xf32, #tpu.memory_space<hbm>> -> memref<120x128xf32, #tpu.memory_space<hbm>>
      %dma_start3A_46 = arith.constant 0 : i32
      %dma_start3A_47 = tpu.memref_slice %arg5[%add3A_41, %dma_start3A_46] : memref<20224x128xf32, #tpu.memory_space<hbm>> -> memref<120x128xf32, #tpu.memory_space<hbm>>
      %dma_start3A_48 = arith.constant 0 : i32
      %dma_start3A_49 = arith.constant 0 : i32
      %dma_start3A_50 = tpu.memref_slice %arg7[%dma_start3A_48, %dma_start3A_49] : memref<128x128xf32, #tpu.memory_space<vmem>> -> memref<120x128xf32, #tpu.memory_space<vmem>>
      tpu.enqueue_dma source(%dma_start3A_50 : memref<120x128xf32, #tpu.memory_space<vmem>>) target(%dma_start3A_47 : memref<120x128xf32, #tpu.memory_space<hbm>>) target_semaphore(%run_scoped3A : memref<!tpu.dma_semaphore, #tpu.memory_space<semaphore_mem>>)
      %dma_wait3A = arith.constant 0 : i32
      %dma_wait3A_51 = arith.constant 0 : i32
      %dma_wait3A_52 = tpu.memref_slice %arg7[%dma_wait3A, %dma_wait3A_51] : memref<128x128xf32, #tpu.memory_space<vmem>> -> memref<120x128xf32, #tpu.memory_space<vmem>>
      %dma_wait3A_53 = arith.constant 0 : i32
      %dma_wait3A_54 = tpu.memref_slice %arg5[%add3A_41, %dma_wait3A_53] : memref<20224x128xf32, #tpu.memory_space<hbm>> -> memref<120x128xf32, #tpu.memory_space<hbm>>
      %dma_wait3A_55 = arith.constant 0 : i32
      %dma_wait3A_56 = tpu.memref_slice %arg5[%add3A_41, %dma_wait3A_55] : memref<20224x128xf32, #tpu.memory_space<hbm>> -> memref<120x128xf32, #tpu.memory_space<hbm>>
      %dma_wait3A_57 = arith.constant 0 : i32
      %dma_wait3A_58 = arith.constant 0 : i32
      %dma_wait3A_59 = tpu.memref_slice %arg7[%dma_wait3A_57, %dma_wait3A_58] : memref<128x128xf32, #tpu.memory_space<vmem>> -> memref<120x128xf32, #tpu.memory_space<vmem>>
      tpu.wait_dma2 semaphore(%run_scoped3A : memref<!tpu.dma_semaphore, #tpu.memory_space<semaphore_mem>>) src(%dma_wait3A_59 : memref<120x128xf32, #tpu.memory_space<vmem>>) dst(%dma_wait3A_56 : memref<120x128xf32, #tpu.memory_space<hbm>>)
      tpu.yield
    }) : () -> ()
    return
  }
}

module attributes {stable_mosaic.version = 14 : i64} {
  func.func @_finalize_body(%arg0: i32, %arg1: memref<2000x128xf32, #tpu.memory_space<vmem>>, %arg2: memref<2x2000x128xf32, #tpu.memory_space<vmem>>, %arg3: memref<2x2000x128xf32, #tpu.memory_space<vmem>>, %arg4: memref<256x128xf32, #tpu.memory_space<vmem>>, %arg5: memref<1x128xf32, #tpu.memory_space<vmem>>, %arg6: memref<2000x128xf32, #tpu.memory_space<vmem>>) attributes {dimension_semantics = [#tpu.dimension_semantics<arbitrary>], iteration_bounds = array<i64: 5>, scalar_prefetch = 0 : i64, scratch_operands = 0 : i64, tpu.core_type = #tpu.core_type<tc>, window_params = [{transform_indices = @transform_0, window_bounds = array<i64: 2000, 128>}, {transform_indices = @transform_1, window_bounds = array<i64: 2, 2000, 128>}, {transform_indices = @transform_2, window_bounds = array<i64: 2, 2000, 128>}, {pipeline_mode = #tpu.pipeline_mode<synchronous>, transform_indices = @transform_3, window_bounds = array<i64: 256, 128>}, {pipeline_mode = #tpu.pipeline_mode<synchronous>, transform_indices = @transform_4, window_bounds = array<i64: 1, 128>}, {transform_indices = @transform_5, window_bounds = array<i64: 2000, 128>}]} {
    %get3A = arith.constant 0 : index
    %get3A_0 = arith.constant 0 : index
    %get3A_1 = arith.constant 0 : index
    %get3A_2 = vector.load %arg2[%get3A, %get3A_0, %get3A_1] : memref<2x2000x128xf32, #tpu.memory_space<vmem>>, vector<1x2000x128xf32>
    %get3A_3 = vector.shape_cast %get3A_2 : vector<1x2000x128xf32> to vector<2000x128xf32>
    %get3A_4 = arith.constant 1 : index
    %get3A_5 = arith.constant 0 : index
    %get3A_6 = arith.constant 0 : index
    %get3A_7 = vector.load %arg2[%get3A_4, %get3A_5, %get3A_6] : memref<2x2000x128xf32, #tpu.memory_space<vmem>>, vector<1x2000x128xf32>
    %get3A_8 = vector.shape_cast %get3A_7 : vector<1x2000x128xf32> to vector<2000x128xf32>
    %add3A = arith.addf %get3A_3, %get3A_8 : vector<2000x128xf32>
    %get3A_9 = arith.constant 0 : index
    %get3A_10 = arith.constant 0 : index
    %get3A_11 = arith.constant 0 : index
    %get3A_12 = vector.load %arg3[%get3A_9, %get3A_10, %get3A_11] : memref<2x2000x128xf32, #tpu.memory_space<vmem>>, vector<1x2000x1xf32>
    %get3A_13 = vector.shape_cast %get3A_12 : vector<1x2000x1xf32> to vector<2000x1xf32>
    %get3A_14 = arith.constant 1 : index
    %get3A_15 = arith.constant 0 : index
    %get3A_16 = arith.constant 0 : index
    %get3A_17 = vector.load %arg3[%get3A_14, %get3A_15, %get3A_16] : memref<2x2000x128xf32, #tpu.memory_space<vmem>>, vector<1x2000x1xf32>
    %get3A_18 = vector.shape_cast %get3A_17 : vector<1x2000x1xf32> to vector<2000x1xf32>
    %add3A_19 = arith.addf %get3A_13, %get3A_18 : vector<2000x1xf32>
    %max3A = arith.constant 1.000000e+00 : f32
    %max3A_20 = vector.broadcast %max3A : f32 to vector<2000x1xf32>
    %max3A_21 = arith.maximumf %add3A_19, %max3A_20 : vector<2000x1xf32>
    %div3A = vector.broadcast %max3A_21 : vector<2000x1xf32> to vector<2000x128xf32>
    %div3A_22 = arith.divf %add3A, %div3A : vector<2000x128xf32>
    %get3A_23 = arith.constant 0 : index
    %get3A_24 = arith.constant 0 : index
    %get3A_25 = vector.load %arg1[%get3A_23, %get3A_24] : memref<2000x128xf32, #tpu.memory_space<vmem>>, vector<2000x128xf32>
    %get3A_26 = arith.constant 0 : index
    %get3A_27 = arith.constant 0 : index
    %get3A_28 = vector.load %arg4[%get3A_26, %get3A_27] : memref<256x128xf32, #tpu.memory_space<vmem>>, vector<128x128xf32>
    %dot_general3A = arith.constant dense<0.000000e+00> : vector<2000x128xf32>
    %dot_general3A_29 = tpu.matmul %get3A_25, %get3A_28, %dot_general3A {dimension_numbers = #tpu.dot_dimension_numbers<[1], [0], [0], [1], [0, 0, 1, 1], [], []>, transpose_lhs_hint = false} : vector<2000x128xf32>, vector<128x128xf32>, vector<2000x128xf32> -> vector<2000x128xf32>
    %get3A_30 = arith.constant 128 : index
    %get3A_31 = arith.constant 0 : index
    %get3A_32 = vector.load %arg4[%get3A_30, %get3A_31] : memref<256x128xf32, #tpu.memory_space<vmem>>, vector<128x128xf32>
    %dot_general3A_33 = arith.constant dense<0.000000e+00> : vector<2000x128xf32>
    %dot_general3A_34 = tpu.matmul %div3A_22, %get3A_32, %dot_general3A_33 {dimension_numbers = #tpu.dot_dimension_numbers<[1], [0], [0], [1], [0, 0, 1, 1], [], []>, transpose_lhs_hint = false} : vector<2000x128xf32>, vector<128x128xf32>, vector<2000x128xf32> -> vector<2000x128xf32>
    %add3A_35 = arith.addf %dot_general3A_29, %dot_general3A_34 : vector<2000x128xf32>
    %get3A_36 = arith.constant 0 : index
    %get3A_37 = arith.constant 0 : index
    %get3A_38 = vector.load %arg5[%get3A_36, %get3A_37] : memref<1x128xf32, #tpu.memory_space<vmem>>, vector<1x128xf32>
    %add3A_39 = vector.broadcast %get3A_38 : vector<1x128xf32> to vector<2000x128xf32>
    %add3A_40 = arith.addf %add3A_35, %add3A_39 : vector<2000x128xf32>
    %swap3A = arith.constant 0 : index
    %swap3A_41 = arith.constant 0 : index
    %swap3A_42 = vector.load %arg6[%swap3A, %swap3A_41] : memref<2000x128xf32, #tpu.memory_space<vmem>>, vector<2000x128xf32>
    tpu.vector_store %arg6[%swap3A, %swap3A_41], %add3A_40 {strides = array<i32>} : memref<2000x128xf32, #tpu.memory_space<vmem>>, vector<2000x128xf32>,
    return
  }
  func.func @transform_0(%arg0: i32) -> (i32, i32) {
    %c0_i32 = arith.constant 0 : i32
    %c0_i32_0 = arith.constant 0 : i32
    return %arg0, %c0_i32 : i32, i32
  }
  func.func @transform_1(%arg0: i32) -> (i32, i32, i32) {
    %c0_i32 = arith.constant 0 : i32
    %c0_i32_0 = arith.constant 0 : i32
    %c0_i32_1 = arith.constant 0 : i32
    return %c0_i32, %arg0, %c0_i32_0 : i32, i32, i32
  }
  func.func @transform_2(%arg0: i32) -> (i32, i32, i32) {
    %c0_i32 = arith.constant 0 : i32
    %c0_i32_0 = arith.constant 0 : i32
    %c0_i32_1 = arith.constant 0 : i32
    return %c0_i32, %arg0, %c0_i32_0 : i32, i32, i32
  }
  func.func @transform_3(%arg0: i32) -> (i32, i32) {
    %c0_i32 = arith.constant 0 : i32
    %c0_i32_0 = arith.constant 0 : i32
    %c0_i32_1 = arith.constant 0 : i32
    return %c0_i32, %c0_i32_0 : i32, i32
  }
  func.func @transform_4(%arg0: i32) -> (i32, i32) {
    %c0_i32 = arith.constant 0 : i32
    %c0_i32_0 = arith.constant 0 : i32
    %c0_i32_1 = arith.constant 0 : i32
    return %c0_i32, %c0_i32_0 : i32, i32
  }
  func.func @transform_5(%arg0: i32) -> (i32, i32) {
    %c0_i32 = arith.constant 0 : i32
    %c0_i32_0 = arith.constant 0 : i32
    return %arg0, %c0_i32 : i32, i32
  }
}

</mosaic_0001>

<sc_bundles>
// kernel: kernel.5.cloned.1.call-start
scs
__scs_entry_jumppad:
0x0: {  	(pc) =	sbr.rel $0x88, $3  }
0x1: {  	(tag) =	ssettag $0x0;
	lr =	simm.s32 $0x1  }
0x2: {  	[smem:$0x3F9D] =	sst lr;
	_ =	strace $0xD0000000  }
0x3: {  	_ = 	snop  }
0x4: {  	_ = 	snop  }
0x5: {  	_ = 	snop  }
0x6: {  	_ = 	snop  }
0x7: {  	_ = 	snop  }
__scs_overlays_trampoline_lowered:
0x8: {  	[smem:$0x3FAC] =	sst s0  }
0x9: {  	[smem:$0x3FAD] =	sst s1  }
0xa: {  	[smem:$0x3FAE] =	sst s2  }
0xb: {  	[smem:$0x3FAF] =	sst s3  }
0xc: {  	[smem:$0x3FB0] =	sst s4  }
0xd: {  	[smem:$0x3FB1] =	sst s5  }
0xe: {  	[smem:$0x3FB2] =	sst s6  }
0xf: {  	[smem:$0x3FB3] =	sst s7  }
0x10: {  	[smem:$0x3FB4] =	sst s8  }
0x11: {  	[smem:$0x3FB5] =	sst s9;
	s0 =	simm.s32 @!p0 $0x0  }
0x12: {  	s1 =	sld [smem:$0x3F9B];
	s0 =	simm.s32 @p0 $0x1  }
0x13: {  	[smem:$0x3FB6] =	sst s0;
	s0 =	simm.s32 @!p1 $0x0  }
0x14: {  	s2 =	sld [smem:$0x3F9A];
	s0 =	simm.s32 @p1 $0x1  }
0x15: {  	[smem:$0x3FB7] =	sst s0;
	s0 =	simm.s32 @!p2 $0x0  }
0x16: {  	s3 =	sld [smem:$0x3FDB];
	s0 =	simm.s32 @p2 $0x1  }
0x17: {  	s4 =	simm.s32 $0x1BF5;
	[smem:$0x3FB9] =	sst s0  }
0x18: {  	s0 =	sld [smem:$0x3F9C];
	_ =	swait.ge [sflag:s4], $0x0  }
0x19: {  	s7 =	sld [smem:$0x3F9D]  }
0x1a: {  	s8 =	sadd.s32 $0xFFFFE003, lr  }
0x1b: {  	s9 =	sadd.s32 $0xFFFFFEF7, lr;
	s5 =	simm.s32 $0xFFFFFFFF;
	p2 =	slt.u32 s8, $0xFFFFF086  }
0x1c: {  	p1 =	slt.u32 s9, $0xF7A;
	s5 =	simm.s32 @!p2 $0x0  }
0x1d: {  	s5 =	simm.s32 @p1 $0x1;
	p0 =	seq.s32 s7, s2  }
0x1e: {  	s7 =	smul.u32 @!p0 $0xF7A, s2;
	p2 =	seq.s32 @!p0 s5, $0x0  }
0x1f: {  	s9 =	smul.u32 $0xF7A, s1;
	s8 =	simm.s32 @!p0 $0x1BF5;
	p2 =	por !p2, p0  }
0x20: {  	[sflag:s8] =	ssyncset.s32 @!p0 $0xFFFFF086;
	s6 =	sadd.s32 @!p0 s3, s7;
	s7 =	simm.s32 @!p0 $0x108  }
0x21: {  	s3 =	sadd.s32 s3, s9;
	s6 =	sadd.s32 @!p0 $0x88, s6;
	s7 =	simm.s32 @p2 $0x1082  }
0x22: {  	[simem:s7], [sflag:s8] =	dma.local @!p0 [hbm:s6], $0xF7A  }
0x23: {  	s9 =	sor.u32 $0xD0000000, s2;
	s6 =	simm.s32 $0x108;
	_ =	swait.ge @!p0 [sflag:s8], $0x0  }
0x24: {  	s3 =	sadd.s32 $0x88, s3;
	s6 =	simm.s32 @!p1 $0x1082;
	[sflag:s4] =	ssyncset.s32 $0xFFFFF086  }
0x25: {  	[simem:s6], [sflag:s4] =	dma.local [hbm:s3], $0xF7A  }
0x26: {  	[smem:$0x3F9D] =	sst s1;
	(tag) =	ssettag s2;
	_ =	strace s9  }
0x27: {  	s1 =	sld [smem:$0x3FAD]  }
0x28: {  	s2 =	sld [smem:$0x3FAE]  }
0x29: {  	s4 =	sld [smem:$0x3FB0]  }
0x2a: {  	p0 =	seq.s32 s5, $0x0;
	s5 =	sld [smem:$0x3FB1]  }
0x2b: {  	s6 =	sld [smem:$0x3FB2]  }
0x2c: {  	s7 =	sld [smem:$0x3FB3]  }
0x2d: {  	s3 =	simm.s32 $0x108;
	s8 =	sld [smem:$0x3FB4]  }
0x2e: {  	s3 =	simm.s32 @!p0 $0x1082;
	s9 =	sld [smem:$0x3FB5]  }
0x2f: {  	lr =	sadd.s32 s0, s3;
	s0 =	sld [smem:$0x3FAC]  }
0x30: {  	s3 =	sld [smem:$0x3FAF]  }
0x31: {  	[smem:$0x3FB8] =	sst s10  }
0x32: {  	s10 =	sld [smem:$0x3FB6];
	_ =	sdelay $0x3  }
0x33: {  	p0 =	seq.s32 s10, $0x1;
	s10 =	sld [smem:$0x3FB8];
	_ =	sdelay $0x3  }
0x34: {  	[smem:$0x3FB8] =	sst s10  }
0x35: {  	s10 =	sld [smem:$0x3FB7];
	_ =	sdelay $0x3  }
0x36: {  	p1 =	seq.s32 s10, $0x1;
	s10 =	sld [smem:$0x3FB8];
	_ =	sdelay $0x3  }
0x37: {  	[smem:$0x3FB8] =	sst s10  }
0x38: {  	s10 =	sld [smem:$0x3FB9]  }
0x39: {  	_ = 	snop;
	(pc) =	sbr.ind lr, $3  }
0x3a: {  	_ = 	snop  }
0x3b: {  	_ = 	snop  }
0x3c: {  	p2 =	seq.s32 s10, $0x1;
	s10 =	sld [smem:$0x3FB8]  }
0x3d: {  	_ =	shalt  }
0x3e: {  	_ =	shalt  }
0x3f: {  	_ =	shalt  }
0x40: {  	_ =	shalt  }
0x41: {  	_ =	shalt  }
0x42: {  	_ =	shalt  }
0x43: {  	_ =	shalt  }
0x44: {  	_ =	shalt  }
0x45: {  	_ =	shalt  }
0x46: {  	_ =	shalt  }
0x47: {  	_ =	shalt  }
0x48: {  	_ =	shalt  }
0x49: {  	_ =	shalt  }
0x4a: {  	_ =	shalt  }
0x4b: {  	_ =	shalt  }
0x4c: {  	_ =	shalt  }
0x4d: {  	_ =	shalt  }
0x4e: {  	_ =	shalt  }
0x4f: {  	_ =	shalt  }
0x50: {  	_ =	shalt  }
0x51: {  	_ =	shalt  }
0x52: {  	_ =	shalt  }
0x53: {  	_ =	shalt  }
0x54: {  	_ =	shalt  }
0x55: {  	_ =	shalt  }
0x56: {  	_ =	shalt  }
0x57: {  	_ =	shalt  }
0x58: {  	_ =	shalt  }
0x59: {  	_ =	shalt  }
0x5a: {  	_ =	shalt  }
0x5b: {  	_ =	shalt  }
0x5c: {  	_ =	shalt  }
0x5d: {  	_ =	shalt  }
0x5e: {  	_ =	shalt  }
0x5f: {  	_ =	shalt  }
0x60: {  	_ =	shalt  }
0x61: {  	_ =	shalt  }
0x62: {  	_ =	shalt  }
0x63: {  	_ =	shalt  }
0x64: {  	_ =	shalt  }
0x65: {  	_ =	shalt  }
0x66: {  	_ =	shalt  }
0x67: {  	_ =	shalt  }
0x68: {  	_ =	shalt  }
0x69: {  	_ =	shalt  }
0x6a: {  	_ =	shalt  }
0x6b: {  	_ =	shalt  }
0x6c: {  	_ =	shalt  }
0x6d: {  	_ =	shalt  }
0x6e: {  	_ =	shalt  }
0x6f: {  	_ =	shalt  }
0x70: {  	_ =	shalt  }
0x71: {  	_ =	shalt  }
0x72: {  	_ =	shalt  }
0x73: {  	_ =	shalt  }
0x74: {  	_ =	shalt  }
0x75: {  	_ =	shalt  }
0x76: {  	_ =	shalt  }
0x77: {  	_ =	shalt  }
0x78: {  	_ =	shalt  }
0x79: {  	_ =	shalt  }
0x7a: {  	_ =	shalt  }
0x7b: {  	_ =	shalt  }
0x7c: {  	_ =	shalt  }
0x7d: {  	_ =	shalt  }
0x7e: {  	_ =	shalt  }
0x7f: {  	_ =	shalt  }
0x80: {  	_ =	shalt  }
0x81: {  	_ =	shalt  }
0x82: {  	_ =	shalt  }
0x83: {  	_ =	shalt  }
0x84: {  	_ =	shalt  }
0x85: {  	_ =	shalt  }
0x86: {  	_ =	shalt  }
0x87: {  	_ =	shalt  }
.Lfunc_end0:
.L_simem_size_0:
called_computation_lowered:
.L_overlay_start_0:
0x88: {  	s2 =	sld [smem:$0x3FD9]  }
0x89: {  	s3 =	sld [smem:$0x3FFE];
	_ =	sdelay $0x1  }
0x8a: {  	s1 =	srdreg.scid  }
0x8b: {  	s0 =	sand.u32 $0x1, s1  }
0x8c: {  	s17 =	sshll.u32 s0, $0xA;
	s2 =	sadd.s32 s3, s2  }
0x8d: {  	s2 =	sadd.s32 s2, s17  }
0x8e: {  	[smem:$0x3FC4] =	sst s2  }
0x8f: {  	_ = 	snop  }
0x90: {  	s2 =	sld [smem:$0x3FC9]  }
0x91: {  	s18 =	sld [smem:$0x3FD0];
	(tm) =	ssettm $0x1  }
0x92: {  	s4 =	sld [smem:$0x3FFB];
	_ =	sdelay $0x3  }
0x93: {  	_ =	strace s4  }
0x94: {  	s4 =	sld [smem:$0x3FFC];
	_ =	sdelay $0x3  }
0x95: {  	_ =	strace s4  }
0x96: {  	s4 =	sld [smem:$0x3FFD];
	_ =	sdelay $0x3  }
0x97: {  	_ =	strace s4  }
0x98: {  	_ =	strace $0x8FFFFFFF  }
0x99: {  	s19 =	sld [smem:$0x3FDB];
	_ =	sdelay $0x1  }
0x9a: {  	s5 =	simm.s32 $_scs_section_size  }
0x9b: {  	s6 =	simm.s32 $_size__tile_overlayer_lowered;
	s7 =	simm.s32 $_tile_overlayer_lowered  }
0x9c: {  	s22 =	simm.s32 $0x1BFF;
	s21 =	sshll.u32 s7, $0x1;
	s4 =	sadd.s32 s5, s19  }
0x9d: {  	s8 =	simm.s32 $0x0;
	s20 =	sshll.u32 s6, $0x1;
	s6 =	sadd.s32 s21, s4  }
0x9e: {  	[timem:s8], [sflag:s22] =	dma.local [hbm:s6], s20  }
0x9f: {  	_ =	swait.ge [sflag:s22], s20  }
0xa0: {  	s5 =	ssub.s32 $0x0, s20;
	[sflag:s22] =	ssyncset.done $0x0  }
0xa1: {  	[sflag:s22] =	ssyncadd.s32 s5;
	_ =	sdelay $0x1  }
0xa2: {  	s23 =	simm.s32 $0x1B8B  }
0xa3: {  	_ =	swait.ge [sflag:s23], $0x1  }
0xa4: {  	[sflag:s23] =	ssyncset.done $0x0  }
0xa5: {  	s25 =	simm.s32 $0x1B8E;
	s24 =	sld [smem:$0x3FFE];
	[sflag:s23] =	ssyncadd.s32 $0xFFFFFFFF  }
0xa6: {  	s26 =	simm.s32 $execute0_lowered;
	[smem:$0x3FD2] =	sst s25  }
0xa7: {  	s6 =	sshll.u32 s26, $0x1;
	_ =	strace $0x80000046;
	[dreg:$0x1] =	wrdreg $0xFFFFFFFF  }
0xa8: {  	s28 =	simm.s32 $_size_execute0_lowered;
	s4 =	sadd.s32 s4, s6;
	[dreg:$0x0] =	wrdreg $0x0  }
0xa9: {  	s6 =	sshll.u32 s28, $0x1;
	[dreg:$0x2] =	wrdreg s4  }
0xaa: {  	[dreg:$0x3] =	wrdreg s6  }
0xab: {  	[dreg:$0x4] =	wrdreg $0xC0  }
0xac: {  	_ =	task [dreg:s8], $0x5FFFF  }
0xad: {  	[dreg:$0x1] =	wrdreg $0xFFFFFFFF  }
0xae: {  	[dreg:$0x0] =	wrdreg $0x60  }
0xaf: {  	[dreg:$0x2] =	wrdreg s2  }
0xb0: {  	[dreg:$0x3] =	wrdreg s18  }
0xb1: {  	[dreg:$0x4] =	wrdreg s24  }
0xb2: {  	[dreg:$0x5] =	wrdreg $0x43000  }
0xb3: {  	[dreg:$0x6] =	wrdreg $0x9  }
0xb4: {  	_ =	task.clear_ibuf [dreg:s8], $0x7FFFF;
	_ =	strace $0x90000046  }
0xb5: {  	s29 =	simm.s32 $0x9;
	_ =	strace $0x80000048  }
0xb6: {  	_ =	swait.ge [sflag:s29], $0x1  }
0xb7: {  	[sflag:s29] =	ssyncadd.s32 $0xFFFFFFFF  }
0xb8: {  	_ =	strace $0x90000048  }
0xb9: {  	_ =	sfence  }
0xba: {  	s30 =	sld [smem:$0x0];
	_ =	sdelay $0x2  }
0xbb: {  	s31 =	sshll.u32 s1, $0xD;
	s1 =	sshrl.u32 s1, $0x2  }
0xbc: {  	s3 =	sand.u32 $0x4000, s31;
	s1 =	sadd.s32 s1, s30  }
0xbd: {  	s0 =	sor.u32 s3, s0;
	s1 =	sshll.u32 s1, $0x11  }
0xbe: {  	s0 =	sor.u32 s1, s0  }
0xbf: {  	s0 =	sadd.s32 $0x8F2B, s0  }
0xc0: {  	[sflag:s0] =	ssyncadd.remote.s32 $0x1  }
0xc1: {  	_ =	sfence.sel $0xFFFF  }
0xc2: {  	[dreg:$0x0] =	wrdreg $0xFFFFFFFF;
	(pc) =	sbr.abs _section_cstart, $3  }
0xc3: {  	[dreg:$0x1] =	wrdreg $0xFFFFFFFF  }
0xc4: {  	_ =	task.clear_ibuf [dreg:s8], $0x2FFFF;
	_ =	strace $0x9FFFFFFF  }
0xc5: {  	(tm) =	ssettm $0x7FFFFFFF  }
tec
execute0_lowered:
.L_overlay_start_1:
0x0: {  	(tag) =	ssettag $0x1  }
0x1: {  	s1 =	rddreg [dreg:$0x0]  }
0x2: {  	s0 =	rddreg [dreg:$0x1];
	s10 =	stileid.u32  }
0x3: {  	s2 =	rddreg [dreg:$0x2];
	s6 =	smul.u32 $0x278, s10  }
0x4: {  	s4 =	srdreg.scid;
	s15 =	smul.u32 $0x4F000, s10  }
0x5: {  	s3 =	rddreg [dreg:$0x3];
	s12 =	simm.s32 $0x106;
	s9 =	smul.u32 $0x36, s10  }
0x6: {  	s5 =	sand.u32 $0x1, s4;
	s4 =	simm.s32 $0x0;
	s10 =	smul.u32 $0x106, s10  }
0x7: {  	s8 =	sadd.s32 $0xAE00, s2;
	s7 =	smul.u32 $0x2780, s5;
	[smem:$0x7FF] =	sst s4  }
0x8: {  	s14 =	ssub.s32 $0x2, s5;
	p0 =	seq.s32 s5, $0x0;
	_ =	strace $0x80000047  }
0x9: {  	[dreg:$0x5] =	wrdreg s8;
	s16 =	sshrl.u32 s14, $0x1;
	s17 =	sshrl.u32 s15, $0x2  }
0xa: {  	s5 =	sadd.s32 $0x1060, s9;
	s12 =	simm.s32 @!p0 $0x36;
	s6 =	sadd.s32 s6, s7  }
0xb: {  	s11 =	ssub.s32 s14, s16;
	s20 =	sadd.s32 s17, s3;
	s18 =	sshrl.u32 s12, $0x1  }
0xc: {  	s5 =	smov.u32 @p0 s10;
	[dreg:$0x7] =	wrdreg s18;
	s30 =	smax.u32 s11, $0x1  }
0xd: {  	s5 =	sshll.u32 s5, $0x4;
	s11 =	sadd.s32 $0xC000, s20;
	[dreg:$0x12] =	wrdreg s30  }
0xe: {  	s6 =	sshll.u32 s6, $0x4;
	s0 =	sadd.s32 s0, s5;
	[dreg:$0x13] =	wrdreg s11  }
0xf: {  	s2 =	sadd.s32 s6, s2;
	s6 =	sadd.s32 $0x10000, s20;
	[dreg:$0x6] =	wrdreg s0  }
0x10: {  	s13 =	simm.s32 $0x1;
	s19 =	sadd.s32 $0xB200, s2;
	[dreg:$0x15] =	wrdreg s6  }
0x11: {  	s15 =	simm.s32 $0x100;
	s21 =	sadd.s32 $0xB600, s2;
	[dreg:$0x8] =	wrdreg s19  }
0x12: {  	s14 =	simm.s32 $0x40;
	s22 =	sadd.s32 $0xBA00, s2;
	[dreg:$0x9] =	wrdreg s21  }
0x13: {  	s16 =	simm.s32 $0x180;
	s23 =	sadd.s32 $0xBE00, s2;
	[dreg:$0xa] =	wrdreg s22  }
0x14: {  	s17 =	simm.s32 $0x2300;
	s24 =	sadd.s32 $0xC200, s2;
	[dreg:$0xb] =	wrdreg s23  }
0x15: {  	s7 =	sadd.s32 $0x2000, s20;
	s25 =	sadd.s32 $0xC600, s2;
	[dreg:$0xc] =	wrdreg s24  }
0x16: {  	s8 =	sadd.s32 $0x4000, s20;
	s26 =	sadd.s32 $0xCA00, s2;
	[dreg:$0xd] =	wrdreg s25  }
0x17: {  	s9 =	sadd.s32 $0x6000, s20;
	s28 =	sadd.s32 $0xCE00, s2;
	[dreg:$0xe] =	wrdreg s26  }
0x18: {  	s10 =	sadd.s32 $0x8000, s20;
	s29 =	sadd.s32 $0xD200, s2;
	[dreg:$0xf] =	wrdreg s28  }
0x19: {  	s18 =	simm.s32 $0x3;
	s2 =	sadd.s32 $0xD600, s2;
	[dreg:$0x10] =	wrdreg s29  }
0x1a: {  	s5 =	simm.s32 $0x300;
	s31 =	sadd.s32 $0x10, s0;
	[dreg:$0x11] =	wrdreg s2  }
0x1b: {  	s24 =	sadd.s32 $0xFFFFFFFE, s12;
	s25 =	sadd.s32 $0xFFFFFFFD, s12;
	s2 =	sadd.s32 $0xA000, s20  }
0x1c: {  	s21 =	sadd.s32 $0xE000, s20;
	s26 =	sadd.s32 $0x12000, s20;
	[dreg:$0x17] =	wrdreg s31  }
0x1d: {  	s22 =	sadd.s32 $0x30, s0;
	s12 =	simm.s32 $0x7;
	[dreg:$0x14] =	wrdreg s21  }
0x1e: {  	s19 =	simm.s32 $0x200;
	s23 =	simm.s32 $0x0;
	[dreg:$0x16] =	wrdreg s26  }
.LBB2_1:
0x1f: {  	s0 =	rddreg [dreg:$0x5]  }
0x20: {  	[tilespmem:s5], [sflag:$0x7] =	stream.linear.gather [hbm4b:s0+s4], $0x2000, $0x38;
	[tilespmem:$0x17F00] =	vst v63  }
0x21: {  	_ =	swait.ge [sflag:s12], $0x2000  }
0x22: {  	[sflag:s12] =	ssyncset.done $0x0  }
0x23: {  	[sflag:s12] =	ssyncadd.s32 $0xFFFFE000  }
0x24: {  	[spmem:s20] =	stream.linear.scatter [tilespmem:s5], [sflag:$0x7], $0x2000, $0x38;
	[tilespmem:$0x17F00] =	vst v63  }
0x25: {  	_ =	swait.ge [sflag:s12], $0x2000  }
0x26: {  	[sflag:s12] =	ssyncset.done $0x0  }
0x27: {  	[sflag:s12] =	ssyncadd.s32 $0xFFFFE000  }
0x28: {  	[spmem:s7] =	stream.linear.scatter [tilespmem:s5], [sflag:$0x7], $0x2000, $0x38;
	[tilespmem:$0x17F00] =	vst v63  }
0x29: {  	_ =	swait.ge [sflag:s12], $0x2000  }
0x2a: {  	[sflag:s12] =	ssyncset.done $0x0  }
0x2b: {  	[sflag:s12] =	ssyncadd.s32 $0xFFFFE000  }
0x2c: {  	[spmem:s8] =	stream.linear.scatter [tilespmem:s5], [sflag:$0x7], $0x2000, $0x38;
	[tilespmem:$0x17F00] =	vst v63  }
0x2d: {  	_ =	swait.ge [sflag:s12], $0x2000  }
0x2e: {  	[sflag:s12] =	ssyncset.done $0x0  }
0x2f: {  	[sflag:s12] =	ssyncadd.s32 $0xFFFFE000  }
0x30: {  	[spmem:s9] =	stream.linear.scatter [tilespmem:s5], [sflag:$0x7], $0x2000, $0x38;
	[tilespmem:$0x17F00] =	vst v63  }
0x31: {  	_ =	swait.ge [sflag:s12], $0x2000  }
0x32: {  	[sflag:s12] =	ssyncset.done $0x0  }
0x33: {  	[sflag:s12] =	ssyncadd.s32 $0xFFFFE000  }
0x34: {  	[spmem:s10] =	stream.linear.scatter [tilespmem:s5], [sflag:$0x7], $0x2000, $0x38;
	[tilespmem:$0x17F00] =	vst v63  }
0x35: {  	_ =	swait.ge [sflag:s12], $0x2000  }
0x36: {  	[sflag:s12] =	ssyncset.done $0x0  }
0x37: {  	[sflag:s12] =	ssyncadd.s32 $0xFFFFE000  }
0x38: {  	[spmem:s2] =	stream.linear.scatter [tilespmem:s5], [sflag:$0x7], $0x2000, $0x38;
	[tilespmem:$0x17F00] =	vst v63  }
0x39: {  	_ =	swait.ge [sflag:s12], $0x2000  }
0x3a: {  	[sflag:s12] =	ssyncset.done $0x0  }
0x3b: {  	[sflag:s12] =	ssyncadd.s32 $0xFFFFE000  }
0x3c: {  	[spmem:s11] =	stream.linear.scatter [tilespmem:s5], [sflag:$0x7], $0x2000, $0x38;
	[tilespmem:$0x17F00] =	vst v63  }
0x3d: {  	_ =	swait.ge [sflag:s12], $0x2000  }
0x3e: {  	[sflag:s12] =	ssyncset.done $0x0  }
0x3f: {  	[sflag:s12] =	ssyncadd.s32 $0xFFFFE000  }
0x40: {  	[spmem:s21] =	stream.linear.scatter [tilespmem:s5], [sflag:$0x7], $0x2000, $0x38;
	[tilespmem:$0x17F00] =	vst v63  }
0x41: {  	_ =	swait.ge [sflag:s12], $0x2000  }
0x42: {  	[sflag:s12] =	ssyncset.done $0x0  }
0x43: {  	s0 =	smov.u32 s6;
	[sflag:s12] =	ssyncadd.s32 $0xFFFFE000  }
0x44: {  	[spmem:s0] =	stream.linear.scatter [tilespmem:s5], [sflag:$0x7], $0x2000, $0x38;
	[tilespmem:$0x17F00] =	vst v63  }
0x45: {  	_ =	swait.ge [sflag:s12], $0x2000  }
0x46: {  	[sflag:s12] =	ssyncset.done $0x0  }
0x47: {  	s6 =	smov.u32 s20;
	s20 =	smov.u32 s26;
	[sflag:s12] =	ssyncadd.s32 $0xFFFFE000  }
0x48: {  	[spmem:s20] =	stream.linear.scatter [tilespmem:s5], [sflag:$0x7], $0x1C00, $0x38;
	[tilespmem:$0x17F00] =	vst v63  }
0x49: {  	_ =	swait.ge [sflag:s12], $0x1C00  }
0x4a: {  	[sflag:s12] =	ssyncset.done $0x0  }
0x4b: {  	[sflag:s12] =	ssyncadd.s32 $0xFFFFE400  }
0x4c: {  	[bflag:$0x0] =	sbarrier.arrive $0xFFFF  }
0x4d: {  	s30 =	smov.u32 s10;
	s10 =	rddreg [dreg:$0x6]  }
0x4e: {  	[tilespmem:s4], [sflag:$0x1] =	stream.linear.gather [hbm4b:s10+s4], $0x80, $0x38;
	[tilespmem:$0x17F00] =	vst v63  }
0x4f: {  	s20 =	simm.s32 $0x80;
	s11 =	rddreg [dreg:$0x17]  }
0x50: {  	[tilespmem:s20], [sflag:$0x2] =	stream.linear.gather [hbm4b:s11+s4], $0x80, $0x38;
	[tilespmem:$0x17F00] =	vst v63  }
0x51: {  	_ =	swait.ge [sflag:s13], $0x80  }
0x52: {  	p0 =	por $0x1, $0x1;
	[sflag:s13] =	ssyncset.done $0x0  }
0x53: {  	s0 =	simm.s32 @!p0 $0x5;
	[sflag:s13] =	ssyncadd.s32 $0xFFFFFF80  }
0x54: {  	_ =	swait.ge @!p0 [sflag:s0], $0x2000  }
0x55: {  	[sflag:s0] =	ssyncset.done @!p0 $0x0  }
0x56: {  	[sflag:s0] =	ssyncadd.s32 @!p0 $0xFFFFE000  }
0x57: {  	v0 =	vld [tilespmem:$0x70]  }
0x58: {  	v1 =	vld [tilespmem:$0x60]  }
0x59: {  	v2 =	vld [tilespmem:$0x30]  }
0x5a: {  	v3 =	vld [tilespmem:$0x50]  }
0x5b: {  	v4 =	vld [tilespmem:$0x20]  }
0x5c: {  	v5 =	vld [tilespmem:$0x0];
	[tilespmem:$0x230] =	vst v0  }
0x5d: {  	v0 =	vld [tilespmem:$0x10];
	[tilespmem:$0x220] =	vst v1  }
0x5e: {  	v1 =	vld [tilespmem:$0x40];
	[tilespmem:$0x130] =	vst v2  }
0x5f: {  	[tilespmem:$0x210] =	vst v3  }
0x60: {  	[tilespmem:$0x120] =	vst v4  }
0x61: {  	[tilespmem:$0x100] =	vst v5  }
0x62: {  	p1 =	sle.u32 s24, $0x0;
	[tilespmem:$0x110] =	vst v0  }
0x63: {  	s31 =	smov.u32 s2;
	s2 =	simm.s32 @!p1 $0x0;
	s0 =	sadd.s32 @!p1 $0xFFFFFFF0, s22;
	[tilespmem:$0x200] =	vst v1  }
0x64: {  	[tilespmem:s2], [sflag:$0x1] =	stream.linear.gather @!p1 [hbm4b:s0+s2], $0x80, $0x38;
	[tilespmem:$0x17F00] =	vst v63  }
0x65: {  	s0 =	simm.s32 @p0 $0x2  }
0x66: {  	[tilespmem:s5], [sflag:$0x3] =	stream.indirect.gather [hbm4b:s1+s14], $0x80, s15, s14, $0xb8;
	[tilespmem:$0x17F00] =	vst v63  }
0x67: {  	_ =	swait.ge @p0 [sflag:s0], $0x80  }
0x68: {  	[sflag:s0] =	ssyncset.done @p0 $0x0  }
0x69: {  	[sflag:s0] =	ssyncadd.s32 @p0 $0xFFFFFF80;
	s0 =	simm.s32 @!p0 $0x4  }
0x6a: {  	_ =	swait.ge @!p0 [sflag:s0], $0x2000  }
0x6b: {  	s11 =	simm.s32 @!p0 $0x2;
	s20 =	simm.s32 @!p0 $0x280;
	[sflag:s0] =	ssyncset.done @!p0 $0x0  }
0x6c: {  	s2 =	simm.s32 @!p0 $0x2300;
	[sflag:s0] =	ssyncadd.s32 @!p0 $0xFFFFE000;
	s0 =	simm.s32 @!p0 $0x40  }
0x6d: {  	[spmem:s3] =	stream.indirect.scatter.add.f32 @!p0 [tilespmem:s2], [sflag:$0x6], $0x80, s20, s0, $0xb8;
	[tilespmem:$0x17F00] =	vst v63  }
0x6e: {  	_ =	swait.ge @!p0 [sflag:s11], $0x80  }
0x6f: {  	[sflag:s11] =	ssyncset.done @!p0 $0x0  }
0x70: {  	s0 =	simm.s32 @!p0 $0x6;
	[sflag:s11] =	ssyncadd.s32 @!p0 $0xFFFFFF80  }
0x71: {  	_ =	swait.ge @!p0 [sflag:s0], $0x2000  }
0x72: {  	s21 =	rddreg [dreg:$0x7]  }
0x73: {  	[sflag:s0] =	ssyncset.done @!p0 $0x0;
	s20 =	sadd.s32 $0xFFFFFFFF, s21  }
0x74: {  	[sflag:s0] =	ssyncadd.s32 @!p0 $0xFFFFE000;
	p0 =	sne.s32 s20, $0x0  }
.Ltmp0:
0x75: {  	v4 =	vld [tilespmem:$0x80];
	(pc) =	sbr.rel @!p0 .LBB2_3-.Ltmp0, $4  }
0x76: {  	v1 =	vld [tilespmem:$0xE0]  }
0x77: {  	s28 =	smov.u32 s8;
	v0 =	vld [tilespmem:$0xF0]  }
0x78: {  	s29 =	smov.u32 s9;
	s26 =	smov.u32 s7;
	s2 =	smov.u32 s22;
	v2 =	vld [tilespmem:$0xB0]  }
0x79: {  	s11 =	simm.s32 $0x0;
	s21 =	simm.s32 $0x0;
	s0 =	smov.u32 s22;
	v3 =	vld [tilespmem:$0x90]  }
.LBB2_2:
0x7a: {  	s20 =	sadd.s32 $0xFFFFFFFF, s20;
	[tilespmem:$0x180] =	vst v4;
	v4 =	vld [tilespmem:$0xD0];
	s21 =	sadd.s32 $0x2, s21;
	s2 =	sadd.s32 $0x20, s2  }
0x7b: {  	p0 =	sne.s32 s20, $0x0;
	v5 =	vld [tilespmem:$0xC0];
	[tilespmem:$0x2A0] =	vst v1  }
0x7c: {  	v1 =	vld [tilespmem:$0xA0];
	[tilespmem:$0x2B0] =	vst v0  }
0x7d: {  	[tilespmem:$0x1B0] =	vst v2  }
0x7e: {  	[tilespmem:$0x190] =	vst v3  }
0x7f: {  	p1 =	sge.u32 s11, s25;
	s11 =	smov.u32 s21;
	[tilespmem:$0x290] =	vst v4  }
0x80: {  	s7 =	simm.s32 @!p1 $0x0;
	s8 =	simm.s32 @!p1 $0x80;
	[tilespmem:$0x280] =	vst v5  }
0x81: {  	[tilespmem:$0x1A0] =	vst v1  }
0x82: {  	[tilespmem:s8], [sflag:$0x2] =	stream.linear.gather @!p1 [hbm4b:s0+s7], $0x80, $0x38;
	[tilespmem:$0x17F00] =	vst v63  }
0x83: {  	s0 =	smov.u32 s2  }
0x84: {  	[tilespmem:s17], [sflag:$0x4] =	stream.indirect.gather [hbm4b:s1+s14], $0x80, s16, s14, $0xb8;
	[tilespmem:$0x17F00] =	vst v63  }
0x85: {  	_ =	swait.ge [sflag:s18], $0x2000  }
0x86: {  	[sflag:s18] =	ssyncset.done $0x0  }
0x87: {  	[sflag:s18] =	ssyncadd.s32 $0xFFFFE000  }
0x88: {  	[spmem:s3] =	stream.indirect.scatter.add.f32 [tilespmem:s5], [sflag:$0x5], $0x80, s19, s14, $0xb8;
	[tilespmem:$0x17F00] =	vst v63  }
0x89: {  	_ =	swait.ge [sflag:s13], $0x80  }
0x8a: {  	p1 =	seq.s32 s21, $0x0;
	[sflag:s13] =	ssyncset.done $0x0  }
0x8b: {  	s7 =	simm.s32 @!p1 $0x5;
	[sflag:s13] =	ssyncadd.s32 $0xFFFFFF80  }
0x8c: {  	_ =	swait.ge @!p1 [sflag:s7], $0x2000  }
0x8d: {  	[sflag:s7] =	ssyncset.done @!p1 $0x0  }
0x8e: {  	[sflag:s7] =	ssyncadd.s32 @!p1 $0xFFFFE000  }
0x8f: {  	v0 =	vld [tilespmem:$0x70]  }
0x90: {  	v1 =	vld [tilespmem:$0x60]  }
0x91: {  	v2 =	vld [tilespmem:$0x30]  }
0x92: {  	v3 =	vld [tilespmem:$0x50]  }
0x93: {  	v4 =	vld [tilespmem:$0x20]  }
0x94: {  	v5 =	vld [tilespmem:$0x0];
	[tilespmem:$0x230] =	vst v0  }
0x95: {  	v0 =	vld [tilespmem:$0x10];
	[tilespmem:$0x220] =	vst v1  }
0x96: {  	v1 =	vld [tilespmem:$0x40];
	[tilespmem:$0x130] =	vst v2  }
0x97: {  	[tilespmem:$0x210] =	vst v3  }
0x98: {  	[tilespmem:$0x120] =	vst v4  }
0x99: {  	[tilespmem:$0x100] =	vst v5  }
0x9a: {  	p2 =	sge.u32 s21, s24;
	[tilespmem:$0x110] =	vst v0  }
0x9b: {  	s8 =	simm.s32 @!p2 $0x0;
	s7 =	sadd.s32 @!p2 $0xFFFFFFF0, s2;
	[tilespmem:$0x200] =	vst v1  }
0x9c: {  	[tilespmem:s8], [sflag:$0x1] =	stream.linear.gather @!p2 [hbm4b:s7+s8], $0x80, $0x38;
	[tilespmem:$0x17F00] =	vst v63  }
0x9d: {  	s7 =	simm.s32 @p1 $0x2  }
0x9e: {  	[tilespmem:s5], [sflag:$0x3] =	stream.indirect.gather [hbm4b:s1+s14], $0x80, s15, s14, $0xb8;
	[tilespmem:$0x17F00] =	vst v63  }
0x9f: {  	_ =	swait.ge @p1 [sflag:s7], $0x80  }
0xa0: {  	[sflag:s7] =	ssyncset.done @p1 $0x0  }
0xa1: {  	[sflag:s7] =	ssyncadd.s32 @p1 $0xFFFFFF80;
	s7 =	simm.s32 @!p1 $0x4  }
0xa2: {  	_ =	swait.ge @!p1 [sflag:s7], $0x2000  }
0xa3: {  	s9 =	simm.s32 @!p1 $0x2;
	s8 =	simm.s32 @!p1 $0x2300;
	[sflag:s7] =	ssyncset.done @!p1 $0x0  }
0xa4: {  	s10 =	simm.s32 @!p1 $0x280;
	[sflag:s7] =	ssyncadd.s32 @!p1 $0xFFFFE000;
	s7 =	simm.s32 @!p1 $0x40  }
0xa5: {  	[spmem:s3] =	stream.indirect.scatter.add.f32 @!p1 [tilespmem:s8], [sflag:$0x6], $0x80, s10, s7, $0xb8;
	[tilespmem:$0x17F00] =	vst v63  }
0xa6: {  	_ =	swait.ge @!p1 [sflag:s9], $0x80  }
0xa7: {  	[sflag:s9] =	ssyncset.done @!p1 $0x0  }
0xa8: {  	s7 =	simm.s32 @!p1 $0x6;
	[sflag:s9] =	ssyncadd.s32 @!p1 $0xFFFFFF80  }
0xa9: {  	_ =	swait.ge @!p1 [sflag:s7], $0x2000  }
0xaa: {  	[sflag:s7] =	ssyncset.done @!p1 $0x0  }
0xab: {  	[sflag:s7] =	ssyncadd.s32 @!p1 $0xFFFFE000  }
.Ltmp1:
0xac: {  	v4 =	vld [tilespmem:$0x80];
	(pc) =	sbr.rel @p0 .LBB2_2-.Ltmp1, $4  }
0xad: {  	v1 =	vld [tilespmem:$0xE0]  }
0xae: {  	v0 =	vld [tilespmem:$0xF0]  }
0xaf: {  	v2 =	vld [tilespmem:$0xB0]  }
0xb0: {  	v3 =	vld [tilespmem:$0x90]  }
.LBB2_3:
0xb1: {  	[tilespmem:$0x180] =	vst v4;
	v62 =	vld [tilespmem:$0xD0]  }
0xb2: {  	v5 =	vld [tilespmem:$0xC0];
	[tilespmem:$0x2A0] =	vst v1  }
0xb3: {  	v63 =	vld [tilespmem:$0xA0];
	[tilespmem:$0x2B0] =	vst v0  }
0xb4: {  	[tilespmem:$0x1B0] =	vst v2  }
0xb5: {  	[tilespmem:$0x190] =	vst v3  }
0xb6: {  	[tilespmem:$0x290] =	vst v62  }
0xb7: {  	p0 =	sge.u32 s11, s25;
	[tilespmem:$0x280] =	vst v5  }
0xb8: {  	s2 =	simm.s32 @!p0 $0x0;
	s7 =	simm.s32 @!p0 $0x80;
	[tilespmem:$0x1A0] =	vst v63  }
0xb9: {  	[tilespmem:s7], [sflag:$0x2] =	stream.linear.gather @!p0 [hbm4b:s0+s2], $0x80, $0x38;
	[tilespmem:$0x17F00] =	vst v63  }
0xba: {  	_ = 	snop  }
0xbb: {  	[tilespmem:s17], [sflag:$0x4] =	stream.indirect.gather [hbm4b:s1+s14], $0x80, s16, s14, $0xb8;
	[tilespmem:$0x17F00] =	vst v63  }
0xbc: {  	_ =	swait.ge [sflag:s18], $0x2000  }
0xbd: {  	[sflag:s18] =	ssyncset.done $0x0  }
0xbe: {  	s11 =	simm.s32 $0x4;
	[sflag:s18] =	ssyncadd.s32 $0xFFFFE000  }
0xbf: {  	[spmem:s3] =	stream.indirect.scatter.add.f32 [tilespmem:s5], [sflag:$0x5], $0x80, s19, s14, $0xb8;
	[tilespmem:$0x17F00] =	vst v63  }
0xc0: {  	_ =	swait.ge [sflag:s11], $0x2000  }
0xc1: {  	[sflag:s11] =	ssyncset.done $0x0  }
0xc2: {  	s20 =	simm.s32 $0x280;
	s21 =	simm.s32 $0x5;
	[sflag:s11] =	ssyncadd.s32 $0xFFFFE000  }
0xc3: {  	[spmem:s3] =	stream.indirect.scatter.add.f32 [tilespmem:s17], [sflag:$0x6], $0x80, s20, s14, $0xb8;
	[tilespmem:$0x17F00] =	vst v63  }
0xc4: {  	_ =	swait.ge [sflag:s21], $0x2000  }
0xc5: {  	[sflag:s21] =	ssyncset.done $0x0  }
0xc6: {  	s2 =	simm.s32 $0x6;
	[sflag:s21] =	ssyncadd.s32 $0xFFFFE000  }
0xc7: {  	_ =	swait.ge [sflag:s2], $0x2000  }
0xc8: {  	[sflag:s2] =	ssyncset.done $0x0  }
0xc9: {  	[sflag:s2] =	ssyncadd.s32 $0xFFFFE000  }
0xca: {  	[bflag:$0x0] =	sbarrier.arrive $0xFFFF  }
0xcb: {  	[tilespmem:s5], [sflag:$0x7] =	stream.linear.gather [spmem:s6], $0x2000, $0x38;
	[tilespmem:$0x17F00] =	vst v63  }
0xcc: {  	_ =	swait.ge [sflag:s12], $0x2000  }
0xcd: {  	[sflag:s12] =	ssyncset.done $0x0  }
0xce: {  	s7 =	rddreg [dreg:$0x8];
	[sflag:s12] =	ssyncadd.s32 $0xFFFFE000  }
0xcf: {  	[hbm4b:s7+s4] =	stream.linear.scatter [tilespmem:s5], [sflag:$0x7], $0x2000, $0x38;
	[tilespmem:$0x17F00] =	vst v63  }
0xd0: {  	_ =	swait.ge [sflag:s12], $0x2000  }
0xd1: {  	[sflag:s12] =	ssyncset.done $0x0  }
0xd2: {  	[sflag:s12] =	ssyncadd.s32 $0xFFFFE000  }
0xd3: {  	[tilespmem:s17], [sflag:$0x7] =	stream.linear.gather [spmem:s26], $0x2000, $0x38;
	[tilespmem:$0x17F00] =	vst v63  }
0xd4: {  	_ =	swait.ge [sflag:s12], $0x2000  }
0xd5: {  	[sflag:s12] =	ssyncset.done $0x0  }
0xd6: {  	s8 =	rddreg [dreg:$0x9];
	[sflag:s12] =	ssyncadd.s32 $0xFFFFE000  }
0xd7: {  	[hbm4b:s8+s4] =	stream.linear.scatter [tilespmem:s17], [sflag:$0x7], $0x2000, $0x38;
	[tilespmem:$0x17F00] =	vst v63  }
0xd8: {  	_ =	swait.ge [sflag:s12], $0x2000  }
0xd9: {  	[sflag:s12] =	ssyncset.done $0x0  }
0xda: {  	[sflag:s12] =	ssyncadd.s32 $0xFFFFE000  }
0xdb: {  	[tilespmem:s5], [sflag:$0x7] =	stream.linear.gather [spmem:s28], $0x2000, $0x38;
	[tilespmem:$0x17F00] =	vst v63  }
0xdc: {  	_ =	swait.ge [sflag:s12], $0x2000  }
0xdd: {  	[sflag:s12] =	ssyncset.done $0x0  }
0xde: {  	s9 =	rddreg [dreg:$0xa];
	[sflag:s12] =	ssyncadd.s32 $0xFFFFE000  }
0xdf: {  	[hbm4b:s9+s4] =	stream.linear.scatter [tilespmem:s5], [sflag:$0x7], $0x2000, $0x38;
	[tilespmem:$0x17F00] =	vst v63  }
0xe0: {  	_ =	swait.ge [sflag:s12], $0x2000  }
0xe1: {  	[sflag:s12] =	ssyncset.done $0x0  }
0xe2: {  	[sflag:s12] =	ssyncadd.s32 $0xFFFFE000  }
0xe3: {  	[tilespmem:s17], [sflag:$0x7] =	stream.linear.gather [spmem:s29], $0x2000, $0x38;
	[tilespmem:$0x17F00] =	vst v63  }
0xe4: {  	_ =	swait.ge [sflag:s12], $0x2000  }
0xe5: {  	[sflag:s12] =	ssyncset.done $0x0  }
0xe6: {  	s10 =	rddreg [dreg:$0xb];
	[sflag:s12] =	ssyncadd.s32 $0xFFFFE000  }
0xe7: {  	[hbm4b:s10+s4] =	stream.linear.scatter [tilespmem:s17], [sflag:$0x7], $0x2000, $0x38;
	[tilespmem:$0x17F00] =	vst v63  }
0xe8: {  	_ =	swait.ge [sflag:s12], $0x2000  }
0xe9: {  	[sflag:s12] =	ssyncset.done $0x0  }
0xea: {  	[sflag:s12] =	ssyncadd.s32 $0xFFFFE000  }
0xeb: {  	[tilespmem:s5], [sflag:$0x7] =	stream.linear.gather [spmem:s30], $0x2000, $0x38;
	[tilespmem:$0x17F00] =	vst v63  }
0xec: {  	_ =	swait.ge [sflag:s12], $0x2000  }
0xed: {  	[sflag:s12] =	ssyncset.done $0x0  }
0xee: {  	s11 =	rddreg [dreg:$0xc];
	[sflag:s12] =	ssyncadd.s32 $0xFFFFE000  }
0xef: {  	[hbm4b:s11+s4] =	stream.linear.scatter [tilespmem:s5], [sflag:$0x7], $0x2000, $0x38;
	[tilespmem:$0x17F00] =	vst v63  }
0xf0: {  	_ =	swait.ge [sflag:s12], $0x2000  }
0xf1: {  	[sflag:s12] =	ssyncset.done $0x0  }
0xf2: {  	[sflag:s12] =	ssyncadd.s32 $0xFFFFE000  }
0xf3: {  	[tilespmem:s17], [sflag:$0x7] =	stream.linear.gather [spmem:s31], $0x2000, $0x38;
	[tilespmem:$0x17F00] =	vst v63  }
0xf4: {  	_ =	swait.ge [sflag:s12], $0x2000  }
0xf5: {  	[sflag:s12] =	ssyncset.done $0x0  }
0xf6: {  	s21 =	rddreg [dreg:$0xd];
	[sflag:s12] =	ssyncadd.s32 $0xFFFFE000  }
0xf7: {  	[hbm4b:s21+s4] =	stream.linear.scatter [tilespmem:s17], [sflag:$0x7], $0x2000, $0x38;
	[tilespmem:$0x17F00] =	vst v63  }
0xf8: {  	_ =	swait.ge [sflag:s12], $0x2000  }
0xf9: {  	[sflag:s12] =	ssyncset.done $0x0  }
0xfa: {  	s11 =	rddreg [dreg:$0x13];
	[sflag:s12] =	ssyncadd.s32 $0xFFFFE000  }
0xfb: {  	[tilespmem:s5], [sflag:$0x7] =	stream.linear.gather [spmem:s11], $0x2000, $0x38;
	[tilespmem:$0x17F00] =	vst v63  }
0xfc: {  	_ =	swait.ge [sflag:s12], $0x2000  }
0xfd: {  	[sflag:s12] =	ssyncset.done $0x0  }
0xfe: {  	s7 =	smov.u32 s26;
	s26 =	rddreg [dreg:$0xe];
	[sflag:s12] =	ssyncadd.s32 $0xFFFFE000  }
0xff: {  	[hbm4b:s26+s4] =	stream.linear.scatter [tilespmem:s5], [sflag:$0x7], $0x2000, $0x38;
	[tilespmem:$0x17F00] =	vst v63  }
0x100: {  	_ =	swait.ge [sflag:s12], $0x2000  }
0x101: {  	[sflag:s12] =	ssyncset.done $0x0  }
0x102: {  	s21 =	rddreg [dreg:$0x14];
	[sflag:s12] =	ssyncadd.s32 $0xFFFFE000  }
0x103: {  	[tilespmem:s17], [sflag:$0x7] =	stream.linear.gather [spmem:s21], $0x2000, $0x38;
	[tilespmem:$0x17F00] =	vst v63  }
0x104: {  	_ =	swait.ge [sflag:s12], $0x2000  }
0x105: {  	[sflag:s12] =	ssyncset.done $0x0  }
0x106: {  	s8 =	smov.u32 s28;
	s28 =	rddreg [dreg:$0xf];
	[sflag:s12] =	ssyncadd.s32 $0xFFFFE000  }
0x107: {  	[hbm4b:s28+s4] =	stream.linear.scatter [tilespmem:s17], [sflag:$0x7], $0x2000, $0x38;
	[tilespmem:$0x17F00] =	vst v63  }
0x108: {  	_ =	swait.ge [sflag:s12], $0x2000  }
0x109: {  	[sflag:s12] =	ssyncset.done $0x0  }
0x10a: {  	s20 =	smov.u32 s6;
	s6 =	rddreg [dreg:$0x15];
	[sflag:s12] =	ssyncadd.s32 $0xFFFFE000  }
0x10b: {  	[tilespmem:s5], [sflag:$0x7] =	stream.linear.gather [spmem:s6], $0x2000, $0x38;
	[tilespmem:$0x17F00] =	vst v63  }
0x10c: {  	_ =	swait.ge [sflag:s12], $0x2000  }
0x10d: {  	[sflag:s12] =	ssyncset.done $0x0  }
0x10e: {  	s9 =	smov.u32 s29;
	s29 =	rddreg [dreg:$0x10];
	[sflag:s12] =	ssyncadd.s32 $0xFFFFE000  }
0x10f: {  	[hbm4b:s29+s4] =	stream.linear.scatter [tilespmem:s5], [sflag:$0x7], $0x2000, $0x38;
	[tilespmem:$0x17F00] =	vst v63  }
0x110: {  	_ =	swait.ge [sflag:s12], $0x2000  }
0x111: {  	[sflag:s12] =	ssyncset.done $0x0  }
0x112: {  	s26 =	rddreg [dreg:$0x16];
	[sflag:s12] =	ssyncadd.s32 $0xFFFFE000  }
0x113: {  	[tilespmem:s17], [sflag:$0x7] =	stream.linear.gather [spmem:s26], $0x1C00, $0x38;
	[tilespmem:$0x17F00] =	vst v63  }
0x114: {  	_ =	swait.ge [sflag:s12], $0x1C00  }
0x115: {  	[sflag:s12] =	ssyncset.done $0x0  }
0x116: {  	s10 =	smov.u32 s30;
	s30 =	rddreg [dreg:$0x11];
	[sflag:s12] =	ssyncadd.s32 $0xFFFFE400  }
0x117: {  	[hbm4b:s30+s4] =	stream.linear.scatter [tilespmem:s17], [sflag:$0x7], $0x1C00, $0x38;
	[tilespmem:$0x17F00] =	vst v63  }
0x118: {  	_ =	swait.ge [sflag:s12], $0x1C00  }
0x119: {  	s23 =	sadd.s32 $0x1, s23;
	s2 =	smov.u32 s31;
	s31 =	rddreg [dreg:$0x12]  }
0x11a: {  	p0 =	sne.s32 s23, s31  }
.Ltmp2:
0x11b: {  	_ = 	snop;
	(pc) =	sbr.rel @p0 .LBB2_1-.Ltmp2, $3  }
0x11c: {  	_ =	sdelay $0x1  }
0x11d: {  	[sflag:s12] =	ssyncset.done $0x0  }
0x11e: {  	[sflag:s12] =	ssyncadd.s32 $0xFFFFE400  }
0x11f: {  	_ =	sfence.sel $0x180000  }
0x120: {  	[bflag:$0x0] =	sbarrier.arrive $0xFFFF  }
0x121: {  	_ =	strace $0x90000047  }
0x122: {  	s0 =	stileid.u32;
	[bflag:$0x2] =	sbarrier.arrive $0xFFFF  }
0x123: {  	p0 =	sne.s32 s0, $0x0;
	s0 =	rddreg [dreg:$0x4]  }
0x124: {  	s0 =	sadd.s32 @!p0 $0x100000, s0  }
0x125: {  	[sflag:s0] =	ssyncadd.tile.s32 @!p0 $0x1;
	_ =	shalt  }
.Lfunc_end2:
_tile_overlayer_lowered:
.L_overlay_start_2:
0x126: {  	(tag) =	ssettag $0x2  }
0x127: {  	s0 =	rddreg [dreg:$0x0];
	s2 =	stileid.u32  }
0x128: {  	s1 =	rddreg [dreg:$0x1];
	p0 =	sne.s32 s2, $0x0  }
0x129: {  	s3 =	rddreg [dreg:$0x2];
	[bflag:$0x3] =	sbarrier.arrive $0xFFFF;
	s2 =	simm.s32 @!p0 $0x1C07  }
0x12a: {  	[timem:s3], [sflag:s2] =	dma.local @!p0 [hbm:s0], s1  }
0x12b: {  	s0 =	simm.s32 @!p0 $0x7  }
0x12c: {  	_ =	swait.ge @!p0 [sflag:s0], s1  }
0x12d: {  	s1 =	ssub.s32 @!p0 $0x0, s1;
	[sflag:s0] =	ssyncset.done @!p0 $0x0  }
0x12e: {  	[sflag:s0] =	ssyncadd.s32 @!p0 s1  }
0x12f: {  	[bflag:$0x3] =	sbarrier.arrive $0xFFFF  }
0x130: {  	_ =	shalt  }

// kernel: kernel.8.cloned.1.call-start
scs
__scs_entry_jumppad:
0x0: {  	(pc) =	sbr.rel $0x88, $3  }
0x1: {  	(tag) =	ssettag $0x0;
	lr =	simm.s32 $0x1  }
0x2: {  	[smem:$0x3F9D] =	sst lr;
	_ =	strace $0xD0000000  }
0x3: {  	_ = 	snop  }
0x4: {  	_ = 	snop  }
0x5: {  	_ = 	snop  }
0x6: {  	_ = 	snop  }
0x7: {  	_ = 	snop  }
__scs_overlays_trampoline_lowered:
0x8: {  	[smem:$0x3FAC] =	sst s0  }
0x9: {  	[smem:$0x3FAD] =	sst s1  }
0xa: {  	[smem:$0x3FAE] =	sst s2  }
0xb: {  	[smem:$0x3FAF] =	sst s3  }
0xc: {  	[smem:$0x3FB0] =	sst s4  }
0xd: {  	[smem:$0x3FB1] =	sst s5  }
0xe: {  	[smem:$0x3FB2] =	sst s6  }
0xf: {  	[smem:$0x3FB3] =	sst s7  }
0x10: {  	[smem:$0x3FB4] =	sst s8  }
0x11: {  	[smem:$0x3FB5] =	sst s9;
	s0 =	simm.s32 @!p0 $0x0  }
0x12: {  	s1 =	sld [smem:$0x3F9B];
	s0 =	simm.s32 @p0 $0x1  }
0x13: {  	[smem:$0x3FB6] =	sst s0;
	s0 =	simm.s32 @!p1 $0x0  }
0x14: {  	s2 =	sld [smem:$0x3F9A];
	s0 =	simm.s32 @p1 $0x1  }
0x15: {  	[smem:$0x3FB7] =	sst s0;
	s0 =	simm.s32 @!p2 $0x0  }
0x16: {  	s3 =	sld [smem:$0x3FDB];
	s0 =	simm.s32 @p2 $0x1  }
0x17: {  	s4 =	simm.s32 $0x1BF5;
	[smem:$0x3FB9] =	sst s0  }
0x18: {  	s0 =	sld [smem:$0x3F9C];
	_ =	swait.ge [sflag:s4], $0x0  }
0x19: {  	s7 =	sld [smem:$0x3F9D]  }
0x1a: {  	s8 =	sadd.s32 $0xFFFFE003, lr  }
0x1b: {  	s9 =	sadd.s32 $0xFFFFFEF7, lr;
	s5 =	simm.s32 $0xFFFFFFFF;
	p2 =	slt.u32 s8, $0xFFFFF086  }
0x1c: {  	p1 =	slt.u32 s9, $0xF7A;
	s5 =	simm.s32 @!p2 $0x0  }
0x1d: {  	s5 =	simm.s32 @p1 $0x1;
	p0 =	seq.s32 s7, s2  }
0x1e: {  	s7 =	smul.u32 @!p0 $0xF7A, s2;
	p2 =	seq.s32 @!p0 s5, $0x0  }
0x1f: {  	s9 =	smul.u32 $0xF7A, s1;
	s8 =	simm.s32 @!p0 $0x1BF5;
	p2 =	por !p2, p0  }
0x20: {  	[sflag:s8] =	ssyncset.s32 @!p0 $0xFFFFF086;
	s6 =	sadd.s32 @!p0 s3, s7;
	s7 =	simm.s32 @!p0 $0x108  }
0x21: {  	s3 =	sadd.s32 s3, s9;
	s6 =	sadd.s32 @!p0 $0x88, s6;
	s7 =	simm.s32 @p2 $0x1082  }
0x22: {  	[simem:s7], [sflag:s8] =	dma.local @!p0 [hbm:s6], $0xF7A  }
0x23: {  	s9 =	sor.u32 $0xD0000000, s2;
	s6 =	simm.s32 $0x108;
	_ =	swait.ge @!p0 [sflag:s8], $0x0  }
0x24: {  	s3 =	sadd.s32 $0x88, s3;
	s6 =	simm.s32 @!p1 $0x1082;
	[sflag:s4] =	ssyncset.s32 $0xFFFFF086  }
0x25: {  	[simem:s6], [sflag:s4] =	dma.local [hbm:s3], $0xF7A  }
0x26: {  	[smem:$0x3F9D] =	sst s1;
	(tag) =	ssettag s2;
	_ =	strace s9  }
0x27: {  	s1 =	sld [smem:$0x3FAD]  }
0x28: {  	s2 =	sld [smem:$0x3FAE]  }
0x29: {  	s4 =	sld [smem:$0x3FB0]  }
0x2a: {  	p0 =	seq.s32 s5, $0x0;
	s5 =	sld [smem:$0x3FB1]  }
0x2b: {  	s6 =	sld [smem:$0x3FB2]  }
0x2c: {  	s7 =	sld [smem:$0x3FB3]  }
0x2d: {  	s3 =	simm.s32 $0x108;
	s8 =	sld [smem:$0x3FB4]  }
0x2e: {  	s3 =	simm.s32 @!p0 $0x1082;
	s9 =	sld [smem:$0x3FB5]  }
0x2f: {  	lr =	sadd.s32 s0, s3;
	s0 =	sld [smem:$0x3FAC]  }
0x30: {  	s3 =	sld [smem:$0x3FAF]  }
0x31: {  	[smem:$0x3FB8] =	sst s10  }
0x32: {  	s10 =	sld [smem:$0x3FB6];
	_ =	sdelay $0x3  }
0x33: {  	p0 =	seq.s32 s10, $0x1;
	s10 =	sld [smem:$0x3FB8];
	_ =	sdelay $0x3  }
0x34: {  	[smem:$0x3FB8] =	sst s10  }
0x35: {  	s10 =	sld [smem:$0x3FB7];
	_ =	sdelay $0x3  }
0x36: {  	p1 =	seq.s32 s10, $0x1;
	s10 =	sld [smem:$0x3FB8];
	_ =	sdelay $0x3  }
0x37: {  	[smem:$0x3FB8] =	sst s10  }
0x38: {  	s10 =	sld [smem:$0x3FB9]  }
0x39: {  	_ = 	snop;
	(pc) =	sbr.ind lr, $3  }
0x3a: {  	_ = 	snop  }
0x3b: {  	_ = 	snop  }
0x3c: {  	p2 =	seq.s32 s10, $0x1;
	s10 =	sld [smem:$0x3FB8]  }
0x3d: {  	_ =	shalt  }
0x3e: {  	_ =	shalt  }
0x3f: {  	_ =	shalt  }
0x40: {  	_ =	shalt  }
0x41: {  	_ =	shalt  }
0x42: {  	_ =	shalt  }
0x43: {  	_ =	shalt  }
0x44: {  	_ =	shalt  }
0x45: {  	_ =	shalt  }
0x46: {  	_ =	shalt  }
0x47: {  	_ =	shalt  }
0x48: {  	_ =	shalt  }
0x49: {  	_ =	shalt  }
0x4a: {  	_ =	shalt  }
0x4b: {  	_ =	shalt  }
0x4c: {  	_ =	shalt  }
0x4d: {  	_ =	shalt  }
0x4e: {  	_ =	shalt  }
0x4f: {  	_ =	shalt  }
0x50: {  	_ =	shalt  }
0x51: {  	_ =	shalt  }
0x52: {  	_ =	shalt  }
0x53: {  	_ =	shalt  }
0x54: {  	_ =	shalt  }
0x55: {  	_ =	shalt  }
0x56: {  	_ =	shalt  }
0x57: {  	_ =	shalt  }
0x58: {  	_ =	shalt  }
0x59: {  	_ =	shalt  }
0x5a: {  	_ =	shalt  }
0x5b: {  	_ =	shalt  }
0x5c: {  	_ =	shalt  }
0x5d: {  	_ =	shalt  }
0x5e: {  	_ =	shalt  }
0x5f: {  	_ =	shalt  }
0x60: {  	_ =	shalt  }
0x61: {  	_ =	shalt  }
0x62: {  	_ =	shalt  }
0x63: {  	_ =	shalt  }
0x64: {  	_ =	shalt  }
0x65: {  	_ =	shalt  }
0x66: {  	_ =	shalt  }
0x67: {  	_ =	shalt  }
0x68: {  	_ =	shalt  }
0x69: {  	_ =	shalt  }
0x6a: {  	_ =	shalt  }
0x6b: {  	_ =	shalt  }
0x6c: {  	_ =	shalt  }
0x6d: {  	_ =	shalt  }
0x6e: {  	_ =	shalt  }
0x6f: {  	_ =	shalt  }
0x70: {  	_ =	shalt  }
0x71: {  	_ =	shalt  }
0x72: {  	_ =	shalt  }
0x73: {  	_ =	shalt  }
0x74: {  	_ =	shalt  }
0x75: {  	_ =	shalt  }
0x76: {  	_ =	shalt  }
0x77: {  	_ =	shalt  }
0x78: {  	_ =	shalt  }
0x79: {  	_ =	shalt  }
0x7a: {  	_ =	shalt  }
0x7b: {  	_ =	shalt  }
0x7c: {  	_ =	shalt  }
0x7d: {  	_ =	shalt  }
0x7e: {  	_ =	shalt  }
0x7f: {  	_ =	shalt  }
0x80: {  	_ =	shalt  }
0x81: {  	_ =	shalt  }
0x82: {  	_ =	shalt  }
0x83: {  	_ =	shalt  }
0x84: {  	_ =	shalt  }
0x85: {  	_ =	shalt  }
0x86: {  	_ =	shalt  }
0x87: {  	_ =	shalt  }
.Lfunc_end0:
.L_simem_size_0:
called_computation.1_lowered:
.L_overlay_start_0:
0x88: {  	s2 =	sld [smem:$0x3FD9]  }
0x89: {  	s3 =	sld [smem:$0x3FFE];
	_ =	sdelay $0x1  }
0x8a: {  	s1 =	srdreg.scid  }
0x8b: {  	s0 =	sand.u32 $0x1, s1  }
0x8c: {  	s17 =	sshll.u32 s0, $0xA;
	s2 =	sadd.s32 s3, s2  }
0x8d: {  	s2 =	sadd.s32 s2, s17  }
0x8e: {  	[smem:$0x3FC4] =	sst s2  }
0x8f: {  	_ = 	snop  }
0x90: {  	(tm) =	ssettm $0x1  }
0x91: {  	s18 =	sld [smem:$0x3FFB];
	_ =	sdelay $0x3  }
0x92: {  	_ =	strace s18  }
0x93: {  	s2 =	sld [smem:$0x3FFC];
	_ =	sdelay $0x3  }
0x94: {  	_ =	strace s2  }
0x95: {  	s2 =	sld [smem:$0x3FFD];
	_ =	sdelay $0x3  }
0x96: {  	_ =	strace s2  }
0x97: {  	_ =	strace $0x8FFFFFFF  }
0x98: {  	s19 =	sld [smem:$0x3FDB];
	_ =	sdelay $0x1  }
0x99: {  	s20 =	simm.s32 $_scs_section_size  }
0x9a: {  	s4 =	simm.s32 $_size__tile_overlayer_lowered;
	s5 =	simm.s32 $_tile_overlayer_lowered  }
0x9b: {  	s6 =	simm.s32 $0x1BFF;
	s21 =	sshll.u32 s5, $0x1;
	s3 =	sadd.s32 s20, s19  }
0x9c: {  	s22 =	simm.s32 $0x0;
	s4 =	sshll.u32 s4, $0x1;
	s5 =	sadd.s32 s21, s3  }
0x9d: {  	[timem:s22], [sflag:s6] =	dma.local [hbm:s5], s4  }
0x9e: {  	_ =	swait.ge [sflag:s6], s4  }
0x9f: {  	s4 =	ssub.s32 $0x0, s4;
	[sflag:s6] =	ssyncset.done $0x0  }
0xa0: {  	[sflag:s6] =	ssyncadd.s32 s4;
	_ =	sdelay $0x1  }
0xa1: {  	s23 =	simm.s32 $0x1B8B  }
0xa2: {  	_ =	swait.ge [sflag:s23], $0x1  }
0xa3: {  	[sflag:s23] =	ssyncset.done $0x0  }
0xa4: {  	[sflag:s23] =	ssyncadd.s32 $0xFFFFFFFF  }
0xa5: {  	s4 =	sld [smem:$0x0]  }
0xa6: {  	s5 =	sand.u32 $0xFFFFFFFE, s1  }
0xa7: {  	p0 =	sne.s32 s1, s5  }
0xa8: {  	s5 =	sshll.u32 @p0 s5, $0xE  }
0xa9: {  	s5 =	sadd.s32 @p0 $0x11B8D, s5;
	s6 =	sshll.u32 @p0 s4, $0x11  }
0xaa: {  	s5 =	sor.u32 @p0 s6, s5  }
0xab: {  	[sflag:s5] =	ssyncadd.remote.s32 @p0 $0x1;
	_ =	sdelay $0x1  }
0xac: {  	s5 =	simm.s32 @p0 $0x1B8D  }
0xad: {  	_ =	swait.eq @p0 [sflag:s5], $0x1  }
0xae: {  	[sflag:s5] =	ssyncadd.s32 @p0 $0xFFFFFFFF  }
0xaf: {  	s6 =	sshll.u32 @!p0 s1, $0xE  }
0xb0: {  	s6 =	sor.u32 @!p0 $0x4000, s6;
	s5 =	simm.s32 @!p0 $0x1B8D  }
0xb1: {  	s4 =	sshll.u32 @!p0 s4, $0x11;
	s6 =	sadd.s32 @!p0 $0x11B8D, s6;
	_ =	swait.eq @!p0 [sflag:s5], $0x1  }
0xb2: {  	s4 =	sor.u32 @!p0 s4, s6;
	[sflag:s5] =	ssyncadd.s32 @!p0 $0xFFFFFFFF  }
0xb3: {  	s25 =	simm.s32 $0x1B8E;
	s24 =	sld [smem:$0x3FFE];
	[sflag:s4] =	ssyncadd.remote.s32 @!p0 $0x1  }
0xb4: {  	s26 =	simm.s32 $execute0_lowered;
	[smem:$0x3FD2] =	sst s25  }
0xb5: {  	s5 =	sshll.u32 s26, $0x1;
	_ =	strace $0x80000049;
	[dreg:$0x1] =	wrdreg $0xFFFFFFFF  }
0xb6: {  	s28 =	simm.s32 $_size_execute0_lowered;
	s3 =	sadd.s32 s3, s5;
	[dreg:$0x0] =	wrdreg $0x0  }
0xb7: {  	s5 =	sshll.u32 s28, $0x1;
	[dreg:$0x2] =	wrdreg s3  }
0xb8: {  	[dreg:$0x3] =	wrdreg s5  }
0xb9: {  	[dreg:$0x4] =	wrdreg $0xC0  }
0xba: {  	_ =	task [dreg:s22], $0x5FFFF  }
0xbb: {  	[dreg:$0x1] =	wrdreg $0xFFFFFFFF  }
0xbc: {  	[dreg:$0x0] =	wrdreg $0x60  }
0xbd: {  	[dreg:$0x2] =	wrdreg s24  }
0xbe: {  	[dreg:$0x3] =	wrdreg $0x40800  }
0xbf: {  	[dreg:$0x4] =	wrdreg $0xA  }
0xc0: {  	_ =	task.clear_ibuf [dreg:s22], $0x5FFFF;
	_ =	strace $0x90000049  }
0xc1: {  	s29 =	simm.s32 $0xA;
	_ =	strace $0x8000004B  }
0xc2: {  	_ =	swait.ge [sflag:s29], $0x1  }
0xc3: {  	[sflag:s29] =	ssyncadd.s32 $0xFFFFFFFF  }
0xc4: {  	_ =	strace $0x9000004B  }
0xc5: {  	_ =	sfence  }
0xc6: {  	s30 =	sld [smem:$0x0];
	_ =	sdelay $0x2  }
0xc7: {  	s31 =	sshll.u32 s1, $0xD;
	s1 =	sshrl.u32 s1, $0x2  }
0xc8: {  	s4 =	sand.u32 $0x4000, s31;
	s1 =	sadd.s32 s1, s30  }
0xc9: {  	s0 =	sor.u32 s4, s0;
	s1 =	sshll.u32 s1, $0x11  }
0xca: {  	s0 =	sor.u32 s1, s0  }
0xcb: {  	s0 =	sadd.s32 $0x8F2B, s0  }
0xcc: {  	[sflag:s0] =	ssyncadd.remote.s32 $0x1  }
0xcd: {  	_ =	sfence.sel $0xFFFF  }
0xce: {  	[dreg:$0x0] =	wrdreg $0xFFFFFFFF;
	(pc) =	sbr.abs _section_cstart, $3  }
0xcf: {  	[dreg:$0x1] =	wrdreg $0xFFFFFFFF  }
0xd0: {  	_ =	task.clear_ibuf [dreg:s22], $0x2FFFF;
	_ =	strace $0x9FFFFFFF  }
0xd1: {  	(tm) =	ssettm $0x7FFFFFFF  }
tec
execute0_lowered:
.L_overlay_start_1:
0x0: {  	(tag) =	ssettag $0x1  }
0x1: {  	s7 =	rddreg [dreg:$0x0];
	s1 =	stileid.u32  }
0x2: {  	s0 =	srdreg.scid;
	s8 =	smul.u32 $0x278, s1  }
0x3: {  	s2 =	rddreg [dreg:$0x1];
	s3 =	simm.s32 $0x0;
	s10 =	smul.u32 $0x4F000, s1  }
0x4: {  	s19 =	simm.s32 $0x1;
	s6 =	sand.u32 $0x1, s0;
	s18 =	smul.u32 $0x4F0, s1  }
0x5: {  	s20 =	simm.s32 $0x0;
	s0 =	rddreg [dreg:$0x2];
	s4 =	smul.u32 $0x4F00, s6  }
0x6: {  	[smem:$0x7FF] =	sst s3;
	s5 =	sadd.s32 $0x5A200, s7;
	s9 =	smul.u32 $0x2780, s6  }
0x7: {  	_ =	strace $0x8000004A;
	s29 =	ssub.s32 $0x2, s6;
	s30 =	sshrl.u32 s10, $0x2  }
0x8: {  	s31 =	sshrl.u32 s29, $0x1;
	s15 =	sadd.s32 s4, s7;
	s4 =	sadd.s32 $0x5AA00, s7  }
0x9: {  	s8 =	sadd.s32 s8, s9;
	s6 =	sadd.s32 s30, s2;
	s17 =	ssub.s32 s29, s31  }
0xa: {  	s8 =	sshll.u32 s8, $0x4;
	s9 =	sadd.s32 $0xC000, s6;
	s10 =	sadd.s32 $0x10000, s6  }
0xb: {  	s18 =	sadd.s32 s18, s15;
	s16 =	sadd.s32 s8, s7;
	s7 =	sadd.s32 $0x4000, s6  }
0xc: {  	s8 =	sadd.s32 $0x8000, s6;
	s11 =	sadd.s32 $0x5B200, s16;
	s12 =	sadd.s32 $0x5BA00, s16  }
0xd: {  	s13 =	sadd.s32 $0x5C200, s16;
	s14 =	sadd.s32 $0x5CA00, s16;
	s15 =	sadd.s32 $0x5D200, s16  }
0xe: {  	s16 =	smax.u32 s17, $0x1;
	s17 =	sadd.s32 $0x1000, s18;
	s18 =	simm.s32 $0x80  }
.LBB2_1:
0xf: {  	[tilespmem:s18], [sflag:$0x1] =	stream.linear.gather [hbm4b:s4+s3], $0x4000, $0x38;
	[tilespmem:$0x17C80] =	vst v63  }
0x10: {  	_ =	swait.ge [sflag:s19], $0x4000  }
0x11: {  	[sflag:s19] =	ssyncset.done $0x0  }
0x12: {  	[sflag:s19] =	ssyncadd.s32 $0xFFFFC000  }
0x13: {  	[spmem:s6] =	stream.linear.scatter [tilespmem:s18], [sflag:$0x1], $0x4000, $0x38;
	[tilespmem:$0x17C80] =	vst v63  }
0x14: {  	_ =	swait.ge [sflag:s19], $0x4000  }
0x15: {  	[sflag:s19] =	ssyncset.done $0x0  }
0x16: {  	[sflag:s19] =	ssyncadd.s32 $0xFFFFC000  }
0x17: {  	[spmem:s7] =	stream.linear.scatter [tilespmem:s18], [sflag:$0x1], $0x4000, $0x38;
	[tilespmem:$0x17C80] =	vst v63  }
0x18: {  	_ =	swait.ge [sflag:s19], $0x4000  }
0x19: {  	[sflag:s19] =	ssyncset.done $0x0  }
0x1a: {  	[sflag:s19] =	ssyncadd.s32 $0xFFFFC000  }
0x1b: {  	[spmem:s8] =	stream.linear.scatter [tilespmem:s18], [sflag:$0x1], $0x4000, $0x38;
	[tilespmem:$0x17C80] =	vst v63  }
0x1c: {  	_ =	swait.ge [sflag:s19], $0x4000  }
0x1d: {  	[sflag:s19] =	ssyncset.done $0x0  }
0x1e: {  	[sflag:s19] =	ssyncadd.s32 $0xFFFFC000  }
0x1f: {  	[spmem:s9] =	stream.linear.scatter [tilespmem:s18], [sflag:$0x1], $0x4000, $0x38;
	[tilespmem:$0x17C80] =	vst v63  }
0x20: {  	_ =	swait.ge [sflag:s19], $0x4000  }
0x21: {  	[sflag:s19] =	ssyncset.done $0x0  }
0x22: {  	[sflag:s19] =	ssyncadd.s32 $0xFFFFC000  }
0x23: {  	[spmem:s10] =	stream.linear.scatter [tilespmem:s18], [sflag:$0x1], $0x3C00, $0x38;
	[tilespmem:$0x17C80] =	vst v63  }
0x24: {  	_ =	swait.ge [sflag:s19], $0x3C00  }
0x25: {  	[sflag:s19] =	ssyncset.done $0x0  }
0x26: {  	[sflag:s19] =	ssyncadd.s32 $0xFFFFC400  }
0x27: {  	[tilespmem:s18], [sflag:$0x1] =	stream.linear.gather [hbm4b:s5+s3], $0x4000, $0x38;
	[tilespmem:$0x17C80] =	vst v63  }
0x28: {  	_ =	swait.ge [sflag:s19], $0x4000  }
0x29: {  	[sflag:s19] =	ssyncset.done $0x0  }
0x2a: {  	[sflag:s19] =	ssyncadd.s32 $0xFFFFC000  }
0x2b: {  	s21 =	sadd.s32 $0x0, s17;
	[bflag:$0x0] =	sbarrier.arrive $0xFFFF  }
0x2c: {  	[tilespmem:s3], [sflag:$0x1] =	stream.linear.gather [hbm4b:s21+s3], $0x80, $0x38;
	[tilespmem:$0x17C80] =	vst v63  }
0x2d: {  	_ =	swait.ge [sflag:s19], $0x80  }
0x2e: {  	[sflag:s19] =	ssyncset.done $0x0  }
0x2f: {  	[sflag:s19] =	ssyncadd.s32 $0xFFFFFF80  }
0x30: {  	[spmem:s2] =	stream.indirect.scatter.add.f32 [tilespmem:s18], [sflag:$0x1], $0x80, s3, s18, $0xb8;
	[tilespmem:$0x17C80] =	vst v63  }
0x31: {  	_ =	swait.ge [sflag:s19], $0x4000  }
0x32: {  	s22 =	simm.s32 $0x20;
	s21 =	simm.s32 $0x10;
	[sflag:s19] =	ssyncset.done $0x0  }
.LBB2_2:
0x33: {  	s23 =	sadd.s32 s21, s17  }
0x34: {  	[sflag:s19] =	ssyncadd.s32 $0xFFFFC000;
	s21 =	smov.u32 s22;
	s24 =	sadd.s32 $0x10, s22  }
0x35: {  	[tilespmem:s3], [sflag:$0x1] =	stream.linear.gather [hbm4b:s23+s3], $0x80, $0x38;
	[tilespmem:$0x17C80] =	vst v63  }
0x36: {  	p0 =	sne.s32 s22, $0x4E0;
	_ =	swait.ge [sflag:s19], $0x80  }
.Ltmp0:
0x37: {  	[sflag:s19] =	ssyncset.done $0x0;
	(pc) =	sbr.rel @p0 .LBB2_2-.Ltmp0, $4  }
0x38: {  	[sflag:s19] =	ssyncadd.s32 $0xFFFFFF80  }
0x39: {  	[spmem:s2] =	stream.indirect.scatter.add.f32 [tilespmem:s18], [sflag:$0x1], $0x80, s3, s18, $0xb8;
	[tilespmem:$0x17C80] =	vst v63  }
0x3a: {  	_ =	swait.ge [sflag:s19], $0x4000  }
0x3b: {  	s22 =	smov.u32 s24;
	[sflag:s19] =	ssyncset.done $0x0  }
0x3c: {  	s21 =	sadd.s32 s21, s17;
	[sflag:s19] =	ssyncadd.s32 $0xFFFFC000  }
0x3d: {  	[tilespmem:s3], [sflag:$0x1] =	stream.linear.gather [hbm4b:s21+s3], $0x80, $0x38;
	[tilespmem:$0x17C80] =	vst v63  }
0x3e: {  	_ =	swait.ge [sflag:s19], $0x80  }
0x3f: {  	[sflag:s19] =	ssyncset.done $0x0  }
0x40: {  	[sflag:s19] =	ssyncadd.s32 $0xFFFFFF80  }
0x41: {  	[spmem:s2] =	stream.indirect.scatter.add.f32 [tilespmem:s18], [sflag:$0x1], $0x80, s3, s18, $0xb8;
	[tilespmem:$0x17C80] =	vst v63  }
0x42: {  	_ =	swait.ge [sflag:s19], $0x4000  }
0x43: {  	[sflag:s19] =	ssyncset.done $0x0  }
0x44: {  	[sflag:s19] =	ssyncadd.s32 $0xFFFFC000  }
0x45: {  	[bflag:$0x0] =	sbarrier.arrive $0xFFFF  }
0x46: {  	[tilespmem:s18], [sflag:$0x1] =	stream.linear.gather [spmem:s6], $0x4000, $0x38;
	[tilespmem:$0x17C80] =	vst v63  }
0x47: {  	_ =	swait.ge [sflag:s19], $0x4000  }
0x48: {  	[sflag:s19] =	ssyncset.done $0x0  }
0x49: {  	[sflag:s19] =	ssyncadd.s32 $0xFFFFC000  }
0x4a: {  	[hbm4b:s11+s3] =	stream.linear.scatter [tilespmem:s18], [sflag:$0x1], $0x4000, $0x38;
	[tilespmem:$0x17C80] =	vst v63  }
0x4b: {  	_ =	swait.ge [sflag:s19], $0x4000  }
0x4c: {  	[sflag:s19] =	ssyncset.done $0x0  }
0x4d: {  	[sflag:s19] =	ssyncadd.s32 $0xFFFFC000  }
0x4e: {  	[tilespmem:s18], [sflag:$0x1] =	stream.linear.gather [spmem:s7], $0x4000, $0x38;
	[tilespmem:$0x17C80] =	vst v63  }
0x4f: {  	_ =	swait.ge [sflag:s19], $0x4000  }
0x50: {  	[sflag:s19] =	ssyncset.done $0x0  }
0x51: {  	[sflag:s19] =	ssyncadd.s32 $0xFFFFC000  }
0x52: {  	[hbm4b:s12+s3] =	stream.linear.scatter [tilespmem:s18], [sflag:$0x1], $0x4000, $0x38;
	[tilespmem:$0x17C80] =	vst v63  }
0x53: {  	_ =	swait.ge [sflag:s19], $0x4000  }
0x54: {  	[sflag:s19] =	ssyncset.done $0x0  }
0x55: {  	[sflag:s19] =	ssyncadd.s32 $0xFFFFC000  }
0x56: {  	[tilespmem:s18], [sflag:$0x1] =	stream.linear.gather [spmem:s8], $0x4000, $0x38;
	[tilespmem:$0x17C80] =	vst v63  }
0x57: {  	_ =	swait.ge [sflag:s19], $0x4000  }
0x58: {  	[sflag:s19] =	ssyncset.done $0x0  }
0x59: {  	[sflag:s19] =	ssyncadd.s32 $0xFFFFC000  }
0x5a: {  	[hbm4b:s13+s3] =	stream.linear.scatter [tilespmem:s18], [sflag:$0x1], $0x4000, $0x38;
	[tilespmem:$0x17C80] =	vst v63  }
0x5b: {  	_ =	swait.ge [sflag:s19], $0x4000  }
0x5c: {  	[sflag:s19] =	ssyncset.done $0x0  }
0x5d: {  	[sflag:s19] =	ssyncadd.s32 $0xFFFFC000  }
0x5e: {  	[tilespmem:s18], [sflag:$0x1] =	stream.linear.gather [spmem:s9], $0x4000, $0x38;
	[tilespmem:$0x17C80] =	vst v63  }
0x5f: {  	_ =	swait.ge [sflag:s19], $0x4000  }
0x60: {  	[sflag:s19] =	ssyncset.done $0x0  }
0x61: {  	[sflag:s19] =	ssyncadd.s32 $0xFFFFC000  }
0x62: {  	[hbm4b:s14+s3] =	stream.linear.scatter [tilespmem:s18], [sflag:$0x1], $0x4000, $0x38;
	[tilespmem:$0x17C80] =	vst v63  }
0x63: {  	_ =	swait.ge [sflag:s19], $0x4000  }
0x64: {  	[sflag:s19] =	ssyncset.done $0x0  }
0x65: {  	[sflag:s19] =	ssyncadd.s32 $0xFFFFC000  }
0x66: {  	[tilespmem:s18], [sflag:$0x1] =	stream.linear.gather [spmem:s10], $0x3C00, $0x38;
	[tilespmem:$0x17C80] =	vst v63  }
0x67: {  	s20 =	sadd.s32 $0x1, s20;
	_ =	swait.ge [sflag:s19], $0x3C00  }
0x68: {  	p0 =	sne.s32 s20, s16;
	[sflag:s19] =	ssyncset.done $0x0  }
.Ltmp1:
0x69: {  	[sflag:s19] =	ssyncadd.s32 $0xFFFFC400;
	(pc) =	sbr.rel @p0 .LBB2_1-.Ltmp1, $4  }
0x6a: {  	[hbm4b:s15+s3] =	stream.linear.scatter [tilespmem:s18], [sflag:$0x1], $0x3C00, $0x38;
	[tilespmem:$0x17C80] =	vst v63  }
0x6b: {  	_ =	swait.ge [sflag:s19], $0x3C00  }
0x6c: {  	[sflag:s19] =	ssyncset.done $0x0  }
0x6d: {  	[sflag:s19] =	ssyncadd.s32 $0xFFFFC400  }
0x6e: {  	_ =	sfence.sel $0x180000  }
0x6f: {  	[bflag:$0x0] =	sbarrier.arrive $0xFFFF  }
0x70: {  	p0 =	sne.s32 s1, $0x0;
	_ =	strace $0x9000004A  }
0x71: {  	s0 =	sadd.s32 @!p0 $0x100000, s0;
	[bflag:$0x2] =	sbarrier.arrive $0xFFFF  }
0x72: {  	[sflag:s0] =	ssyncadd.tile.s32 @!p0 $0x1;
	_ =	shalt  }
.Lfunc_end2:
_tile_overlayer_lowered:
.L_overlay_start_2:
0x73: {  	(tag) =	ssettag $0x2  }
0x74: {  	s0 =	rddreg [dreg:$0x0];
	s2 =	stileid.u32  }
0x75: {  	s1 =	rddreg [dreg:$0x1];
	p0 =	sne.s32 s2, $0x0  }
0x76: {  	s3 =	rddreg [dreg:$0x2];
	[bflag:$0x3] =	sbarrier.arrive $0xFFFF;
	s2 =	simm.s32 @!p0 $0x1C01  }
0x77: {  	[timem:s3], [sflag:s2] =	dma.local @!p0 [hbm:s0], s1  }
0x78: {  	s0 =	simm.s32 @!p0 $0x1  }
0x79: {  	_ =	swait.ge @!p0 [sflag:s0], s1  }
0x7a: {  	s1 =	ssub.s32 @!p0 $0x0, s1;
	[sflag:s0] =	ssyncset.done @!p0 $0x0  }
0x7b: {  	[sflag:s0] =	ssyncadd.s32 @!p0 s1  }
0x7c: {  	[bflag:$0x3] =	sbarrier.arrive $0xFFFF  }
0x7d: {  	_ =	shalt  }

</sc_bundles>
